<compile_context>
chip_gen: v7x
topology: tpu7x:2x2x1
jax: 0.10.2.dev20260603
libtpu: 0.0.44.dev20260713+nightly
codegen_flags: <defaults>
</compile_context>

<pallas_src>
import jax
import jax.numpy as jnp
from jax import lax
from jax.experimental import pallas as pl
from jax.experimental.pallas import tpu as pltpu
from jax.experimental.pallas import tpu_sc as plsc

N = 100000
E = 1600000
C_IN = 14
NC = 2
NS = 16
L = 16
CHUNK = 128
K_CH = 8
BLK = 2048
N_T = 100352
E_PAD = -(-E // (NC * NS * CHUNK * K_CH)) * (NC * NS * CHUNK * K_CH)
GRID = N_T // BLK


def _mesh():
    return plsc.VectorSubcoreMesh(
        core_axis_name="c", subcore_axis_name="s", num_cores=NC, num_subcores=NS
    )


_SC_PARAMS = pltpu.CompilerParams(use_tc_tiling_on_sc=False)


def _segsum(tab, srcp, dstp, zeros, feat_split):
    rpt = N_T // NS
    nch = (E_PAD // CHUNK) // NS if feat_split else (E_PAD // CHUNK) // (NC * NS)
    ngrp = nch // K_CH

    def body(tab_hbm, src_hbm, dst_hbm, z_hbm, out_hbm,
             idx_s, idx_d, rows, acc, sem_i, sem_g, sem_s):
        c = lax.axis_index("c")
        s = lax.axis_index("s")
        r0 = s * rpt
        pltpu.sync_copy(z_hbm.at[pl.ds(r0, rpt)], acc.at[pl.ds(r0, rpt)])
        plsc.subcore_barrier()
        cbase = s * nch if feat_split else (c * NS + s) * nch
        tab_off = c * N_T

        def group(g, carry):
            off = (cbase + g * K_CH) * CHUNK
            pltpu.sync_copy(src_hbm.at[pl.ds(off, K_CH * CHUNK)], idx_s)
            ids = [pltpu.async_copy(dst_hbm.at[pl.ds(off + j * CHUNK, CHUNK)],
                                    idx_d.at[j], sem_i) for j in range(K_CH)]
            if feat_split:
                for t in range(K_CH * CHUNK // L):
                    sl = pl.ds(t * L, L)
                    idx_s[sl] = idx_s[sl] + tab_off
            gds = [pltpu.async_copy(tab_hbm.at[idx_s.at[pl.ds(j * CHUNK, CHUNK)]],
                                    rows.at[j], sem_g) for j in range(K_CH)]
            for d in gds:
                d.wait()
            for d in ids:
                d.wait()
            sds = [pltpu.async_copy(rows.at[j], acc.at[idx_d.at[j]], sem_s, add=True)
                   for j in range(K_CH)]
            for d in sds:
                d.wait()
            return carry

        lax.fori_loop(0, ngrp, group, 0)
        plsc.subcore_barrier()
        pltpu.sync_copy(acc.at[pl.ds(r0, rpt)], out_hbm.at[pl.ds(c * N_T + r0, rpt)])

    return pl.kernel(
        body,
        out_type=jax.ShapeDtypeStruct((NC * N_T, L), jnp.float32),
        mesh=_mesh(),
        scratch_types=[
            pltpu.VMEM((K_CH * CHUNK,), jnp.int32),
            pltpu.VMEM((K_CH, CHUNK), jnp.int32),
            pltpu.VMEM((K_CH, CHUNK, L), jnp.float32),
            pltpu.VMEM_SHARED((N_T, L), jnp.float32),
            pltpu.SemaphoreType.DMA,
            pltpu.SemaphoreType.DMA,
            pltpu.SemaphoreType.DMA,
        ],
        compiler_params=_SC_PARAMS,
    )(tab, srcp, dstp, zeros)


def _dot(a, b):
    return jnp.dot(a, b, preferred_element_type=jnp.float32,
                   precision=lax.Precision.HIGHEST)


NW = N_T // 8
BLKW = NW // 8


def _bd(w16):
    return jnp.kron(jnp.eye(8, dtype=jnp.float32), w16)


def _dense0(s0w, xw, wlbd, wrbd):

    def body(p0_ref, p1_ref, x_ref, wl_ref, wr_ref, o_ref):
        agg = p0_ref[...] + p1_ref[...]
        o_ref[...] = jnp.maximum(
            _dot(agg, wl_ref[0]) + _dot(x_ref[...], wr_ref[0]), 0.0)

    return pl.pallas_call(
        body,
        grid=(NC, 8),
        in_specs=[
            pl.BlockSpec((BLKW, 128), lambda h, i: (i, 0)),
            pl.BlockSpec((BLKW, 128), lambda h, i: (8 + i, 0)),
            pl.BlockSpec((BLKW, 128), lambda h, i: (i, 0)),
            pl.BlockSpec((1, 128, 128), lambda h, i: (h, 0, 0)),
            pl.BlockSpec((1, 128, 128), lambda h, i: (h, 0, 0)),
        ],
        out_specs=pl.BlockSpec((BLKW, 128), lambda h, i: (h * 8 + i, 0)),
        out_shape=jax.ShapeDtypeStruct((NC * NW, 128), jnp.float32),
    )(s0w, s0w, xw, wlbd, wrbd)


def _dense1(s1w, h0w, wlabd, wlbbd, wrabd, wrbbd, fold, w11, b11, w12, b12):

    def body(a_ref, b_ref, ha_ref, hb_ref, wla_ref, wlb_ref, wra_ref, wrb_ref,
             f_ref, w11_ref, b11_ref, w12_ref, b12_ref, o_ref, acc_ref):
        h = pl.program_id(0)
        i = pl.program_id(1)
        h1 = jnp.maximum(
            _dot(a_ref[...], wla_ref[0]) + _dot(b_ref[...], wlb_ref[0])
            + _dot(ha_ref[...], wra_ref[0]) + _dot(hb_ref[...], wrb_ref[0]),
            0.0,
        )
        part = jnp.sum(h1, axis=0, keepdims=True)

        @pl.when(i == 0)
        def _():
            acc_ref[pl.ds(h, 1), :] = part

        @pl.when(i > 0)
        def _():
            acc_ref[pl.ds(h, 1), :] = acc_ref[pl.ds(h, 1), :] + part

        @pl.when((h == NC - 1) & (i == 7))
        def _():
            sa = _dot(acc_ref[0:1, :], f_ref[...])
            sb = _dot(acc_ref[1:2, :], f_ref[...])
            s32 = jnp.concatenate([sa, sb], axis=1)
            z = jnp.maximum(_dot(s32, w11_ref[...]) + b11_ref[...], 0.0)
            o_ref[...] = _dot(z, w12_ref[...]) + b12_ref[...]

    return pl.pallas_call(
        body,
        grid=(NC, 8),
        in_specs=[
            pl.BlockSpec((BLKW, 128), lambda h, i: (i, 0)),
            pl.BlockSpec((BLKW, 128), lambda h, i: (8 + i, 0)),
            pl.BlockSpec((BLKW, 128), lambda h, i: (i, 0)),
            pl.BlockSpec((BLKW, 128), lambda h, i: (8 + i, 0)),
            pl.BlockSpec((1, 128, 128), lambda h, i: (h, 0, 0)),
            pl.BlockSpec((1, 128, 128), lambda h, i: (h, 0, 0)),
            pl.BlockSpec((1, 128, 128), lambda h, i: (h, 0, 0)),
            pl.BlockSpec((1, 128, 128), lambda h, i: (h, 0, 0)),
            pl.BlockSpec((128, L), lambda h, i: (0, 0)),
            pl.BlockSpec((32, L), lambda h, i: (0, 0)),
            pl.BlockSpec((1, L), lambda h, i: (0, 0)),
            pl.BlockSpec((L, 1), lambda h, i: (0, 0)),
            pl.BlockSpec((1, 1), lambda h, i: (0, 0)),
        ],
        out_specs=pl.BlockSpec((1, 1), lambda h, i: (0, 0)),
        out_shape=jax.ShapeDtypeStruct((1, 1), jnp.float32),
        scratch_shapes=[pltpu.VMEM((NC, 128), jnp.float32)],
    )(s1w, s1w, h0w, h0w, wlabd, wlbbd, wrabd, wrbbd, fold, w11, b11, w12, b12)


def kernel(x, edge_index, Wl0, Wr0, Wl1, Wr1, W11, b11, W12, b12):
    f32 = jnp.float32
    xw = jnp.pad(x.astype(f32), ((0, N_T - N), (0, L - C_IN))).reshape(NW, 128)
    ei = edge_index.astype(jnp.int32)
    srcp = jnp.pad(ei[0], (0, E_PAD - E), constant_values=N)
    dstp = jnp.pad(ei[1], (0, E_PAD - E), constant_values=N)
    zeros = jnp.zeros((N_T, L), f32)

    s0 = _segsum(xw.reshape(N_T, L), srcp, dstp, zeros, feat_split=False)
    wl0 = jnp.zeros((L, 32), f32).at[:C_IN].set(Wl0.astype(f32))
    wr0 = jnp.zeros((L, 32), f32).at[:C_IN].set(Wr0.astype(f32))
    wlbd = jnp.stack([_bd(wl0[:, :L]), _bd(wl0[:, L:])])
    wrbd = jnp.stack([_bd(wr0[:, :L]), _bd(wr0[:, L:])])
    h0w = _dense0(s0.reshape(NC * NW, 128), xw, wlbd, wrbd)

    s1 = _segsum(h0w.reshape(NC * N_T, L), srcp, dstp, zeros, feat_split=True)

    Wl1f, Wr1f = Wl1.astype(f32), Wr1.astype(f32)
    wlabd = jnp.stack([_bd(Wl1f[:L, :L]), _bd(Wl1f[:L, L:])])
    wlbbd = jnp.stack([_bd(Wl1f[L:, :L]), _bd(Wl1f[L:, L:])])
    wrabd = jnp.stack([_bd(Wr1f[:L, :L]), _bd(Wr1f[:L, L:])])
    wrbbd = jnp.stack([_bd(Wr1f[L:, :L]), _bd(Wr1f[L:, L:])])
    fold = jnp.tile(jnp.eye(L, dtype=f32), (8, 1))

    out = _dense1(
        s1.reshape(NC * NW, 128), h0w,
        wlabd, wlbbd, wrabd, wrbbd, fold,
        W11.astype(f32), b11.reshape(1, L).astype(f32),
        W12.astype(f32), b12.reshape(1, 1).astype(f32),
    )
    return out.reshape(1)

# --- scband reference (transcript-rebuilt; emitter-appended) ---
"""Pipeline reference for scband-net-75874892252015 (READ-ONLY COPY).

The authoritative reference and input builder live on the scoring server;
editing this copy changes nothing except your own understanding.
"""

import jax, jax.numpy as jnp
import numpy as np

N = 100000
E = 1600000
C_IN = 14
C_HID = 32
C_OUT = 32

def setup_inputs(seed: int = 0) -> dict:
    key = jax.random.key(seed)
    ks = jax.random.split(key, 12)
    x = jax.random.normal(ks[0], (N, C_IN), dtype=jnp.float32)
    edge_index = jax.random.randint(ks[1], (2, E), 0, N, dtype=jnp.int64)
    def glorot(k, shp):
        lim = float(np.sqrt(6.0 / (shp[0] + shp[1])))
        return jax.random.uniform(k, shp, dtype=jnp.float32, minval=-lim, maxval=lim)
    Wl0 = glorot(ks[2], (C_IN, C_HID))
    Wr0 = glorot(ks[3], (C_IN, C_HID))
    Wl1 = glorot(ks[4], (C_HID, C_OUT))
    Wr1 = glorot(ks[5], (C_HID, C_OUT))
    W11 = glorot(ks[6], (32, 16))
    b11 = jnp.zeros((16,), dtype=jnp.float32)
    W12 = glorot(ks[7], (16, 1))
    b12 = jnp.zeros((1,), dtype=jnp.float32)
    return {"x": x, "edge_index": edge_index, "Wl0": Wl0, "Wr0": Wr0,
            "Wl1": Wl1, "Wr1": Wr1, "W11": W11, "b11": b11, "W12": W12, "b12": b12}

def _sage(h, src, dst, Wl, Wr):
    # SAGEConv(aggr='add', bias=False): lin_l(sum_{j in N(i)} h_j) + lin_r(h_i)
    msgs = jnp.take(h, src, axis=0)
    agg = jax.ops.segment_sum(msgs, dst, num_segments=N)
    return agg @ Wl + h @ Wr

def reference(x, edge_index, Wl0, Wr0, Wl1, Wr1, W11, b11, W12, b12):
    src = edge_index[0]
    dst = edge_index[1]
    h = jax.nn.relu(_sage(x, src, dst, Wl0, Wr0))
    h = jax.nn.relu(_sage(h, src, dst, Wl1, Wr1))
    out_scatter = h.sum(axis=0)
    out_ann1 = jax.nn.relu(out_scatter @ W11 + b11)
    out_final = out_ann1 @ W12 + b12
    return out_final

if __name__ == "__main__":
    import jax
    _d = setup_inputs()
    print(jax.jit(kernel)(*tuple(_d.values())))

</pallas_src>

<mosaic_0001>
#map = affine_map<(d0, d1) -> (0, 0)>
#map1 = affine_map<(d0, d1) -> (0)>
module attributes {stable_mosaic.version = 14 : i64} {
  func.func @body(%arg0: i32, %arg1: i32, %arg2: memref<200704x16xf32, #tpu.memory_space<hbm>>, %arg3: memref<1605632xi32, #tpu.memory_space<hbm>>, %arg4: memref<1605632xi32, #tpu.memory_space<hbm>>, %arg5: memref<100352x16xf32, #tpu.memory_space<hbm>>, %arg6: memref<200704x16xf32, #tpu.memory_space<hbm>>, %arg7: memref<1024xi32, #tpu.memory_space<vmem>>, %arg8: memref<8x128xi32, #tpu.memory_space<vmem>>, %arg9: memref<8x128x16xf32, #tpu.memory_space<vmem>>, %arg10: memref<100352x16xf32, #tpu.memory_space<vmem_shared>>, %arg11: memref<!tpu.dma_semaphore, #tpu.memory_space<semaphore_mem>>, %arg12: memref<!tpu.dma_semaphore, #tpu.memory_space<semaphore_mem>>, %arg13: memref<!tpu.dma_semaphore, #tpu.memory_space<semaphore_mem>>) attributes {dimension_semantics = [#tpu.dimension_semantics<core_parallel>, #tpu.dimension_semantics<subcore_parallel>], iteration_bounds = array<i64: 2, 16>, scalar_prefetch = 0 : i64, scratch_operands = 7 : i64, tpu.core_type = #tpu.core_type<sc_vector_subcore>, window_params = [{transform_indices = #map}, {transform_indices = #map1}, {transform_indices = #map1}, {transform_indices = #map}, {transform_indices = #map}]} {
    %mul3A = arith.constant 6272 : i32
    %mul3A_0 = arith.muli %arg1, %mul3A : i32
    "tpu.region"() ({
      %run_scoped3A = tpu.sem_alloc : memref<!tpu.dma_semaphore, #tpu.memory_space<semaphore_mem>>
      %dma_start3A = arith.constant 0 : i32
      %dma_start3A_13 = tpu.memref_slice %arg10[%mul3A_0, %dma_start3A] : memref<100352x16xf32, #tpu.memory_space<vmem_shared>> -> memref<6272x16xf32, #tpu.memory_space<vmem_shared>>
      %dma_start3A_14 = arith.constant 0 : i32
      %dma_start3A_15 = tpu.memref_slice %arg5[%mul3A_0, %dma_start3A_14] : memref<100352x16xf32, #tpu.memory_space<hbm>> -> memref<6272x16xf32, #tpu.memory_space<hbm>>
      tpu.enqueue_dma source(%dma_start3A_15 : memref<6272x16xf32, #tpu.memory_space<hbm>>) target(%dma_start3A_13 : memref<6272x16xf32, #tpu.memory_space<vmem_shared>>) target_semaphore(%run_scoped3A : memref<!tpu.dma_semaphore, #tpu.memory_space<semaphore_mem>>)
      %dma_wait3A = arith.constant 0 : i32
      %dma_wait3A_16 = tpu.memref_slice %arg10[%mul3A_0, %dma_wait3A] : memref<100352x16xf32, #tpu.memory_space<vmem_shared>> -> memref<6272x16xf32, #tpu.memory_space<vmem_shared>>
      %dma_wait3A_17 = arith.constant 0 : i32
      %dma_wait3A_18 = tpu.memref_slice %arg5[%mul3A_0, %dma_wait3A_17] : memref<100352x16xf32, #tpu.memory_space<hbm>> -> memref<6272x16xf32, #tpu.memory_space<hbm>>
      tpu.wait_dma2 semaphore(%run_scoped3A : memref<!tpu.dma_semaphore, #tpu.memory_space<semaphore_mem>>) src(%dma_wait3A_18 : memref<6272x16xf32, #tpu.memory_space<hbm>>) dst(%dma_wait3A_16 : memref<6272x16xf32, #tpu.memory_space<vmem_shared>>)
      tpu.yield
    }) : () -> ()
    %barrier3A = arith.constant 0 : index
    tpu.barrier barrier_id(%barrier3A)
    %mul3A_1 = arith.constant 784 : i32
    %mul3A_2 = arith.muli %arg1, %mul3A_1 : i32
    %mul3A_3 = arith.constant 100352 : i32
    %mul3A_4 = arith.muli %arg0, %mul3A_3 : i32
    %scan3A = arith.constant 0 : i32
    %scan3A_5 = arith.constant 0 : i32
    %scan3A_6 = arith.constant 98 : i32
    %scan3A_7 = arith.addi %scan3A_5, %scan3A_6 : i32
    %scan3A_8 = arith.constant 1 : i32
    scf.for %scan3A_13 = %scan3A_5 to %scan3A_7 step %scan3A_8  : i32 {
      %mul3A_14 = arith.constant 8 : i32
      %mul3A_15 = arith.muli %scan3A_13, %mul3A_14 : i32
      %add3A_16 = arith.addi %mul3A_2, %mul3A_15 : i32
      %mul3A_17 = arith.constant 128 : i32
      %mul3A_18 = arith.muli %add3A_16, %mul3A_17 : i32
      "tpu.region"() ({
        %run_scoped3A = tpu.sem_alloc : memref<!tpu.dma_semaphore, #tpu.memory_space<semaphore_mem>>
        %dma_start3A_1103 = tpu.memref_slice %arg3[%mul3A_18] : memref<1605632xi32, #tpu.memory_space<hbm>> -> memref<1024xi32, #tpu.memory_space<hbm>>
        %dma_start3A_1104 = tpu.memref_slice %arg3[%mul3A_18] : memref<1605632xi32, #tpu.memory_space<hbm>> -> memref<1024xi32, #tpu.memory_space<hbm>>
        tpu.enqueue_dma source(%dma_start3A_1104 : memref<1024xi32, #tpu.memory_space<hbm>>) target(%arg7 : memref<1024xi32, #tpu.memory_space<vmem>>) target_semaphore(%run_scoped3A : memref<!tpu.dma_semaphore, #tpu.memory_space<semaphore_mem>>)
        %dma_wait3A_1105 = tpu.memref_slice %arg3[%mul3A_18] : memref<1605632xi32, #tpu.memory_space<hbm>> -> memref<1024xi32, #tpu.memory_space<hbm>>
        %dma_wait3A_1106 = tpu.memref_slice %arg3[%mul3A_18] : memref<1605632xi32, #tpu.memory_space<hbm>> -> memref<1024xi32, #tpu.memory_space<hbm>>
        tpu.wait_dma2 semaphore(%run_scoped3A : memref<!tpu.dma_semaphore, #tpu.memory_space<semaphore_mem>>) src(%dma_wait3A_1106 : memref<1024xi32, #tpu.memory_space<hbm>>) dst(%arg7 : memref<1024xi32, #tpu.memory_space<vmem>>)
        tpu.yield
      }) : () -> ()
      %add3A_19 = arith.constant 0 : i32
      %add3A_20 = arith.addi %mul3A_18, %add3A_19 : i32
      %dma_start3A = arith.constant 0 : i32
      %dma_start3A_21 = arith.constant 0 : i32
      %dma_start3A_22 = tpu.memref_slice %arg8[%dma_start3A, %dma_start3A_21] : memref<8x128xi32, #tpu.memory_space<vmem>> -> memref<1x128xi32, #tpu.memory_space<vmem>>
      %dma_start3A_23 = tpu.memref_squeeze %dma_start3A_22 : memref<1x128xi32, #tpu.memory_space<vmem>> -> memref<128xi32, #tpu.memory_space<vmem>>
      %dma_start3A_24 = tpu.memref_slice %arg4[%add3A_20] : memref<1605632xi32, #tpu.memory_space<hbm>> -> memref<128xi32, #tpu.memory_space<hbm>>
      %dma_start3A_25 = arith.constant 0 : i32
      %dma_start3A_26 = tpu.memref_slice %arg8[%dma_start3A, %dma_start3A_25] : memref<8x128xi32, #tpu.memory_space<vmem>> -> memref<1x128xi32, #tpu.memory_space<vmem>>
      %dma_start3A_27 = tpu.memref_squeeze %dma_start3A_26 : memref<1x128xi32, #tpu.memory_space<vmem>> -> memref<128xi32, #tpu.memory_space<vmem>>
      %dma_start3A_28 = tpu.memref_slice %arg4[%add3A_20] : memref<1605632xi32, #tpu.memory_space<hbm>> -> memref<128xi32, #tpu.memory_space<hbm>>
      tpu.enqueue_dma source(%dma_start3A_28 : memref<128xi32, #tpu.memory_space<hbm>>) target(%dma_start3A_27 : memref<128xi32, #tpu.memory_space<vmem>>) target_semaphore(%arg11 : memref<!tpu.dma_semaphore, #tpu.memory_space<semaphore_mem>>)
      %add3A_29 = arith.constant 128 : i32
      %add3A_30 = arith.addi %mul3A_18, %add3A_29 : i32
      %dma_start3A_31 = arith.constant 1 : i32
      %dma_start3A_32 = arith.constant 0 : i32
      %dma_start3A_33 = tpu.memref_slice %arg8[%dma_start3A_31, %dma_start3A_32] : memref<8x128xi32, #tpu.memory_space<vmem>> -> memref<1x128xi32, #tpu.memory_space<vmem>>
      %dma_start3A_34 = tpu.memref_squeeze %dma_start3A_33 : memref<1x128xi32, #tpu.memory_space<vmem>> -> memref<128xi32, #tpu.memory_space<vmem>>
      %dma_start3A_35 = tpu.memref_slice %arg4[%add3A_30] : memref<1605632xi32, #tpu.memory_space<hbm>> -> memref<128xi32, #tpu.memory_space<hbm>>
      %dma_start3A_36 = arith.constant 0 : i32
      %dma_start3A_37 = tpu.memref_slice %arg8[%dma_start3A_31, %dma_start3A_36] : memref<8x128xi32, #tpu.memory_space<vmem>> -> memref<1x128xi32, #tpu.memory_space<vmem>>
      %dma_start3A_38 = tpu.memref_squeeze %dma_start3A_37 : memref<1x128xi32, #tpu.memory_space<vmem>> -> memref<128xi32, #tpu.memory_space<vmem>>
      %dma_start3A_39 = tpu.memref_slice %arg4[%add3A_30] : memref<1605632xi32, #tpu.memory_space<hbm>> -> memref<128xi32, #tpu.memory_space<hbm>>
      tpu.enqueue_dma source(%dma_start3A_39 : memref<128xi32, #tpu.memory_space<hbm>>) target(%dma_start3A_38 : memref<128xi32, #tpu.memory_space<vmem>>) target_semaphore(%arg11 : memref<!tpu.dma_semaphore, #tpu.memory_space<semaphore_mem>>)
      %add3A_40 = arith.constant 256 : i32
      %add3A_41 = arith.addi %mul3A_18, %add3A_40 : i32
      %dma_start3A_42 = arith.constant 2 : i32
      %dma_start3A_43 = arith.constant 0 : i32
      %dma_start3A_44 = tpu.memref_slice %arg8[%dma_start3A_42, %dma_start3A_43] : memref<8x128xi32, #tpu.memory_space<vmem>> -> memref<1x128xi32, #tpu.memory_space<vmem>>
      %dma_start3A_45 = tpu.memref_squeeze %dma_start3A_44 : memref<1x128xi32, #tpu.memory_space<vmem>> -> memref<128xi32, #tpu.memory_space<vmem>>
      %dma_start3A_46 = tpu.memref_slice %arg4[%add3A_41] : memref<1605632xi32, #tpu.memory_space<hbm>> -> memref<128xi32, #tpu.memory_space<hbm>>
      %dma_start3A_47 = arith.constant 0 : i32
      %dma_start3A_48 = tpu.memref_slice %arg8[%dma_start3A_42, %dma_start3A_47] : memref<8x128xi32, #tpu.memory_space<vmem>> -> memref<1x128xi32, #tpu.memory_space<vmem>>
      %dma_start3A_49 = tpu.memref_squeeze %dma_start3A_48 : memref<1x128xi32, #tpu.memory_space<vmem>> -> memref<128xi32, #tpu.memory_space<vmem>>
      %dma_start3A_50 = tpu.memref_slice %arg4[%add3A_41] : memref<1605632xi32, #tpu.memory_space<hbm>> -> memref<128xi32, #tpu.memory_space<hbm>>
      tpu.enqueue_dma source(%dma_start3A_50 : memref<128xi32, #tpu.memory_space<hbm>>) target(%dma_start3A_49 : memref<128xi32, #tpu.memory_space<vmem>>) target_semaphore(%arg11 : memref<!tpu.dma_semaphore, #tpu.memory_space<semaphore_mem>>)
      %add3A_51 = arith.constant 384 : i32
      %add3A_52 = arith.addi %mul3A_18, %add3A_51 : i32
      %dma_start3A_53 = arith.constant 3 : i32
      %dma_start3A_54 = arith.constant 0 : i32
      %dma_start3A_55 = tpu.memref_slice %arg8[%dma_start3A_53, %dma_start3A_54] : memref<8x128xi32, #tpu.memory_space<vmem>> -> memref<1x128xi32, #tpu.memory_space<vmem>>
      %dma_start3A_56 = tpu.memref_squeeze %dma_start3A_55 : memref<1x128xi32, #tpu.memory_space<vmem>> -> memref<128xi32, #tpu.memory_space<vmem>>
      %dma_start3A_57 = tpu.memref_slice %arg4[%add3A_52] : memref<1605632xi32, #tpu.memory_space<hbm>> -> memref<128xi32, #tpu.memory_space<hbm>>
      %dma_start3A_58 = arith.constant 0 : i32
      %dma_start3A_59 = tpu.memref_slice %arg8[%dma_start3A_53, %dma_start3A_58] : memref<8x128xi32, #tpu.memory_space<vmem>> -> memref<1x128xi32, #tpu.memory_space<vmem>>
      %dma_start3A_60 = tpu.memref_squeeze %dma_start3A_59 : memref<1x128xi32, #tpu.memory_space<vmem>> -> memref<128xi32, #tpu.memory_space<vmem>>
      %dma_start3A_61 = tpu.memref_slice %arg4[%add3A_52] : memref<1605632xi32, #tpu.memory_space<hbm>> -> memref<128xi32, #tpu.memory_space<hbm>>
      tpu.enqueue_dma source(%dma_start3A_61 : memref<128xi32, #tpu.memory_space<hbm>>) target(%dma_start3A_60 : memref<128xi32, #tpu.memory_space<vmem>>) target_semaphore(%arg11 : memref<!tpu.dma_semaphore, #tpu.memory_space<semaphore_mem>>)
      %add3A_62 = arith.constant 512 : i32
      %add3A_63 = arith.addi %mul3A_18, %add3A_62 : i32
      %dma_start3A_64 = arith.constant 4 : i32
      %dma_start3A_65 = arith.constant 0 : i32
      %dma_start3A_66 = tpu.memref_slice %arg8[%dma_start3A_64, %dma_start3A_65] : memref<8x128xi32, #tpu.memory_space<vmem>> -> memref<1x128xi32, #tpu.memory_space<vmem>>
      %dma_start3A_67 = tpu.memref_squeeze %dma_start3A_66 : memref<1x128xi32, #tpu.memory_space<vmem>> -> memref<128xi32, #tpu.memory_space<vmem>>
      %dma_start3A_68 = tpu.memref_slice %arg4[%add3A_63] : memref<1605632xi32, #tpu.memory_space<hbm>> -> memref<128xi32, #tpu.memory_space<hbm>>
      %dma_start3A_69 = arith.constant 0 : i32
      %dma_start3A_70 = tpu.memref_slice %arg8[%dma_start3A_64, %dma_start3A_69] : memref<8x128xi32, #tpu.memory_space<vmem>> -> memref<1x128xi32, #tpu.memory_space<vmem>>
      %dma_start3A_71 = tpu.memref_squeeze %dma_start3A_70 : memref<1x128xi32, #tpu.memory_space<vmem>> -> memref<128xi32, #tpu.memory_space<vmem>>
      %dma_start3A_72 = tpu.memref_slice %arg4[%add3A_63] : memref<1605632xi32, #tpu.memory_space<hbm>> -> memref<128xi32, #tpu.memory_space<hbm>>
      tpu.enqueue_dma source(%dma_start3A_72 : memref<128xi32, #tpu.memory_space<hbm>>) target(%dma_start3A_71 : memref<128xi32, #tpu.memory_space<vmem>>) target_semaphore(%arg11 : memref<!tpu.dma_semaphore, #tpu.memory_space<semaphore_mem>>)
      %add3A_73 = arith.constant 640 : i32
      %add3A_74 = arith.addi %mul3A_18, %add3A_73 : i32
      %dma_start3A_75 = arith.constant 5 : i32
      %dma_start3A_76 = arith.constant 0 : i32
      %dma_start3A_77 = tpu.memref_slice %arg8[%dma_start3A_75, %dma_start3A_76] : memref<8x128xi32, #tpu.memory_space<vmem>> -> memref<1x128xi32, #tpu.memory_space<vmem>>
      %dma_start3A_78 = tpu.memref_squeeze %dma_start3A_77 : memref<1x128xi32, #tpu.memory_space<vmem>> -> memref<128xi32, #tpu.memory_space<vmem>>
      %dma_start3A_79 = tpu.memref_slice %arg4[%add3A_74] : memref<1605632xi32, #tpu.memory_space<hbm>> -> memref<128xi32, #tpu.memory_space<hbm>>
      %dma_start3A_80 = arith.constant 0 : i32
      %dma_start3A_81 = tpu.memref_slice %arg8[%dma_start3A_75, %dma_start3A_80] : memref<8x128xi32, #tpu.memory_space<vmem>> -> memref<1x128xi32, #tpu.memory_space<vmem>>
      %dma_start3A_82 = tpu.memref_squeeze %dma_start3A_81 : memref<1x128xi32, #tpu.memory_space<vmem>> -> memref<128xi32, #tpu.memory_space<vmem>>
      %dma_start3A_83 = tpu.memref_slice %arg4[%add3A_74] : memref<1605632xi32, #tpu.memory_space<hbm>> -> memref<128xi32, #tpu.memory_space<hbm>>
      tpu.enqueue_dma source(%dma_start3A_83 : memref<128xi32, #tpu.memory_space<hbm>>) target(%dma_start3A_82 : memref<128xi32, #tpu.memory_space<vmem>>) target_semaphore(%arg11 : memref<!tpu.dma_semaphore, #tpu.memory_space<semaphore_mem>>)
      %add3A_84 = arith.constant 768 : i32
      %add3A_85 = arith.addi %mul3A_18, %add3A_84 : i32
      %dma_start3A_86 = arith.constant 6 : i32
      %dma_start3A_87 = arith.constant 0 : i32
      %dma_start3A_88 = tpu.memref_slice %arg8[%dma_start3A_86, %dma_start3A_87] : memref<8x128xi32, #tpu.memory_space<vmem>> -> memref<1x128xi32, #tpu.memory_space<vmem>>
      %dma_start3A_89 = tpu.memref_squeeze %dma_start3A_88 : memref<1x128xi32, #tpu.memory_space<vmem>> -> memref<128xi32, #tpu.memory_space<vmem>>
      %dma_start3A_90 = tpu.memref_slice %arg4[%add3A_85] : memref<1605632xi32, #tpu.memory_space<hbm>> -> memref<128xi32, #tpu.memory_space<hbm>>
      %dma_start3A_91 = arith.constant 0 : i32
      %dma_start3A_92 = tpu.memref_slice %arg8[%dma_start3A_86, %dma_start3A_91] : memref<8x128xi32, #tpu.memory_space<vmem>> -> memref<1x128xi32, #tpu.memory_space<vmem>>
      %dma_start3A_93 = tpu.memref_squeeze %dma_start3A_92 : memref<1x128xi32, #tpu.memory_space<vmem>> -> memref<128xi32, #tpu.memory_space<vmem>>
      %dma_start3A_94 = tpu.memref_slice %arg4[%add3A_85] : memref<1605632xi32, #tpu.memory_space<hbm>> -> memref<128xi32, #tpu.memory_space<hbm>>
      tpu.enqueue_dma source(%dma_start3A_94 : memref<128xi32, #tpu.memory_space<hbm>>) target(%dma_start3A_93 : memref<128xi32, #tpu.memory_space<vmem>>) target_semaphore(%arg11 : memref<!tpu.dma_semaphore, #tpu.memory_space<semaphore_mem>>)
      %add3A_95 = arith.constant 896 : i32
      %add3A_96 = arith.addi %mul3A_18, %add3A_95 : i32
      %dma_start3A_97 = arith.constant 7 : i32
      %dma_start3A_98 = arith.constant 0 : i32
      %dma_start3A_99 = tpu.memref_slice %arg8[%dma_start3A_97, %dma_start3A_98] : memref<8x128xi32, #tpu.memory_space<vmem>> -> memref<1x128xi32, #tpu.memory_space<vmem>>
      %dma_start3A_100 = tpu.memref_squeeze %dma_start3A_99 : memref<1x128xi32, #tpu.memory_space<vmem>> -> memref<128xi32, #tpu.memory_space<vmem>>
      %dma_start3A_101 = tpu.memref_slice %arg4[%add3A_96] : memref<1605632xi32, #tpu.memory_space<hbm>> -> memref<128xi32, #tpu.memory_space<hbm>>
      %dma_start3A_102 = arith.constant 0 : i32
      %dma_start3A_103 = tpu.memref_slice %arg8[%dma_start3A_97, %dma_start3A_102] : memref<8x128xi32, #tpu.memory_space<vmem>> -> memref<1x128xi32, #tpu.memory_space<vmem>>
      %dma_start3A_104 = tpu.memref_squeeze %dma_start3A_103 : memref<1x128xi32, #tpu.memory_space<vmem>> -> memref<128xi32, #tpu.memory_space<vmem>>
      %dma_start3A_105 = tpu.memref_slice %arg4[%add3A_96] : memref<1605632xi32, #tpu.memory_space<hbm>> -> memref<128xi32, #tpu.memory_space<hbm>>
      tpu.enqueue_dma source(%dma_start3A_105 : memref<128xi32, #tpu.memory_space<hbm>>) target(%dma_start3A_104 : memref<128xi32, #tpu.memory_space<vmem>>) target_semaphore(%arg11 : memref<!tpu.dma_semaphore, #tpu.memory_space<semaphore_mem>>)
      %get3A = arith.constant 0 : index
      %get3A_106 = tpu.vector_load %arg7[%get3A] {strides = array<i32>} : memref<1024xi32, #tpu.memory_space<vmem>>, vector<16xi32>,
      %get3A_107 = vector.shape_cast %get3A_106 : vector<16xi32> to vector<16xi32>
      %add3A_108 = vector.broadcast %mul3A_4 : i32 to vector<16xi32>
      %add3A_109 = arith.addi %get3A_107, %add3A_108 : vector<16xi32>
      %swap3A = arith.constant 0 : index
      %swap3A_110 = tpu.vector_load %arg7[%swap3A] {strides = array<i32>} : memref<1024xi32, #tpu.memory_space<vmem>>, vector<16xi32>,
      %swap3A_111 = vector.shape_cast %swap3A_110 : vector<16xi32> to vector<16xi32>
      %swap3A_112 = vector.shape_cast %add3A_109 : vector<16xi32> to vector<16xi32>
      tpu.vector_store %arg7[%swap3A], %swap3A_112 {strides = array<i32>} : memref<1024xi32, #tpu.memory_space<vmem>>, vector<16xi32>,
      %get3A_113 = arith.constant 16 : index
      %get3A_114 = tpu.vector_load %arg7[%get3A_113] {strides = array<i32>} : memref<1024xi32, #tpu.memory_space<vmem>>, vector<16xi32>,
      %get3A_115 = vector.shape_cast %get3A_114 : vector<16xi32> to vector<16xi32>
      %add3A_116 = vector.broadcast %mul3A_4 : i32 to vector<16xi32>
      %add3A_117 = arith.addi %get3A_115, %add3A_116 : vector<16xi32>
      %swap3A_118 = arith.constant 16 : index
      %swap3A_119 = tpu.vector_load %arg7[%swap3A_118] {strides = array<i32>} : memref<1024xi32, #tpu.memory_space<vmem>>, vector<16xi32>,
      %swap3A_120 = vector.shape_cast %swap3A_119 : vector<16xi32> to vector<16xi32>
      %swap3A_121 = vector.shape_cast %add3A_117 : vector<16xi32> to vector<16xi32>
      tpu.vector_store %arg7[%swap3A_118], %swap3A_121 {strides = array<i32>} : memref<1024xi32, #tpu.memory_space<vmem>>, vector<16xi32>,
      %get3A_122 = arith.constant 32 : index
      %get3A_123 = tpu.vector_load %arg7[%get3A_122] {strides = array<i32>} : memref<1024xi32, #tpu.memory_space<vmem>>, vector<16xi32>,
      %get3A_124 = vector.shape_cast %get3A_123 : vector<16xi32> to vector<16xi32>
      %add3A_125 = vector.broadcast %mul3A_4 : i32 to vector<16xi32>
      %add3A_126 = arith.addi %get3A_124, %add3A_125 : vector<16xi32>
      %swap3A_127 = arith.constant 32 : index
      %swap3A_128 = tpu.vector_load %arg7[%swap3A_127] {strides = array<i32>} : memref<1024xi32, #tpu.memory_space<vmem>>, vector<16xi32>,
      %swap3A_129 = vector.shape_cast %swap3A_128 : vector<16xi32> to vector<16xi32>
      %swap3A_130 = vector.shape_cast %add3A_126 : vector<16xi32> to vector<16xi32>
      tpu.vector_store %arg7[%swap3A_127], %swap3A_130 {strides = array<i32>} : memref<1024xi32, #tpu.memory_space<vmem>>, vector<16xi32>,
      %get3A_131 = arith.constant 48 : index
      %get3A_132 = tpu.vector_load %arg7[%get3A_131] {strides = array<i32>} : memref<1024xi32, #tpu.memory_space<vmem>>, vector<16xi32>,
      %get3A_133 = vector.shape_cast %get3A_132 : vector<16xi32> to vector<16xi32>
      %add3A_134 = vector.broadcast %mul3A_4 : i32 to vector<16xi32>
      %add3A_135 = arith.addi %get3A_133, %add3A_134 : vector<16xi32>
      %swap3A_136 = arith.constant 48 : index
      %swap3A_137 = tpu.vector_load %arg7[%swap3A_136] {strides = array<i32>} : memref<1024xi32, #tpu.memory_space<vmem>>, vector<16xi32>,
      %swap3A_138 = vector.shape_cast %swap3A_137 : vector<16xi32> to vector<16xi32>
      %swap3A_139 = vector.shape_cast %add3A_135 : vector<16xi32> to vector<16xi32>
      tpu.vector_store %arg7[%swap3A_136], %swap3A_139 {strides = array<i32>} : memref<1024xi32, #tpu.memory_space<vmem>>, vector<16xi32>,
      %get3A_140 = arith.constant 64 : index
      %get3A_141 = tpu.vector_load %arg7[%get3A_140] {strides = array<i32>} : memref<1024xi32, #tpu.memory_space<vmem>>, vector<16xi32>,
      %get3A_142 = vector.shape_cast %get3A_141 : vector<16xi32> to vector<16xi32>
      %add3A_143 = vector.broadcast %mul3A_4 : i32 to vector<16xi32>
      %add3A_144 = arith.addi %get3A_142, %add3A_143 : vector<16xi32>
      %swap3A_145 = arith.constant 64 : index
      %swap3A_146 = tpu.vector_load %arg7[%swap3A_145] {strides = array<i32>} : memref<1024xi32, #tpu.memory_space<vmem>>, vector<16xi32>,
      %swap3A_147 = vector.shape_cast %swap3A_146 : vector<16xi32> to vector<16xi32>
      %swap3A_148 = vector.shape_cast %add3A_144 : vector<16xi32> to vector<16xi32>
      tpu.vector_store %arg7[%swap3A_145], %swap3A_148 {strides = array<i32>} : memref<1024xi32, #tpu.memory_space<vmem>>, vector<16xi32>,
      %get3A_149 = arith.constant 80 : index
      %get3A_150 = tpu.vector_load %arg7[%get3A_149] {strides = array<i32>} : memref<1024xi32, #tpu.memory_space<vmem>>, vector<16xi32>,
      %get3A_151 = vector.shape_cast %get3A_150 : vector<16xi32> to vector<16xi32>
      %add3A_152 = vector.broadcast %mul3A_4 : i32 to vector<16xi32>
      %add3A_153 = arith.addi %get3A_151, %add3A_152 : vector<16xi32>
      %swap3A_154 = arith.constant 80 : index
      %swap3A_155 = tpu.vector_load %arg7[%swap3A_154] {strides = array<i32>} : memref<1024xi32, #tpu.memory_space<vmem>>, vector<16xi32>,
      %swap3A_156 = vector.shape_cast %swap3A_155 : vector<16xi32> to vector<16xi32>
      %swap3A_157 = vector.shape_cast %add3A_153 : vector<16xi32> to vector<16xi32>
      tpu.vector_store %arg7[%swap3A_154], %swap3A_157 {strides = array<i32>} : memref<1024xi32, #tpu.memory_space<vmem>>, vector<16xi32>,
      %get3A_158 = arith.constant 96 : index
      %get3A_159 = tpu.vector_load %arg7[%get3A_158] {strides = array<i32>} : memref<1024xi32, #tpu.memory_space<vmem>>, vector<16xi32>,
      %get3A_160 = vector.shape_cast %get3A_159 : vector<16xi32> to vector<16xi32>
      %add3A_161 = vector.broadcast %mul3A_4 : i32 to vector<16xi32>
      %add3A_162 = arith.addi %get3A_160, %add3A_161 : vector<16xi32>
      %swap3A_163 = arith.constant 96 : index
      %swap3A_164 = tpu.vector_load %arg7[%swap3A_163] {strides = array<i32>} : memref<1024xi32, #tpu.memory_space<vmem>>, vector<16xi32>,
      %swap3A_165 = vector.shape_cast %swap3A_164 : vector<16xi32> to vector<16xi32>
      %swap3A_166 = vector.shape_cast %add3A_162 : vector<16xi32> to vector<16xi32>
      tpu.vector_store %arg7[%swap3A_163], %swap3A_166 {strides = array<i32>} : memref<1024xi32, #tpu.memory_space<vmem>>, vector<16xi32>,
      %get3A_167 = arith.constant 112 : index
      %get3A_168 = tpu.vector_load %arg7[%get3A_167] {strides = array<i32>} : memref<1024xi32, #tpu.memory_space<vmem>>, vector<16xi32>,
      %get3A_169 = vector.shape_cast %get3A_168 : vector<16xi32> to vector<16xi32>
      %add3A_170 = vector.broadcast %mul3A_4 : i32 to vector<16xi32>
      %add3A_171 = arith.addi %get3A_169, %add3A_170 : vector<16xi32>
      %swap3A_172 = arith.constant 112 : index
      %swap3A_173 = tpu.vector_load %arg7[%swap3A_172] {strides = array<i32>} : memref<1024xi32, #tpu.memory_space<vmem>>, vector<16xi32>,
      %swap3A_174 = vector.shape_cast %swap3A_173 : vector<16xi32> to vector<16xi32>
      %swap3A_175 = vector.shape_cast %add3A_171 : vector<16xi32> to vector<16xi32>
      tpu.vector_store %arg7[%swap3A_172], %swap3A_175 {strides = array<i32>} : memref<1024xi32, #tpu.memory_space<vmem>>, vector<16xi32>,
      %get3A_176 = arith.constant 128 : index
      %get3A_177 = tpu.vector_load %arg7[%get3A_176] {strides = array<i32>} : memref<1024xi32, #tpu.memory_space<vmem>>, vector<16xi32>,
      %get3A_178 = vector.shape_cast %get3A_177 : vector<16xi32> to vector<16xi32>
      %add3A_179 = vector.broadcast %mul3A_4 : i32 to vector<16xi32>
      %add3A_180 = arith.addi %get3A_178, %add3A_179 : vector<16xi32>
      %swap3A_181 = arith.constant 128 : index
      %swap3A_182 = tpu.vector_load %arg7[%swap3A_181] {strides = array<i32>} : memref<1024xi32, #tpu.memory_space<vmem>>, vector<16xi32>,
      %swap3A_183 = vector.shape_cast %swap3A_182 : vector<16xi32> to vector<16xi32>
      %swap3A_184 = vector.shape_cast %add3A_180 : vector<16xi32> to vector<16xi32>
      tpu.vector_store %arg7[%swap3A_181], %swap3A_184 {strides = array<i32>} : memref<1024xi32, #tpu.memory_space<vmem>>, vector<16xi32>,
      %get3A_185 = arith.constant 144 : index
      %get3A_186 = tpu.vector_load %arg7[%get3A_185] {strides = array<i32>} : memref<1024xi32, #tpu.memory_space<vmem>>, vector<16xi32>,
      %get3A_187 = vector.shape_cast %get3A_186 : vector<16xi32> to vector<16xi32>
      %add3A_188 = vector.broadcast %mul3A_4 : i32 to vector<16xi32>
      %add3A_189 = arith.addi %get3A_187, %add3A_188 : vector<16xi32>
      %swap3A_190 = arith.constant 144 : index
      %swap3A_191 = tpu.vector_load %arg7[%swap3A_190] {strides = array<i32>} : memref<1024xi32, #tpu.memory_space<vmem>>, vector<16xi32>,
      %swap3A_192 = vector.shape_cast %swap3A_191 : vector<16xi32> to vector<16xi32>
      %swap3A_193 = vector.shape_cast %add3A_189 : vector<16xi32> to vector<16xi32>
      tpu.vector_store %arg7[%swap3A_190], %swap3A_193 {strides = array<i32>} : memref<1024xi32, #tpu.memory_space<vmem>>, vector<16xi32>,
      %get3A_194 = arith.constant 160 : index
      %get3A_195 = tpu.vector_load %arg7[%get3A_194] {strides = array<i32>} : memref<1024xi32, #tpu.memory_space<vmem>>, vector<16xi32>,
      %get3A_196 = vector.shape_cast %get3A_195 : vector<16xi32> to vector<16xi32>
      %add3A_197 = vector.broadcast %mul3A_4 : i32 to vector<16xi32>
      %add3A_198 = arith.addi %get3A_196, %add3A_197 : vector<16xi32>
      %swap3A_199 = arith.constant 160 : index
      %swap3A_200 = tpu.vector_load %arg7[%swap3A_199] {strides = array<i32>} : memref<1024xi32, #tpu.memory_space<vmem>>, vector<16xi32>,
      %swap3A_201 = vector.shape_cast %swap3A_200 : vector<16xi32> to vector<16xi32>
      %swap3A_202 = vector.shape_cast %add3A_198 : vector<16xi32> to vector<16xi32>
      tpu.vector_store %arg7[%swap3A_199], %swap3A_202 {strides = array<i32>} : memref<1024xi32, #tpu.memory_space<vmem>>, vector<16xi32>,
      %get3A_203 = arith.constant 176 : index
      %get3A_204 = tpu.vector_load %arg7[%get3A_203] {strides = array<i32>} : memref<1024xi32, #tpu.memory_space<vmem>>, vector<16xi32>,
      %get3A_205 = vector.shape_cast %get3A_204 : vector<16xi32> to vector<16xi32>
      %add3A_206 = vector.broadcast %mul3A_4 : i32 to vector<16xi32>
      %add3A_207 = arith.addi %get3A_205, %add3A_206 : vector<16xi32>
      %swap3A_208 = arith.constant 176 : index
      %swap3A_209 = tpu.vector_load %arg7[%swap3A_208] {strides = array<i32>} : memref<1024xi32, #tpu.memory_space<vmem>>, vector<16xi32>,
      %swap3A_210 = vector.shape_cast %swap3A_209 : vector<16xi32> to vector<16xi32>
      %swap3A_211 = vector.shape_cast %add3A_207 : vector<16xi32> to vector<16xi32>
      tpu.vector_store %arg7[%swap3A_208], %swap3A_211 {strides = array<i32>} : memref<1024xi32, #tpu.memory_space<vmem>>, vector<16xi32>,
      %get3A_212 = arith.constant 192 : index
      %get3A_213 = tpu.vector_load %arg7[%get3A_212] {strides = array<i32>} : memref<1024xi32, #tpu.memory_space<vmem>>, vector<16xi32>,
      %get3A_214 = vector.shape_cast %get3A_213 : vector<16xi32> to vector<16xi32>
      %add3A_215 = vector.broadcast %mul3A_4 : i32 to vector<16xi32>
      %add3A_216 = arith.addi %get3A_214, %add3A_215 : vector<16xi32>
      %swap3A_217 = arith.constant 192 : index
      %swap3A_218 = tpu.vector_load %arg7[%swap3A_217] {strides = array<i32>} : memref<1024xi32, #tpu.memory_space<vmem>>, vector<16xi32>,
      %swap3A_219 = vector.shape_cast %swap3A_218 : vector<16xi32> to vector<16xi32>
      %swap3A_220 = vector.shape_cast %add3A_216 : vector<16xi32> to vector<16xi32>
      tpu.vector_store %arg7[%swap3A_217], %swap3A_220 {strides = array<i32>} : memref<1024xi32, #tpu.memory_space<vmem>>, vector<16xi32>,
      %get3A_221 = arith.constant 208 : index
      %get3A_222 = tpu.vector_load %arg7[%get3A_221] {strides = array<i32>} : memref<1024xi32, #tpu.memory_space<vmem>>, vector<16xi32>,
      %get3A_223 = vector.shape_cast %get3A_222 : vector<16xi32> to vector<16xi32>
      %add3A_224 = vector.broadcast %mul3A_4 : i32 to vector<16xi32>
      %add3A_225 = arith.addi %get3A_223, %add3A_224 : vector<16xi32>
      %swap3A_226 = arith.constant 208 : index
      %swap3A_227 = tpu.vector_load %arg7[%swap3A_226] {strides = array<i32>} : memref<1024xi32, #tpu.memory_space<vmem>>, vector<16xi32>,
      %swap3A_228 = vector.shape_cast %swap3A_227 : vector<16xi32> to vector<16xi32>
      %swap3A_229 = vector.shape_cast %add3A_225 : vector<16xi32> to vector<16xi32>
      tpu.vector_store %arg7[%swap3A_226], %swap3A_229 {strides = array<i32>} : memref<1024xi32, #tpu.memory_space<vmem>>, vector<16xi32>,
      %get3A_230 = arith.constant 224 : index
      %get3A_231 = tpu.vector_load %arg7[%get3A_230] {strides = array<i32>} : memref<1024xi32, #tpu.memory_space<vmem>>, vector<16xi32>,
      %get3A_232 = vector.shape_cast %get3A_231 : vector<16xi32> to vector<16xi32>
      %add3A_233 = vector.broadcast %mul3A_4 : i32 to vector<16xi32>
      %add3A_234 = arith.addi %get3A_232, %add3A_233 : vector<16xi32>
      %swap3A_235 = arith.constant 224 : index
      %swap3A_236 = tpu.vector_load %arg7[%swap3A_235] {strides = array<i32>} : memref<1024xi32, #tpu.memory_space<vmem>>, vector<16xi32>,
      %swap3A_237 = vector.shape_cast %swap3A_236 : vector<16xi32> to vector<16xi32>
      %swap3A_238 = vector.shape_cast %add3A_234 : vector<16xi32> to vector<16xi32>
      tpu.vector_store %arg7[%swap3A_235], %swap3A_238 {strides = array<i32>} : memref<1024xi32, #tpu.memory_space<vmem>>, vector<16xi32>,
      %get3A_239 = arith.constant 240 : index
      %get3A_240 = tpu.vector_load %arg7[%get3A_239] {strides = array<i32>} : memref<1024xi32, #tpu.memory_space<vmem>>, vector<16xi32>,
      %get3A_241 = vector.shape_cast %get3A_240 : vector<16xi32> to vector<16xi32>
      %add3A_242 = vector.broadcast %mul3A_4 : i32 to vector<16xi32>
      %add3A_243 = arith.addi %get3A_241, %add3A_242 : vector<16xi32>
      %swap3A_244 = arith.constant 240 : index
      %swap3A_245 = tpu.vector_load %arg7[%swap3A_244] {strides = array<i32>} : memref<1024xi32, #tpu.memory_space<vmem>>, vector<16xi32>,
      %swap3A_246 = vector.shape_cast %swap3A_245 : vector<16xi32> to vector<16xi32>
      %swap3A_247 = vector.shape_cast %add3A_243 : vector<16xi32> to vector<16xi32>
      tpu.vector_store %arg7[%swap3A_244], %swap3A_247 {strides = array<i32>} : memref<1024xi32, #tpu.memory_space<vmem>>, vector<16xi32>,
      %get3A_248 = arith.constant 256 : index
      %get3A_249 = tpu.vector_load %arg7[%get3A_248] {strides = array<i32>} : memref<1024xi32, #tpu.memory_space<vmem>>, vector<16xi32>,
      %get3A_250 = vector.shape_cast %get3A_249 : vector<16xi32> to vector<16xi32>
      %add3A_251 = vector.broadcast %mul3A_4 : i32 to vector<16xi32>
      %add3A_252 = arith.addi %get3A_250, %add3A_251 : vector<16xi32>
      %swap3A_253 = arith.constant 256 : index
      %swap3A_254 = tpu.vector_load %arg7[%swap3A_253] {strides = array<i32>} : memref<1024xi32, #tpu.memory_space<vmem>>, vector<16xi32>,
      %swap3A_255 = vector.shape_cast %swap3A_254 : vector<16xi32> to vector<16xi32>
      %swap3A_256 = vector.shape_cast %add3A_252 : vector<16xi32> to vector<16xi32>
      tpu.vector_store %arg7[%swap3A_253], %swap3A_256 {strides = array<i32>} : memref<1024xi32, #tpu.memory_space<vmem>>, vector<16xi32>,
      %get3A_257 = arith.constant 272 : index
      %get3A_258 = tpu.vector_load %arg7[%get3A_257] {strides = array<i32>} : memref<1024xi32, #tpu.memory_space<vmem>>, vector<16xi32>,
      %get3A_259 = vector.shape_cast %get3A_258 : vector<16xi32> to vector<16xi32>
      %add3A_260 = vector.broadcast %mul3A_4 : i32 to vector<16xi32>
      %add3A_261 = arith.addi %get3A_259, %add3A_260 : vector<16xi32>
      %swap3A_262 = arith.constant 272 : index
      %swap3A_263 = tpu.vector_load %arg7[%swap3A_262] {strides = array<i32>} : memref<1024xi32, #tpu.memory_space<vmem>>, vector<16xi32>,
      %swap3A_264 = vector.shape_cast %swap3A_263 : vector<16xi32> to vector<16xi32>
      %swap3A_265 = vector.shape_cast %add3A_261 : vector<16xi32> to vector<16xi32>
      tpu.vector_store %arg7[%swap3A_262], %swap3A_265 {strides = array<i32>} : memref<1024xi32, #tpu.memory_space<vmem>>, vector<16xi32>,
      %get3A_266 = arith.constant 288 : index
      %get3A_267 = tpu.vector_load %arg7[%get3A_266] {strides = array<i32>} : memref<1024xi32, #tpu.memory_space<vmem>>, vector<16xi32>,
      %get3A_268 = vector.shape_cast %get3A_267 : vector<16xi32> to vector<16xi32>
      %add3A_269 = vector.broadcast %mul3A_4 : i32 to vector<16xi32>
      %add3A_270 = arith.addi %get3A_268, %add3A_269 : vector<16xi32>
      %swap3A_271 = arith.constant 288 : index
      %swap3A_272 = tpu.vector_load %arg7[%swap3A_271] {strides = array<i32>} : memref<1024xi32, #tpu.memory_space<vmem>>, vector<16xi32>,
      %swap3A_273 = vector.shape_cast %swap3A_272 : vector<16xi32> to vector<16xi32>
      %swap3A_274 = vector.shape_cast %add3A_270 : vector<16xi32> to vector<16xi32>
      tpu.vector_store %arg7[%swap3A_271], %swap3A_274 {strides = array<i32>} : memref<1024xi32, #tpu.memory_space<vmem>>, vector<16xi32>,
      %get3A_275 = arith.constant 304 : index
      %get3A_276 = tpu.vector_load %arg7[%get3A_275] {strides = array<i32>} : memref<1024xi32, #tpu.memory_space<vmem>>, vector<16xi32>,
      %get3A_277 = vector.shape_cast %get3A_276 : vector<16xi32> to vector<16xi32>
      %add3A_278 = vector.broadcast %mul3A_4 : i32 to vector<16xi32>
      %add3A_279 = arith.addi %get3A_277, %add3A_278 : vector<16xi32>
      %swap3A_280 = arith.constant 304 : index
      %swap3A_281 = tpu.vector_load %arg7[%swap3A_280] {strides = array<i32>} : memref<1024xi32, #tpu.memory_space<vmem>>, vector<16xi32>,
      %swap3A_282 = vector.shape_cast %swap3A_281 : vector<16xi32> to vector<16xi32>
      %swap3A_283 = vector.shape_cast %add3A_279 : vector<16xi32> to vector<16xi32>
      tpu.vector_store %arg7[%swap3A_280], %swap3A_283 {strides = array<i32>} : memref<1024xi32, #tpu.memory_space<vmem>>, vector<16xi32>,
      %get3A_284 = arith.constant 320 : index
      %get3A_285 = tpu.vector_load %arg7[%get3A_284] {strides = array<i32>} : memref<1024xi32, #tpu.memory_space<vmem>>, vector<16xi32>,
      %get3A_286 = vector.shape_cast %get3A_285 : vector<16xi32> to vector<16xi32>
      %add3A_287 = vector.broadcast %mul3A_4 : i32 to vector<16xi32>
      %add3A_288 = arith.addi %get3A_286, %add3A_287 : vector<16xi32>
      %swap3A_289 = arith.constant 320 : index
      %swap3A_290 = tpu.vector_load %arg7[%swap3A_289] {strides = array<i32>} : memref<1024xi32, #tpu.memory_space<vmem>>, vector<16xi32>,
      %swap3A_291 = vector.shape_cast %swap3A_290 : vector<16xi32> to vector<16xi32>
      %swap3A_292 = vector.shape_cast %add3A_288 : vector<16xi32> to vector<16xi32>
      tpu.vector_store %arg7[%swap3A_289], %swap3A_292 {strides = array<i32>} : memref<1024xi32, #tpu.memory_space<vmem>>, vector<16xi32>,
      %get3A_293 = arith.constant 336 : index
      %get3A_294 = tpu.vector_load %arg7[%get3A_293] {strides = array<i32>} : memref<1024xi32, #tpu.memory_space<vmem>>, vector<16xi32>,
      %get3A_295 = vector.shape_cast %get3A_294 : vector<16xi32> to vector<16xi32>
      %add3A_296 = vector.broadcast %mul3A_4 : i32 to vector<16xi32>
      %add3A_297 = arith.addi %get3A_295, %add3A_296 : vector<16xi32>
      %swap3A_298 = arith.constant 336 : index
      %swap3A_299 = tpu.vector_load %arg7[%swap3A_298] {strides = array<i32>} : memref<1024xi32, #tpu.memory_space<vmem>>, vector<16xi32>,
      %swap3A_300 = vector.shape_cast %swap3A_299 : vector<16xi32> to vector<16xi32>
      %swap3A_301 = vector.shape_cast %add3A_297 : vector<16xi32> to vector<16xi32>
      tpu.vector_store %arg7[%swap3A_298], %swap3A_301 {strides = array<i32>} : memref<1024xi32, #tpu.memory_space<vmem>>, vector<16xi32>,
      %get3A_302 = arith.constant 352 : index
      %get3A_303 = tpu.vector_load %arg7[%get3A_302] {strides = array<i32>} : memref<1024xi32, #tpu.memory_space<vmem>>, vector<16xi32>,
      %get3A_304 = vector.shape_cast %get3A_303 : vector<16xi32> to vector<16xi32>
      %add3A_305 = vector.broadcast %mul3A_4 : i32 to vector<16xi32>
      %add3A_306 = arith.addi %get3A_304, %add3A_305 : vector<16xi32>
      %swap3A_307 = arith.constant 352 : index
      %swap3A_308 = tpu.vector_load %arg7[%swap3A_307] {strides = array<i32>} : memref<1024xi32, #tpu.memory_space<vmem>>, vector<16xi32>,
      %swap3A_309 = vector.shape_cast %swap3A_308 : vector<16xi32> to vector<16xi32>
      %swap3A_310 = vector.shape_cast %add3A_306 : vector<16xi32> to vector<16xi32>
      tpu.vector_store %arg7[%swap3A_307], %swap3A_310 {strides = array<i32>} : memref<1024xi32, #tpu.memory_space<vmem>>, vector<16xi32>,
      %get3A_311 = arith.constant 368 : index
      %get3A_312 = tpu.vector_load %arg7[%get3A_311] {strides = array<i32>} : memref<1024xi32, #tpu.memory_space<vmem>>, vector<16xi32>,
      %get3A_313 = vector.shape_cast %get3A_312 : vector<16xi32> to vector<16xi32>
      %add3A_314 = vector.broadcast %mul3A_4 : i32 to vector<16xi32>
      %add3A_315 = arith.addi %get3A_313, %add3A_314 : vector<16xi32>
      %swap3A_316 = arith.constant 368 : index
      %swap3A_317 = tpu.vector_load %arg7[%swap3A_316] {strides = array<i32>} : memref<1024xi32, #tpu.memory_space<vmem>>, vector<16xi32>,
      %swap3A_318 = vector.shape_cast %swap3A_317 : vector<16xi32> to vector<16xi32>
      %swap3A_319 = vector.shape_cast %add3A_315 : vector<16xi32> to vector<16xi32>
      tpu.vector_store %arg7[%swap3A_316], %swap3A_319 {strides = array<i32>} : memref<1024xi32, #tpu.memory_space<vmem>>, vector<16xi32>,
      %get3A_320 = arith.constant 384 : index
      %get3A_321 = tpu.vector_load %arg7[%get3A_320] {strides = array<i32>} : memref<1024xi32, #tpu.memory_space<vmem>>, vector<16xi32>,
      %get3A_322 = vector.shape_cast %get3A_321 : vector<16xi32> to vector<16xi32>
      %add3A_323 = vector.broadcast %mul3A_4 : i32 to vector<16xi32>
      %add3A_324 = arith.addi %get3A_322, %add3A_323 : vector<16xi32>
      %swap3A_325 = arith.constant 384 : index
      %swap3A_326 = tpu.vector_load %arg7[%swap3A_325] {strides = array<i32>} : memref<1024xi32, #tpu.memory_space<vmem>>, vector<16xi32>,
      %swap3A_327 = vector.shape_cast %swap3A_326 : vector<16xi32> to vector<16xi32>
      %swap3A_328 = vector.shape_cast %add3A_324 : vector<16xi32> to vector<16xi32>
      tpu.vector_store %arg7[%swap3A_325], %swap3A_328 {strides = array<i32>} : memref<1024xi32, #tpu.memory_space<vmem>>, vector<16xi32>,
      %get3A_329 = arith.constant 400 : index
      %get3A_330 = tpu.vector_load %arg7[%get3A_329] {strides = array<i32>} : memref<1024xi32, #tpu.memory_space<vmem>>, vector<16xi32>,
      %get3A_331 = vector.shape_cast %get3A_330 : vector<16xi32> to vector<16xi32>
      %add3A_332 = vector.broadcast %mul3A_4 : i32 to vector<16xi32>
      %add3A_333 = arith.addi %get3A_331, %add3A_332 : vector<16xi32>
      %swap3A_334 = arith.constant 400 : index
      %swap3A_335 = tpu.vector_load %arg7[%swap3A_334] {strides = array<i32>} : memref<1024xi32, #tpu.memory_space<vmem>>, vector<16xi32>,
      %swap3A_336 = vector.shape_cast %swap3A_335 : vector<16xi32> to vector<16xi32>
      %swap3A_337 = vector.shape_cast %add3A_333 : vector<16xi32> to vector<16xi32>
      tpu.vector_store %arg7[%swap3A_334], %swap3A_337 {strides = array<i32>} : memref<1024xi32, #tpu.memory_space<vmem>>, vector<16xi32>,
      %get3A_338 = arith.constant 416 : index
      %get3A_339 = tpu.vector_load %arg7[%get3A_338] {strides = array<i32>} : memref<1024xi32, #tpu.memory_space<vmem>>, vector<16xi32>,
      %get3A_340 = vector.shape_cast %get3A_339 : vector<16xi32> to vector<16xi32>
      %add3A_341 = vector.broadcast %mul3A_4 : i32 to vector<16xi32>
      %add3A_342 = arith.addi %get3A_340, %add3A_341 : vector<16xi32>
      %swap3A_343 = arith.constant 416 : index
      %swap3A_344 = tpu.vector_load %arg7[%swap3A_343] {strides = array<i32>} : memref<1024xi32, #tpu.memory_space<vmem>>, vector<16xi32>,
      %swap3A_345 = vector.shape_cast %swap3A_344 : vector<16xi32> to vector<16xi32>
      %swap3A_346 = vector.shape_cast %add3A_342 : vector<16xi32> to vector<16xi32>
      tpu.vector_store %arg7[%swap3A_343], %swap3A_346 {strides = array<i32>} : memref<1024xi32, #tpu.memory_space<vmem>>, vector<16xi32>,
      %get3A_347 = arith.constant 432 : index
      %get3A_348 = tpu.vector_load %arg7[%get3A_347] {strides = array<i32>} : memref<1024xi32, #tpu.memory_space<vmem>>, vector<16xi32>,
      %get3A_349 = vector.shape_cast %get3A_348 : vector<16xi32> to vector<16xi32>
      %add3A_350 = vector.broadcast %mul3A_4 : i32 to vector<16xi32>
      %add3A_351 = arith.addi %get3A_349, %add3A_350 : vector<16xi32>
      %swap3A_352 = arith.constant 432 : index
      %swap3A_353 = tpu.vector_load %arg7[%swap3A_352] {strides = array<i32>} : memref<1024xi32, #tpu.memory_space<vmem>>, vector<16xi32>,
      %swap3A_354 = vector.shape_cast %swap3A_353 : vector<16xi32> to vector<16xi32>
      %swap3A_355 = vector.shape_cast %add3A_351 : vector<16xi32> to vector<16xi32>
      tpu.vector_store %arg7[%swap3A_352], %swap3A_355 {strides = array<i32>} : memref<1024xi32, #tpu.memory_space<vmem>>, vector<16xi32>,
      %get3A_356 = arith.constant 448 : index
      %get3A_357 = tpu.vector_load %arg7[%get3A_356] {strides = array<i32>} : memref<1024xi32, #tpu.memory_space<vmem>>, vector<16xi32>,
      %get3A_358 = vector.shape_cast %get3A_357 : vector<16xi32> to vector<16xi32>
      %add3A_359 = vector.broadcast %mul3A_4 : i32 to vector<16xi32>
      %add3A_360 = arith.addi %get3A_358, %add3A_359 : vector<16xi32>
      %swap3A_361 = arith.constant 448 : index
      %swap3A_362 = tpu.vector_load %arg7[%swap3A_361] {strides = array<i32>} : memref<1024xi32, #tpu.memory_space<vmem>>, vector<16xi32>,
      %swap3A_363 = vector.shape_cast %swap3A_362 : vector<16xi32> to vector<16xi32>
      %swap3A_364 = vector.shape_cast %add3A_360 : vector<16xi32> to vector<16xi32>
      tpu.vector_store %arg7[%swap3A_361], %swap3A_364 {strides = array<i32>} : memref<1024xi32, #tpu.memory_space<vmem>>, vector<16xi32>,
      %get3A_365 = arith.constant 464 : index
      %get3A_366 = tpu.vector_load %arg7[%get3A_365] {strides = array<i32>} : memref<1024xi32, #tpu.memory_space<vmem>>, vector<16xi32>,
      %get3A_367 = vector.shape_cast %get3A_366 : vector<16xi32> to vector<16xi32>
      %add3A_368 = vector.broadcast %mul3A_4 : i32 to vector<16xi32>
      %add3A_369 = arith.addi %get3A_367, %add3A_368 : vector<16xi32>
      %swap3A_370 = arith.constant 464 : index
      %swap3A_371 = tpu.vector_load %arg7[%swap3A_370] {strides = array<i32>} : memref<1024xi32, #tpu.memory_space<vmem>>, vector<16xi32>,
      %swap3A_372 = vector.shape_cast %swap3A_371 : vector<16xi32> to vector<16xi32>
      %swap3A_373 = vector.shape_cast %add3A_369 : vector<16xi32> to vector<16xi32>
      tpu.vector_store %arg7[%swap3A_370], %swap3A_373 {strides = array<i32>} : memref<1024xi32, #tpu.memory_space<vmem>>, vector<16xi32>,
      %get3A_374 = arith.constant 480 : index
      %get3A_375 = tpu.vector_load %arg7[%get3A_374] {strides = array<i32>} : memref<1024xi32, #tpu.memory_space<vmem>>, vector<16xi32>,
      %get3A_376 = vector.shape_cast %get3A_375 : vector<16xi32> to vector<16xi32>
      %add3A_377 = vector.broadcast %mul3A_4 : i32 to vector<16xi32>
      %add3A_378 = arith.addi %get3A_376, %add3A_377 : vector<16xi32>
      %swap3A_379 = arith.constant 480 : index
      %swap3A_380 = tpu.vector_load %arg7[%swap3A_379] {strides = array<i32>} : memref<1024xi32, #tpu.memory_space<vmem>>, vector<16xi32>,
      %swap3A_381 = vector.shape_cast %swap3A_380 : vector<16xi32> to vector<16xi32>
      %swap3A_382 = vector.shape_cast %add3A_378 : vector<16xi32> to vector<16xi32>
      tpu.vector_store %arg7[%swap3A_379], %swap3A_382 {strides = array<i32>} : memref<1024xi32, #tpu.memory_space<vmem>>, vector<16xi32>,
      %get3A_383 = arith.constant 496 : index
      %get3A_384 = tpu.vector_load %arg7[%get3A_383] {strides = array<i32>} : memref<1024xi32, #tpu.memory_space<vmem>>, vector<16xi32>,
      %get3A_385 = vector.shape_cast %get3A_384 : vector<16xi32> to vector<16xi32>
      %add3A_386 = vector.broadcast %mul3A_4 : i32 to vector<16xi32>
      %add3A_387 = arith.addi %get3A_385, %add3A_386 : vector<16xi32>
      %swap3A_388 = arith.constant 496 : index
      %swap3A_389 = tpu.vector_load %arg7[%swap3A_388] {strides = array<i32>} : memref<1024xi32, #tpu.memory_space<vmem>>, vector<16xi32>,
      %swap3A_390 = vector.shape_cast %swap3A_389 : vector<16xi32> to vector<16xi32>
      %swap3A_391 = vector.shape_cast %add3A_387 : vector<16xi32> to vector<16xi32>
      tpu.vector_store %arg7[%swap3A_388], %swap3A_391 {strides = array<i32>} : memref<1024xi32, #tpu.memory_space<vmem>>, vector<16xi32>,
      %get3A_392 = arith.constant 512 : index
      %get3A_393 = tpu.vector_load %arg7[%get3A_392] {strides = array<i32>} : memref<1024xi32, #tpu.memory_space<vmem>>, vector<16xi32>,
      %get3A_394 = vector.shape_cast %get3A_393 : vector<16xi32> to vector<16xi32>
      %add3A_395 = vector.broadcast %mul3A_4 : i32 to vector<16xi32>
      %add3A_396 = arith.addi %get3A_394, %add3A_395 : vector<16xi32>
      %swap3A_397 = arith.constant 512 : index
      %swap3A_398 = tpu.vector_load %arg7[%swap3A_397] {strides = array<i32>} : memref<1024xi32, #tpu.memory_space<vmem>>, vector<16xi32>,
      %swap3A_399 = vector.shape_cast %swap3A_398 : vector<16xi32> to vector<16xi32>
      %swap3A_400 = vector.shape_cast %add3A_396 : vector<16xi32> to vector<16xi32>
      tpu.vector_store %arg7[%swap3A_397], %swap3A_400 {strides = array<i32>} : memref<1024xi32, #tpu.memory_space<vmem>>, vector<16xi32>,
      %get3A_401 = arith.constant 528 : index
      %get3A_402 = tpu.vector_load %arg7[%get3A_401] {strides = array<i32>} : memref<1024xi32, #tpu.memory_space<vmem>>, vector<16xi32>,
      %get3A_403 = vector.shape_cast %get3A_402 : vector<16xi32> to vector<16xi32>
      %add3A_404 = vector.broadcast %mul3A_4 : i32 to vector<16xi32>
      %add3A_405 = arith.addi %get3A_403, %add3A_404 : vector<16xi32>
      %swap3A_406 = arith.constant 528 : index
      %swap3A_407 = tpu.vector_load %arg7[%swap3A_406] {strides = array<i32>} : memref<1024xi32, #tpu.memory_space<vmem>>, vector<16xi32>,
      %swap3A_408 = vector.shape_cast %swap3A_407 : vector<16xi32> to vector<16xi32>
      %swap3A_409 = vector.shape_cast %add3A_405 : vector<16xi32> to vector<16xi32>
      tpu.vector_store %arg7[%swap3A_406], %swap3A_409 {strides = array<i32>} : memref<1024xi32, #tpu.memory_space<vmem>>, vector<16xi32>,
      %get3A_410 = arith.constant 544 : index
      %get3A_411 = tpu.vector_load %arg7[%get3A_410] {strides = array<i32>} : memref<1024xi32, #tpu.memory_space<vmem>>, vector<16xi32>,
      %get3A_412 = vector.shape_cast %get3A_411 : vector<16xi32> to vector<16xi32>
      %add3A_413 = vector.broadcast %mul3A_4 : i32 to vector<16xi32>
      %add3A_414 = arith.addi %get3A_412, %add3A_413 : vector<16xi32>
      %swap3A_415 = arith.constant 544 : index
      %swap3A_416 = tpu.vector_load %arg7[%swap3A_415] {strides = array<i32>} : memref<1024xi32, #tpu.memory_space<vmem>>, vector<16xi32>,
      %swap3A_417 = vector.shape_cast %swap3A_416 : vector<16xi32> to vector<16xi32>
      %swap3A_418 = vector.shape_cast %add3A_414 : vector<16xi32> to vector<16xi32>
      tpu.vector_store %arg7[%swap3A_415], %swap3A_418 {strides = array<i32>} : memref<1024xi32, #tpu.memory_space<vmem>>, vector<16xi32>,
      %get3A_419 = arith.constant 560 : index
      %get3A_420 = tpu.vector_load %arg7[%get3A_419] {strides = array<i32>} : memref<1024xi32, #tpu.memory_space<vmem>>, vector<16xi32>,
      %get3A_421 = vector.shape_cast %get3A_420 : vector<16xi32> to vector<16xi32>
      %add3A_422 = vector.broadcast %mul3A_4 : i32 to vector<16xi32>
      %add3A_423 = arith.addi %get3A_421, %add3A_422 : vector<16xi32>
      %swap3A_424 = arith.constant 560 : index
      %swap3A_425 = tpu.vector_load %arg7[%swap3A_424] {strides = array<i32>} : memref<1024xi32, #tpu.memory_space<vmem>>, vector<16xi32>,
      %swap3A_426 = vector.shape_cast %swap3A_425 : vector<16xi32> to vector<16xi32>
      %swap3A_427 = vector.shape_cast %add3A_423 : vector<16xi32> to vector<16xi32>
      tpu.vector_store %arg7[%swap3A_424], %swap3A_427 {strides = array<i32>} : memref<1024xi32, #tpu.memory_space<vmem>>, vector<16xi32>,
      %get3A_428 = arith.constant 576 : index
      %get3A_429 = tpu.vector_load %arg7[%get3A_428] {strides = array<i32>} : memref<1024xi32, #tpu.memory_space<vmem>>, vector<16xi32>,
      %get3A_430 = vector.shape_cast %get3A_429 : vector<16xi32> to vector<16xi32>
      %add3A_431 = vector.broadcast %mul3A_4 : i32 to vector<16xi32>
      %add3A_432 = arith.addi %get3A_430, %add3A_431 : vector<16xi32>
      %swap3A_433 = arith.constant 576 : index
      %swap3A_434 = tpu.vector_load %arg7[%swap3A_433] {strides = array<i32>} : memref<1024xi32, #tpu.memory_space<vmem>>, vector<16xi32>,
      %swap3A_435 = vector.shape_cast %swap3A_434 : vector<16xi32> to vector<16xi32>
      %swap3A_436 = vector.shape_cast %add3A_432 : vector<16xi32> to vector<16xi32>
      tpu.vector_store %arg7[%swap3A_433], %swap3A_436 {strides = array<i32>} : memref<1024xi32, #tpu.memory_space<vmem>>, vector<16xi32>,
      %get3A_437 = arith.constant 592 : index
      %get3A_438 = tpu.vector_load %arg7[%get3A_437] {strides = array<i32>} : memref<1024xi32, #tpu.memory_space<vmem>>, vector<16xi32>,
      %get3A_439 = vector.shape_cast %get3A_438 : vector<16xi32> to vector<16xi32>
      %add3A_440 = vector.broadcast %mul3A_4 : i32 to vector<16xi32>
      %add3A_441 = arith.addi %get3A_439, %add3A_440 : vector<16xi32>
      %swap3A_442 = arith.constant 592 : index
      %swap3A_443 = tpu.vector_load %arg7[%swap3A_442] {strides = array<i32>} : memref<1024xi32, #tpu.memory_space<vmem>>, vector<16xi32>,
      %swap3A_444 = vector.shape_cast %swap3A_443 : vector<16xi32> to vector<16xi32>
      %swap3A_445 = vector.shape_cast %add3A_441 : vector<16xi32> to vector<16xi32>
      tpu.vector_store %arg7[%swap3A_442], %swap3A_445 {strides = array<i32>} : memref<1024xi32, #tpu.memory_space<vmem>>, vector<16xi32>,
      %get3A_446 = arith.constant 608 : index
      %get3A_447 = tpu.vector_load %arg7[%get3A_446] {strides = array<i32>} : memref<1024xi32, #tpu.memory_space<vmem>>, vector<16xi32>,
      %get3A_448 = vector.shape_cast %get3A_447 : vector<16xi32> to vector<16xi32>
      %add3A_449 = vector.broadcast %mul3A_4 : i32 to vector<16xi32>
      %add3A_450 = arith.addi %get3A_448, %add3A_449 : vector<16xi32>
      %swap3A_451 = arith.constant 608 : index
      %swap3A_452 = tpu.vector_load %arg7[%swap3A_451] {strides = array<i32>} : memref<1024xi32, #tpu.memory_space<vmem>>, vector<16xi32>,
      %swap3A_453 = vector.shape_cast %swap3A_452 : vector<16xi32> to vector<16xi32>
      %swap3A_454 = vector.shape_cast %add3A_450 : vector<16xi32> to vector<16xi32>
      tpu.vector_store %arg7[%swap3A_451], %swap3A_454 {strides = array<i32>} : memref<1024xi32, #tpu.memory_space<vmem>>, vector<16xi32>,
      %get3A_455 = arith.constant 624 : index
      %get3A_456 = tpu.vector_load %arg7[%get3A_455] {strides = array<i32>} : memref<1024xi32, #tpu.memory_space<vmem>>, vector<16xi32>,
      %get3A_457 = vector.shape_cast %get3A_456 : vector<16xi32> to vector<16xi32>
      %add3A_458 = vector.broadcast %mul3A_4 : i32 to vector<16xi32>
      %add3A_459 = arith.addi %get3A_457, %add3A_458 : vector<16xi32>
      %swap3A_460 = arith.constant 624 : index
      %swap3A_461 = tpu.vector_load %arg7[%swap3A_460] {strides = array<i32>} : memref<1024xi32, #tpu.memory_space<vmem>>, vector<16xi32>,
      %swap3A_462 = vector.shape_cast %swap3A_461 : vector<16xi32> to vector<16xi32>
      %swap3A_463 = vector.shape_cast %add3A_459 : vector<16xi32> to vector<16xi32>
      tpu.vector_store %arg7[%swap3A_460], %swap3A_463 {strides = array<i32>} : memref<1024xi32, #tpu.memory_space<vmem>>, vector<16xi32>,
      %get3A_464 = arith.constant 640 : index
      %get3A_465 = tpu.vector_load %arg7[%get3A_464] {strides = array<i32>} : memref<1024xi32, #tpu.memory_space<vmem>>, vector<16xi32>,
      %get3A_466 = vector.shape_cast %get3A_465 : vector<16xi32> to vector<16xi32>
      %add3A_467 = vector.broadcast %mul3A_4 : i32 to vector<16xi32>
      %add3A_468 = arith.addi %get3A_466, %add3A_467 : vector<16xi32>
      %swap3A_469 = arith.constant 640 : index
      %swap3A_470 = tpu.vector_load %arg7[%swap3A_469] {strides = array<i32>} : memref<1024xi32, #tpu.memory_space<vmem>>, vector<16xi32>,
      %swap3A_471 = vector.shape_cast %swap3A_470 : vector<16xi32> to vector<16xi32>
      %swap3A_472 = vector.shape_cast %add3A_468 : vector<16xi32> to vector<16xi32>
      tpu.vector_store %arg7[%swap3A_469], %swap3A_472 {strides = array<i32>} : memref<1024xi32, #tpu.memory_space<vmem>>, vector<16xi32>,
      %get3A_473 = arith.constant 656 : index
      %get3A_474 = tpu.vector_load %arg7[%get3A_473] {strides = array<i32>} : memref<1024xi32, #tpu.memory_space<vmem>>, vector<16xi32>,
      %get3A_475 = vector.shape_cast %get3A_474 : vector<16xi32> to vector<16xi32>
      %add3A_476 = vector.broadcast %mul3A_4 : i32 to vector<16xi32>
      %add3A_477 = arith.addi %get3A_475, %add3A_476 : vector<16xi32>
      %swap3A_478 = arith.constant 656 : index
      %swap3A_479 = tpu.vector_load %arg7[%swap3A_478] {strides = array<i32>} : memref<1024xi32, #tpu.memory_space<vmem>>, vector<16xi32>,
      %swap3A_480 = vector.shape_cast %swap3A_479 : vector<16xi32> to vector<16xi32>
      %swap3A_481 = vector.shape_cast %add3A_477 : vector<16xi32> to vector<16xi32>
      tpu.vector_store %arg7[%swap3A_478], %swap3A_481 {strides = array<i32>} : memref<1024xi32, #tpu.memory_space<vmem>>, vector<16xi32>,
      %get3A_482 = arith.constant 672 : index
      %get3A_483 = tpu.vector_load %arg7[%get3A_482] {strides = array<i32>} : memref<1024xi32, #tpu.memory_space<vmem>>, vector<16xi32>,
      %get3A_484 = vector.shape_cast %get3A_483 : vector<16xi32> to vector<16xi32>
      %add3A_485 = vector.broadcast %mul3A_4 : i32 to vector<16xi32>
      %add3A_486 = arith.addi %get3A_484, %add3A_485 : vector<16xi32>
      %swap3A_487 = arith.constant 672 : index
      %swap3A_488 = tpu.vector_load %arg7[%swap3A_487] {strides = array<i32>} : memref<1024xi32, #tpu.memory_space<vmem>>, vector<16xi32>,
      %swap3A_489 = vector.shape_cast %swap3A_488 : vector<16xi32> to vector<16xi32>
      %swap3A_490 = vector.shape_cast %add3A_486 : vector<16xi32> to vector<16xi32>
      tpu.vector_store %arg7[%swap3A_487], %swap3A_490 {strides = array<i32>} : memref<1024xi32, #tpu.memory_space<vmem>>, vector<16xi32>,
      %get3A_491 = arith.constant 688 : index
      %get3A_492 = tpu.vector_load %arg7[%get3A_491] {strides = array<i32>} : memref<1024xi32, #tpu.memory_space<vmem>>, vector<16xi32>,
      %get3A_493 = vector.shape_cast %get3A_492 : vector<16xi32> to vector<16xi32>
      %add3A_494 = vector.broadcast %mul3A_4 : i32 to vector<16xi32>
      %add3A_495 = arith.addi %get3A_493, %add3A_494 : vector<16xi32>
      %swap3A_496 = arith.constant 688 : index
      %swap3A_497 = tpu.vector_load %arg7[%swap3A_496] {strides = array<i32>} : memref<1024xi32, #tpu.memory_space<vmem>>, vector<16xi32>,
      %swap3A_498 = vector.shape_cast %swap3A_497 : vector<16xi32> to vector<16xi32>
      %swap3A_499 = vector.shape_cast %add3A_495 : vector<16xi32> to vector<16xi32>
      tpu.vector_store %arg7[%swap3A_496], %swap3A_499 {strides = array<i32>} : memref<1024xi32, #tpu.memory_space<vmem>>, vector<16xi32>,
      %get3A_500 = arith.constant 704 : index
      %get3A_501 = tpu.vector_load %arg7[%get3A_500] {strides = array<i32>} : memref<1024xi32, #tpu.memory_space<vmem>>, vector<16xi32>,
      %get3A_502 = vector.shape_cast %get3A_501 : vector<16xi32> to vector<16xi32>
      %add3A_503 = vector.broadcast %mul3A_4 : i32 to vector<16xi32>
      %add3A_504 = arith.addi %get3A_502, %add3A_503 : vector<16xi32>
      %swap3A_505 = arith.constant 704 : index
      %swap3A_506 = tpu.vector_load %arg7[%swap3A_505] {strides = array<i32>} : memref<1024xi32, #tpu.memory_space<vmem>>, vector<16xi32>,
      %swap3A_507 = vector.shape_cast %swap3A_506 : vector<16xi32> to vector<16xi32>
      %swap3A_508 = vector.shape_cast %add3A_504 : vector<16xi32> to vector<16xi32>
      tpu.vector_store %arg7[%swap3A_505], %swap3A_508 {strides = array<i32>} : memref<1024xi32, #tpu.memory_space<vmem>>, vector<16xi32>,
      %get3A_509 = arith.constant 720 : index
      %get3A_510 = tpu.vector_load %arg7[%get3A_509] {strides = array<i32>} : memref<1024xi32, #tpu.memory_space<vmem>>, vector<16xi32>,
      %get3A_511 = vector.shape_cast %get3A_510 : vector<16xi32> to vector<16xi32>
      %add3A_512 = vector.broadcast %mul3A_4 : i32 to vector<16xi32>
      %add3A_513 = arith.addi %get3A_511, %add3A_512 : vector<16xi32>
      %swap3A_514 = arith.constant 720 : index
      %swap3A_515 = tpu.vector_load %arg7[%swap3A_514] {strides = array<i32>} : memref<1024xi32, #tpu.memory_space<vmem>>, vector<16xi32>,
      %swap3A_516 = vector.shape_cast %swap3A_515 : vector<16xi32> to vector<16xi32>
      %swap3A_517 = vector.shape_cast %add3A_513 : vector<16xi32> to vector<16xi32>
      tpu.vector_store %arg7[%swap3A_514], %swap3A_517 {strides = array<i32>} : memref<1024xi32, #tpu.memory_space<vmem>>, vector<16xi32>,
      %get3A_518 = arith.constant 736 : index
      %get3A_519 = tpu.vector_load %arg7[%get3A_518] {strides = array<i32>} : memref<1024xi32, #tpu.memory_space<vmem>>, vector<16xi32>,
      %get3A_520 = vector.shape_cast %get3A_519 : vector<16xi32> to vector<16xi32>
      %add3A_521 = vector.broadcast %mul3A_4 : i32 to vector<16xi32>
      %add3A_522 = arith.addi %get3A_520, %add3A_521 : vector<16xi32>
      %swap3A_523 = arith.constant 736 : index
      %swap3A_524 = tpu.vector_load %arg7[%swap3A_523] {strides = array<i32>} : memref<1024xi32, #tpu.memory_space<vmem>>, vector<16xi32>,
      %swap3A_525 = vector.shape_cast %swap3A_524 : vector<16xi32> to vector<16xi32>
      %swap3A_526 = vector.shape_cast %add3A_522 : vector<16xi32> to vector<16xi32>
      tpu.vector_store %arg7[%swap3A_523], %swap3A_526 {strides = array<i32>} : memref<1024xi32, #tpu.memory_space<vmem>>, vector<16xi32>,
      %get3A_527 = arith.constant 752 : index
      %get3A_528 = tpu.vector_load %arg7[%get3A_527] {strides = array<i32>} : memref<1024xi32, #tpu.memory_space<vmem>>, vector<16xi32>,
      %get3A_529 = vector.shape_cast %get3A_528 : vector<16xi32> to vector<16xi32>
      %add3A_530 = vector.broadcast %mul3A_4 : i32 to vector<16xi32>
      %add3A_531 = arith.addi %get3A_529, %add3A_530 : vector<16xi32>
      %swap3A_532 = arith.constant 752 : index
      %swap3A_533 = tpu.vector_load %arg7[%swap3A_532] {strides = array<i32>} : memref<1024xi32, #tpu.memory_space<vmem>>, vector<16xi32>,
      %swap3A_534 = vector.shape_cast %swap3A_533 : vector<16xi32> to vector<16xi32>
      %swap3A_535 = vector.shape_cast %add3A_531 : vector<16xi32> to vector<16xi32>
      tpu.vector_store %arg7[%swap3A_532], %swap3A_535 {strides = array<i32>} : memref<1024xi32, #tpu.memory_space<vmem>>, vector<16xi32>,
      %get3A_536 = arith.constant 768 : index
      %get3A_537 = tpu.vector_load %arg7[%get3A_536] {strides = array<i32>} : memref<1024xi32, #tpu.memory_space<vmem>>, vector<16xi32>,
      %get3A_538 = vector.shape_cast %get3A_537 : vector<16xi32> to vector<16xi32>
      %add3A_539 = vector.broadcast %mul3A_4 : i32 to vector<16xi32>
      %add3A_540 = arith.addi %get3A_538, %add3A_539 : vector<16xi32>
      %swap3A_541 = arith.constant 768 : index
      %swap3A_542 = tpu.vector_load %arg7[%swap3A_541] {strides = array<i32>} : memref<1024xi32, #tpu.memory_space<vmem>>, vector<16xi32>,
      %swap3A_543 = vector.shape_cast %swap3A_542 : vector<16xi32> to vector<16xi32>
      %swap3A_544 = vector.shape_cast %add3A_540 : vector<16xi32> to vector<16xi32>
      tpu.vector_store %arg7[%swap3A_541], %swap3A_544 {strides = array<i32>} : memref<1024xi32, #tpu.memory_space<vmem>>, vector<16xi32>,
      %get3A_545 = arith.constant 784 : index
      %get3A_546 = tpu.vector_load %arg7[%get3A_545] {strides = array<i32>} : memref<1024xi32, #tpu.memory_space<vmem>>, vector<16xi32>,
      %get3A_547 = vector.shape_cast %get3A_546 : vector<16xi32> to vector<16xi32>
      %add3A_548 = vector.broadcast %mul3A_4 : i32 to vector<16xi32>
      %add3A_549 = arith.addi %get3A_547, %add3A_548 : vector<16xi32>
      %swap3A_550 = arith.constant 784 : index
      %swap3A_551 = tpu.vector_load %arg7[%swap3A_550] {strides = array<i32>} : memref<1024xi32, #tpu.memory_space<vmem>>, vector<16xi32>,
      %swap3A_552 = vector.shape_cast %swap3A_551 : vector<16xi32> to vector<16xi32>
      %swap3A_553 = vector.shape_cast %add3A_549 : vector<16xi32> to vector<16xi32>
      tpu.vector_store %arg7[%swap3A_550], %swap3A_553 {strides = array<i32>} : memref<1024xi32, #tpu.memory_space<vmem>>, vector<16xi32>,
      %get3A_554 = arith.constant 800 : index
      %get3A_555 = tpu.vector_load %arg7[%get3A_554] {strides = array<i32>} : memref<1024xi32, #tpu.memory_space<vmem>>, vector<16xi32>,
      %get3A_556 = vector.shape_cast %get3A_555 : vector<16xi32> to vector<16xi32>
      %add3A_557 = vector.broadcast %mul3A_4 : i32 to vector<16xi32>
      %add3A_558 = arith.addi %get3A_556, %add3A_557 : vector<16xi32>
      %swap3A_559 = arith.constant 800 : index
      %swap3A_560 = tpu.vector_load %arg7[%swap3A_559] {strides = array<i32>} : memref<1024xi32, #tpu.memory_space<vmem>>, vector<16xi32>,
      %swap3A_561 = vector.shape_cast %swap3A_560 : vector<16xi32> to vector<16xi32>
      %swap3A_562 = vector.shape_cast %add3A_558 : vector<16xi32> to vector<16xi32>
      tpu.vector_store %arg7[%swap3A_559], %swap3A_562 {strides = array<i32>} : memref<1024xi32, #tpu.memory_space<vmem>>, vector<16xi32>,
      %get3A_563 = arith.constant 816 : index
      %get3A_564 = tpu.vector_load %arg7[%get3A_563] {strides = array<i32>} : memref<1024xi32, #tpu.memory_space<vmem>>, vector<16xi32>,
      %get3A_565 = vector.shape_cast %get3A_564 : vector<16xi32> to vector<16xi32>
      %add3A_566 = vector.broadcast %mul3A_4 : i32 to vector<16xi32>
      %add3A_567 = arith.addi %get3A_565, %add3A_566 : vector<16xi32>
      %swap3A_568 = arith.constant 816 : index
      %swap3A_569 = tpu.vector_load %arg7[%swap3A_568] {strides = array<i32>} : memref<1024xi32, #tpu.memory_space<vmem>>, vector<16xi32>,
      %swap3A_570 = vector.shape_cast %swap3A_569 : vector<16xi32> to vector<16xi32>
      %swap3A_571 = vector.shape_cast %add3A_567 : vector<16xi32> to vector<16xi32>
      tpu.vector_store %arg7[%swap3A_568], %swap3A_571 {strides = array<i32>} : memref<1024xi32, #tpu.memory_space<vmem>>, vector<16xi32>,
      %get3A_572 = arith.constant 832 : index
      %get3A_573 = tpu.vector_load %arg7[%get3A_572] {strides = array<i32>} : memref<1024xi32, #tpu.memory_space<vmem>>, vector<16xi32>,
      %get3A_574 = vector.shape_cast %get3A_573 : vector<16xi32> to vector<16xi32>
      %add3A_575 = vector.broadcast %mul3A_4 : i32 to vector<16xi32>
      %add3A_576 = arith.addi %get3A_574, %add3A_575 : vector<16xi32>
      %swap3A_577 = arith.constant 832 : index
      %swap3A_578 = tpu.vector_load %arg7[%swap3A_577] {strides = array<i32>} : memref<1024xi32, #tpu.memory_space<vmem>>, vector<16xi32>,
      %swap3A_579 = vector.shape_cast %swap3A_578 : vector<16xi32> to vector<16xi32>
      %swap3A_580 = vector.shape_cast %add3A_576 : vector<16xi32> to vector<16xi32>
      tpu.vector_store %arg7[%swap3A_577], %swap3A_580 {strides = array<i32>} : memref<1024xi32, #tpu.memory_space<vmem>>, vector<16xi32>,
      %get3A_581 = arith.constant 848 : index
      %get3A_582 = tpu.vector_load %arg7[%get3A_581] {strides = array<i32>} : memref<1024xi32, #tpu.memory_space<vmem>>, vector<16xi32>,
      %get3A_583 = vector.shape_cast %get3A_582 : vector<16xi32> to vector<16xi32>
      %add3A_584 = vector.broadcast %mul3A_4 : i32 to vector<16xi32>
      %add3A_585 = arith.addi %get3A_583, %add3A_584 : vector<16xi32>
      %swap3A_586 = arith.constant 848 : index
      %swap3A_587 = tpu.vector_load %arg7[%swap3A_586] {strides = array<i32>} : memref<1024xi32, #tpu.memory_space<vmem>>, vector<16xi32>,
      %swap3A_588 = vector.shape_cast %swap3A_587 : vector<16xi32> to vector<16xi32>
      %swap3A_589 = vector.shape_cast %add3A_585 : vector<16xi32> to vector<16xi32>
      tpu.vector_store %arg7[%swap3A_586], %swap3A_589 {strides = array<i32>} : memref<1024xi32, #tpu.memory_space<vmem>>, vector<16xi32>,
      %get3A_590 = arith.constant 864 : index
      %get3A_591 = tpu.vector_load %arg7[%get3A_590] {strides = array<i32>} : memref<1024xi32, #tpu.memory_space<vmem>>, vector<16xi32>,
      %get3A_592 = vector.shape_cast %get3A_591 : vector<16xi32> to vector<16xi32>
      %add3A_593 = vector.broadcast %mul3A_4 : i32 to vector<16xi32>
      %add3A_594 = arith.addi %get3A_592, %add3A_593 : vector<16xi32>
      %swap3A_595 = arith.constant 864 : index
      %swap3A_596 = tpu.vector_load %arg7[%swap3A_595] {strides = array<i32>} : memref<1024xi32, #tpu.memory_space<vmem>>, vector<16xi32>,
      %swap3A_597 = vector.shape_cast %swap3A_596 : vector<16xi32> to vector<16xi32>
      %swap3A_598 = vector.shape_cast %add3A_594 : vector<16xi32> to vector<16xi32>
      tpu.vector_store %arg7[%swap3A_595], %swap3A_598 {strides = array<i32>} : memref<1024xi32, #tpu.memory_space<vmem>>, vector<16xi32>,
      %get3A_599 = arith.constant 880 : index
      %get3A_600 = tpu.vector_load %arg7[%get3A_599] {strides = array<i32>} : memref<1024xi32, #tpu.memory_space<vmem>>, vector<16xi32>,
      %get3A_601 = vector.shape_cast %get3A_600 : vector<16xi32> to vector<16xi32>
      %add3A_602 = vector.broadcast %mul3A_4 : i32 to vector<16xi32>
      %add3A_603 = arith.addi %get3A_601, %add3A_602 : vector<16xi32>
      %swap3A_604 = arith.constant 880 : index
      %swap3A_605 = tpu.vector_load %arg7[%swap3A_604] {strides = array<i32>} : memref<1024xi32, #tpu.memory_space<vmem>>, vector<16xi32>,
      %swap3A_606 = vector.shape_cast %swap3A_605 : vector<16xi32> to vector<16xi32>
      %swap3A_607 = vector.shape_cast %add3A_603 : vector<16xi32> to vector<16xi32>
      tpu.vector_store %arg7[%swap3A_604], %swap3A_607 {strides = array<i32>} : memref<1024xi32, #tpu.memory_space<vmem>>, vector<16xi32>,
      %get3A_608 = arith.constant 896 : index
      %get3A_609 = tpu.vector_load %arg7[%get3A_608] {strides = array<i32>} : memref<1024xi32, #tpu.memory_space<vmem>>, vector<16xi32>,
      %get3A_610 = vector.shape_cast %get3A_609 : vector<16xi32> to vector<16xi32>
      %add3A_611 = vector.broadcast %mul3A_4 : i32 to vector<16xi32>
      %add3A_612 = arith.addi %get3A_610, %add3A_611 : vector<16xi32>
      %swap3A_613 = arith.constant 896 : index
      %swap3A_614 = tpu.vector_load %arg7[%swap3A_613] {strides = array<i32>} : memref<1024xi32, #tpu.memory_space<vmem>>, vector<16xi32>,
      %swap3A_615 = vector.shape_cast %swap3A_614 : vector<16xi32> to vector<16xi32>
      %swap3A_616 = vector.shape_cast %add3A_612 : vector<16xi32> to vector<16xi32>
      tpu.vector_store %arg7[%swap3A_613], %swap3A_616 {strides = array<i32>} : memref<1024xi32, #tpu.memory_space<vmem>>, vector<16xi32>,
      %get3A_617 = arith.constant 912 : index
      %get3A_618 = tpu.vector_load %arg7[%get3A_617] {strides = array<i32>} : memref<1024xi32, #tpu.memory_space<vmem>>, vector<16xi32>,
      %get3A_619 = vector.shape_cast %get3A_618 : vector<16xi32> to vector<16xi32>
      %add3A_620 = vector.broadcast %mul3A_4 : i32 to vector<16xi32>
      %add3A_621 = arith.addi %get3A_619, %add3A_620 : vector<16xi32>
      %swap3A_622 = arith.constant 912 : index
      %swap3A_623 = tpu.vector_load %arg7[%swap3A_622] {strides = array<i32>} : memref<1024xi32, #tpu.memory_space<vmem>>, vector<16xi32>,
      %swap3A_624 = vector.shape_cast %swap3A_623 : vector<16xi32> to vector<16xi32>
      %swap3A_625 = vector.shape_cast %add3A_621 : vector<16xi32> to vector<16xi32>
      tpu.vector_store %arg7[%swap3A_622], %swap3A_625 {strides = array<i32>} : memref<1024xi32, #tpu.memory_space<vmem>>, vector<16xi32>,
      %get3A_626 = arith.constant 928 : index
      %get3A_627 = tpu.vector_load %arg7[%get3A_626] {strides = array<i32>} : memref<1024xi32, #tpu.memory_space<vmem>>, vector<16xi32>,
      %get3A_628 = vector.shape_cast %get3A_627 : vector<16xi32> to vector<16xi32>
      %add3A_629 = vector.broadcast %mul3A_4 : i32 to vector<16xi32>
      %add3A_630 = arith.addi %get3A_628, %add3A_629 : vector<16xi32>
      %swap3A_631 = arith.constant 928 : index
      %swap3A_632 = tpu.vector_load %arg7[%swap3A_631] {strides = array<i32>} : memref<1024xi32, #tpu.memory_space<vmem>>, vector<16xi32>,
      %swap3A_633 = vector.shape_cast %swap3A_632 : vector<16xi32> to vector<16xi32>
      %swap3A_634 = vector.shape_cast %add3A_630 : vector<16xi32> to vector<16xi32>
      tpu.vector_store %arg7[%swap3A_631], %swap3A_634 {strides = array<i32>} : memref<1024xi32, #tpu.memory_space<vmem>>, vector<16xi32>,
      %get3A_635 = arith.constant 944 : index
      %get3A_636 = tpu.vector_load %arg7[%get3A_635] {strides = array<i32>} : memref<1024xi32, #tpu.memory_space<vmem>>, vector<16xi32>,
      %get3A_637 = vector.shape_cast %get3A_636 : vector<16xi32> to vector<16xi32>
      %add3A_638 = vector.broadcast %mul3A_4 : i32 to vector<16xi32>
      %add3A_639 = arith.addi %get3A_637, %add3A_638 : vector<16xi32>
      %swap3A_640 = arith.constant 944 : index
      %swap3A_641 = tpu.vector_load %arg7[%swap3A_640] {strides = array<i32>} : memref<1024xi32, #tpu.memory_space<vmem>>, vector<16xi32>,
      %swap3A_642 = vector.shape_cast %swap3A_641 : vector<16xi32> to vector<16xi32>
      %swap3A_643 = vector.shape_cast %add3A_639 : vector<16xi32> to vector<16xi32>
      tpu.vector_store %arg7[%swap3A_640], %swap3A_643 {strides = array<i32>} : memref<1024xi32, #tpu.memory_space<vmem>>, vector<16xi32>,
      %get3A_644 = arith.constant 960 : index
      %get3A_645 = tpu.vector_load %arg7[%get3A_644] {strides = array<i32>} : memref<1024xi32, #tpu.memory_space<vmem>>, vector<16xi32>,
      %get3A_646 = vector.shape_cast %get3A_645 : vector<16xi32> to vector<16xi32>
      %add3A_647 = vector.broadcast %mul3A_4 : i32 to vector<16xi32>
      %add3A_648 = arith.addi %get3A_646, %add3A_647 : vector<16xi32>
      %swap3A_649 = arith.constant 960 : index
      %swap3A_650 = tpu.vector_load %arg7[%swap3A_649] {strides = array<i32>} : memref<1024xi32, #tpu.memory_space<vmem>>, vector<16xi32>,
      %swap3A_651 = vector.shape_cast %swap3A_650 : vector<16xi32> to vector<16xi32>
      %swap3A_652 = vector.shape_cast %add3A_648 : vector<16xi32> to vector<16xi32>
      tpu.vector_store %arg7[%swap3A_649], %swap3A_652 {strides = array<i32>} : memref<1024xi32, #tpu.memory_space<vmem>>, vector<16xi32>,
      %get3A_653 = arith.constant 976 : index
      %get3A_654 = tpu.vector_load %arg7[%get3A_653] {strides = array<i32>} : memref<1024xi32, #tpu.memory_space<vmem>>, vector<16xi32>,
      %get3A_655 = vector.shape_cast %get3A_654 : vector<16xi32> to vector<16xi32>
      %add3A_656 = vector.broadcast %mul3A_4 : i32 to vector<16xi32>
      %add3A_657 = arith.addi %get3A_655, %add3A_656 : vector<16xi32>
      %swap3A_658 = arith.constant 976 : index
      %swap3A_659 = tpu.vector_load %arg7[%swap3A_658] {strides = array<i32>} : memref<1024xi32, #tpu.memory_space<vmem>>, vector<16xi32>,
      %swap3A_660 = vector.shape_cast %swap3A_659 : vector<16xi32> to vector<16xi32>
      %swap3A_661 = vector.shape_cast %add3A_657 : vector<16xi32> to vector<16xi32>
      tpu.vector_store %arg7[%swap3A_658], %swap3A_661 {strides = array<i32>} : memref<1024xi32, #tpu.memory_space<vmem>>, vector<16xi32>,
      %get3A_662 = arith.constant 992 : index
      %get3A_663 = tpu.vector_load %arg7[%get3A_662] {strides = array<i32>} : memref<1024xi32, #tpu.memory_space<vmem>>, vector<16xi32>,
      %get3A_664 = vector.shape_cast %get3A_663 : vector<16xi32> to vector<16xi32>
      %add3A_665 = vector.broadcast %mul3A_4 : i32 to vector<16xi32>
      %add3A_666 = arith.addi %get3A_664, %add3A_665 : vector<16xi32>
      %swap3A_667 = arith.constant 992 : index
      %swap3A_668 = tpu.vector_load %arg7[%swap3A_667] {strides = array<i32>} : memref<1024xi32, #tpu.memory_space<vmem>>, vector<16xi32>,
      %swap3A_669 = vector.shape_cast %swap3A_668 : vector<16xi32> to vector<16xi32>
      %swap3A_670 = vector.shape_cast %add3A_666 : vector<16xi32> to vector<16xi32>
      tpu.vector_store %arg7[%swap3A_667], %swap3A_670 {strides = array<i32>} : memref<1024xi32, #tpu.memory_space<vmem>>, vector<16xi32>,
      %get3A_671 = arith.constant 1008 : index
      %get3A_672 = tpu.vector_load %arg7[%get3A_671] {strides = array<i32>} : memref<1024xi32, #tpu.memory_space<vmem>>, vector<16xi32>,
      %get3A_673 = vector.shape_cast %get3A_672 : vector<16xi32> to vector<16xi32>
      %add3A_674 = vector.broadcast %mul3A_4 : i32 to vector<16xi32>
      %add3A_675 = arith.addi %get3A_673, %add3A_674 : vector<16xi32>
      %swap3A_676 = arith.constant 1008 : index
      %swap3A_677 = tpu.vector_load %arg7[%swap3A_676] {strides = array<i32>} : memref<1024xi32, #tpu.memory_space<vmem>>, vector<16xi32>,
      %swap3A_678 = vector.shape_cast %swap3A_677 : vector<16xi32> to vector<16xi32>
      %swap3A_679 = vector.shape_cast %add3A_675 : vector<16xi32> to vector<16xi32>
      tpu.vector_store %arg7[%swap3A_676], %swap3A_679 {strides = array<i32>} : memref<1024xi32, #tpu.memory_space<vmem>>, vector<16xi32>,
      %dma_start3A_680 = arith.constant 0 : i32
      %dma_start3A_681 = arith.constant 0 : i32
      %dma_start3A_682 = arith.constant 0 : i32
      %dma_start3A_683 = tpu.memref_slice %arg9[%dma_start3A_680, %dma_start3A_681, %dma_start3A_682] : memref<8x128x16xf32, #tpu.memory_space<vmem>> -> memref<1x128x16xf32, #tpu.memory_space<vmem>>
      %dma_start3A_684 = tpu.memref_squeeze %dma_start3A_683 : memref<1x128x16xf32, #tpu.memory_space<vmem>> -> memref<128x16xf32, #tpu.memory_space<vmem>>
      %dma_start3A_685 = arith.constant 0 : i32
      %dma_start3A_686 = tpu.memref_slice %arg7[%dma_start3A_685] : memref<1024xi32, #tpu.memory_space<vmem>> -> memref<128xi32, #tpu.memory_space<vmem>>
      %dma_start3A_687 = arith.constant 0 : i32
      %dma_start3A_688 = arith.constant 0 : i32
      %dma_start3A_689 = tpu.memref_slice %arg2[%dma_start3A_687, %dma_start3A_688] : memref<200704x16xf32, #tpu.memory_space<hbm>> -> memref<200704x16xf32, #tpu.memory_space<hbm>>
      tpu.enqueue_indirect_dma source(%dma_start3A_689 : memref<200704x16xf32, #tpu.memory_space<hbm>>) target(%dma_start3A_684 : memref<128x16xf32, #tpu.memory_space<vmem>>) offsets(%dma_start3A_686 : memref<128xi32, #tpu.memory_space<vmem>>) semaphore(%arg12 : memref<!tpu.dma_semaphore, #tpu.memory_space<semaphore_mem>>)
      %dma_start3A_690 = arith.constant 1 : i32
      %dma_start3A_691 = arith.constant 0 : i32
      %dma_start3A_692 = arith.constant 0 : i32
      %dma_start3A_693 = tpu.memref_slice %arg9[%dma_start3A_690, %dma_start3A_691, %dma_start3A_692] : memref<8x128x16xf32, #tpu.memory_space<vmem>> -> memref<1x128x16xf32, #tpu.memory_space<vmem>>
      %dma_start3A_694 = tpu.memref_squeeze %dma_start3A_693 : memref<1x128x16xf32, #tpu.memory_space<vmem>> -> memref<128x16xf32, #tpu.memory_space<vmem>>
      %dma_start3A_695 = arith.constant 128 : i32
      %dma_start3A_696 = tpu.memref_slice %arg7[%dma_start3A_695] : memref<1024xi32, #tpu.memory_space<vmem>> -> memref<128xi32, #tpu.memory_space<vmem>>
      %dma_start3A_697 = arith.constant 0 : i32
      %dma_start3A_698 = arith.constant 0 : i32
      %dma_start3A_699 = tpu.memref_slice %arg2[%dma_start3A_697, %dma_start3A_698] : memref<200704x16xf32, #tpu.memory_space<hbm>> -> memref<200704x16xf32, #tpu.memory_space<hbm>>
      tpu.enqueue_indirect_dma source(%dma_start3A_699 : memref<200704x16xf32, #tpu.memory_space<hbm>>) target(%dma_start3A_694 : memref<128x16xf32, #tpu.memory_space<vmem>>) offsets(%dma_start3A_696 : memref<128xi32, #tpu.memory_space<vmem>>) semaphore(%arg12 : memref<!tpu.dma_semaphore, #tpu.memory_space<semaphore_mem>>)
      %dma_start3A_700 = arith.constant 2 : i32
      %dma_start3A_701 = arith.constant 0 : i32
      %dma_start3A_702 = arith.constant 0 : i32
      %dma_start3A_703 = tpu.memref_slice %arg9[%dma_start3A_700, %dma_start3A_701, %dma_start3A_702] : memref<8x128x16xf32, #tpu.memory_space<vmem>> -> memref<1x128x16xf32, #tpu.memory_space<vmem>>
      %dma_start3A_704 = tpu.memref_squeeze %dma_start3A_703 : memref<1x128x16xf32, #tpu.memory_space<vmem>> -> memref<128x16xf32, #tpu.memory_space<vmem>>
      %dma_start3A_705 = arith.constant 256 : i32
      %dma_start3A_706 = tpu.memref_slice %arg7[%dma_start3A_705] : memref<1024xi32, #tpu.memory_space<vmem>> -> memref<128xi32, #tpu.memory_space<vmem>>
      %dma_start3A_707 = arith.constant 0 : i32
      %dma_start3A_708 = arith.constant 0 : i32
      %dma_start3A_709 = tpu.memref_slice %arg2[%dma_start3A_707, %dma_start3A_708] : memref<200704x16xf32, #tpu.memory_space<hbm>> -> memref<200704x16xf32, #tpu.memory_space<hbm>>
      tpu.enqueue_indirect_dma source(%dma_start3A_709 : memref<200704x16xf32, #tpu.memory_space<hbm>>) target(%dma_start3A_704 : memref<128x16xf32, #tpu.memory_space<vmem>>) offsets(%dma_start3A_706 : memref<128xi32, #tpu.memory_space<vmem>>) semaphore(%arg12 : memref<!tpu.dma_semaphore, #tpu.memory_space<semaphore_mem>>)
      %dma_start3A_710 = arith.constant 3 : i32
      %dma_start3A_711 = arith.constant 0 : i32
      %dma_start3A_712 = arith.constant 0 : i32
      %dma_start3A_713 = tpu.memref_slice %arg9[%dma_start3A_710, %dma_start3A_711, %dma_start3A_712] : memref<8x128x16xf32, #tpu.memory_space<vmem>> -> memref<1x128x16xf32, #tpu.memory_space<vmem>>
      %dma_start3A_714 = tpu.memref_squeeze %dma_start3A_713 : memref<1x128x16xf32, #tpu.memory_space<vmem>> -> memref<128x16xf32, #tpu.memory_space<vmem>>
      %dma_start3A_715 = arith.constant 384 : i32
      %dma_start3A_716 = tpu.memref_slice %arg7[%dma_start3A_715] : memref<1024xi32, #tpu.memory_space<vmem>> -> memref<128xi32, #tpu.memory_space<vmem>>
      %dma_start3A_717 = arith.constant 0 : i32
      %dma_start3A_718 = arith.constant 0 : i32
      %dma_start3A_719 = tpu.memref_slice %arg2[%dma_start3A_717, %dma_start3A_718] : memref<200704x16xf32, #tpu.memory_space<hbm>> -> memref<200704x16xf32, #tpu.memory_space<hbm>>
      tpu.enqueue_indirect_dma source(%dma_start3A_719 : memref<200704x16xf32, #tpu.memory_space<hbm>>) target(%dma_start3A_714 : memref<128x16xf32, #tpu.memory_space<vmem>>) offsets(%dma_start3A_716 : memref<128xi32, #tpu.memory_space<vmem>>) semaphore(%arg12 : memref<!tpu.dma_semaphore, #tpu.memory_space<semaphore_mem>>)
      %dma_start3A_720 = arith.constant 4 : i32
      %dma_start3A_721 = arith.constant 0 : i32
      %dma_start3A_722 = arith.constant 0 : i32
      %dma_start3A_723 = tpu.memref_slice %arg9[%dma_start3A_720, %dma_start3A_721, %dma_start3A_722] : memref<8x128x16xf32, #tpu.memory_space<vmem>> -> memref<1x128x16xf32, #tpu.memory_space<vmem>>
      %dma_start3A_724 = tpu.memref_squeeze %dma_start3A_723 : memref<1x128x16xf32, #tpu.memory_space<vmem>> -> memref<128x16xf32, #tpu.memory_space<vmem>>
      %dma_start3A_725 = arith.constant 512 : i32
      %dma_start3A_726 = tpu.memref_slice %arg7[%dma_start3A_725] : memref<1024xi32, #tpu.memory_space<vmem>> -> memref<128xi32, #tpu.memory_space<vmem>>
      %dma_start3A_727 = arith.constant 0 : i32
      %dma_start3A_728 = arith.constant 0 : i32
      %dma_start3A_729 = tpu.memref_slice %arg2[%dma_start3A_727, %dma_start3A_728] : memref<200704x16xf32, #tpu.memory_space<hbm>> -> memref<200704x16xf32, #tpu.memory_space<hbm>>
      tpu.enqueue_indirect_dma source(%dma_start3A_729 : memref<200704x16xf32, #tpu.memory_space<hbm>>) target(%dma_start3A_724 : memref<128x16xf32, #tpu.memory_space<vmem>>) offsets(%dma_start3A_726 : memref<128xi32, #tpu.memory_space<vmem>>) semaphore(%arg12 : memref<!tpu.dma_semaphore, #tpu.memory_space<semaphore_mem>>)
      %dma_start3A_730 = arith.constant 5 : i32
      %dma_start3A_731 = arith.constant 0 : i32
      %dma_start3A_732 = arith.constant 0 : i32
      %dma_start3A_733 = tpu.memref_slice %arg9[%dma_start3A_730, %dma_start3A_731, %dma_start3A_732] : memref<8x128x16xf32, #tpu.memory_space<vmem>> -> memref<1x128x16xf32, #tpu.memory_space<vmem>>
      %dma_start3A_734 = tpu.memref_squeeze %dma_start3A_733 : memref<1x128x16xf32, #tpu.memory_space<vmem>> -> memref<128x16xf32, #tpu.memory_space<vmem>>
      %dma_start3A_735 = arith.constant 640 : i32
      %dma_start3A_736 = tpu.memref_slice %arg7[%dma_start3A_735] : memref<1024xi32, #tpu.memory_space<vmem>> -> memref<128xi32, #tpu.memory_space<vmem>>
      %dma_start3A_737 = arith.constant 0 : i32
      %dma_start3A_738 = arith.constant 0 : i32
      %dma_start3A_739 = tpu.memref_slice %arg2[%dma_start3A_737, %dma_start3A_738] : memref<200704x16xf32, #tpu.memory_space<hbm>> -> memref<200704x16xf32, #tpu.memory_space<hbm>>
      tpu.enqueue_indirect_dma source(%dma_start3A_739 : memref<200704x16xf32, #tpu.memory_space<hbm>>) target(%dma_start3A_734 : memref<128x16xf32, #tpu.memory_space<vmem>>) offsets(%dma_start3A_736 : memref<128xi32, #tpu.memory_space<vmem>>) semaphore(%arg12 : memref<!tpu.dma_semaphore, #tpu.memory_space<semaphore_mem>>)
      %dma_start3A_740 = arith.constant 6 : i32
      %dma_start3A_741 = arith.constant 0 : i32
      %dma_start3A_742 = arith.constant 0 : i32
      %dma_start3A_743 = tpu.memref_slice %arg9[%dma_start3A_740, %dma_start3A_741, %dma_start3A_742] : memref<8x128x16xf32, #tpu.memory_space<vmem>> -> memref<1x128x16xf32, #tpu.memory_space<vmem>>
      %dma_start3A_744 = tpu.memref_squeeze %dma_start3A_743 : memref<1x128x16xf32, #tpu.memory_space<vmem>> -> memref<128x16xf32, #tpu.memory_space<vmem>>
      %dma_start3A_745 = arith.constant 768 : i32
      %dma_start3A_746 = tpu.memref_slice %arg7[%dma_start3A_745] : memref<1024xi32, #tpu.memory_space<vmem>> -> memref<128xi32, #tpu.memory_space<vmem>>
      %dma_start3A_747 = arith.constant 0 : i32
      %dma_start3A_748 = arith.constant 0 : i32
      %dma_start3A_749 = tpu.memref_slice %arg2[%dma_start3A_747, %dma_start3A_748] : memref<200704x16xf32, #tpu.memory_space<hbm>> -> memref<200704x16xf32, #tpu.memory_space<hbm>>
      tpu.enqueue_indirect_dma source(%dma_start3A_749 : memref<200704x16xf32, #tpu.memory_space<hbm>>) target(%dma_start3A_744 : memref<128x16xf32, #tpu.memory_space<vmem>>) offsets(%dma_start3A_746 : memref<128xi32, #tpu.memory_space<vmem>>) semaphore(%arg12 : memref<!tpu.dma_semaphore, #tpu.memory_space<semaphore_mem>>)
      %dma_start3A_750 = arith.constant 7 : i32
      %dma_start3A_751 = arith.constant 0 : i32
      %dma_start3A_752 = arith.constant 0 : i32
      %dma_start3A_753 = tpu.memref_slice %arg9[%dma_start3A_750, %dma_start3A_751, %dma_start3A_752] : memref<8x128x16xf32, #tpu.memory_space<vmem>> -> memref<1x128x16xf32, #tpu.memory_space<vmem>>
      %dma_start3A_754 = tpu.memref_squeeze %dma_start3A_753 : memref<1x128x16xf32, #tpu.memory_space<vmem>> -> memref<128x16xf32, #tpu.memory_space<vmem>>
      %dma_start3A_755 = arith.constant 896 : i32
      %dma_start3A_756 = tpu.memref_slice %arg7[%dma_start3A_755] : memref<1024xi32, #tpu.memory_space<vmem>> -> memref<128xi32, #tpu.memory_space<vmem>>
      %dma_start3A_757 = arith.constant 0 : i32
      %dma_start3A_758 = arith.constant 0 : i32
      %dma_start3A_759 = tpu.memref_slice %arg2[%dma_start3A_757, %dma_start3A_758] : memref<200704x16xf32, #tpu.memory_space<hbm>> -> memref<200704x16xf32, #tpu.memory_space<hbm>>
      tpu.enqueue_indirect_dma source(%dma_start3A_759 : memref<200704x16xf32, #tpu.memory_space<hbm>>) target(%dma_start3A_754 : memref<128x16xf32, #tpu.memory_space<vmem>>) offsets(%dma_start3A_756 : memref<128xi32, #tpu.memory_space<vmem>>) semaphore(%arg12 : memref<!tpu.dma_semaphore, #tpu.memory_space<semaphore_mem>>)
      %dma_wait3A = arith.constant 0 : i32
      %dma_wait3A_760 = arith.constant 0 : i32
      %dma_wait3A_761 = arith.constant 0 : i32
      %dma_wait3A_762 = tpu.memref_slice %arg9[%dma_wait3A, %dma_wait3A_760, %dma_wait3A_761] : memref<8x128x16xf32, #tpu.memory_space<vmem>> -> memref<1x128x16xf32, #tpu.memory_space<vmem>>
      %dma_wait3A_763 = tpu.memref_squeeze %dma_wait3A_762 : memref<1x128x16xf32, #tpu.memory_space<vmem>> -> memref<128x16xf32, #tpu.memory_space<vmem>>
      %dma_wait3A_764 = arith.constant 0 : i32
      %dma_wait3A_765 = tpu.memref_slice %arg7[%dma_wait3A_764] : memref<1024xi32, #tpu.memory_space<vmem>> -> memref<128xi32, #tpu.memory_space<vmem>>
      %dma_wait3A_766 = arith.constant 0 : i32
      %dma_wait3A_767 = arith.constant 0 : i32
      %dma_wait3A_768 = tpu.memref_slice %arg2[%dma_wait3A_766, %dma_wait3A_767] : memref<200704x16xf32, #tpu.memory_space<hbm>> -> memref<200704x16xf32, #tpu.memory_space<hbm>>
      tpu.wait_indirect_dma semaphore(%arg12 : memref<!tpu.dma_semaphore, #tpu.memory_space<semaphore_mem>>) src(%dma_wait3A_768 : memref<200704x16xf32, #tpu.memory_space<hbm>>) dst(%dma_wait3A_763 : memref<128x16xf32, #tpu.memory_space<vmem>>)
      %dma_wait3A_769 = arith.constant 1 : i32
      %dma_wait3A_770 = arith.constant 0 : i32
      %dma_wait3A_771 = arith.constant 0 : i32
      %dma_wait3A_772 = tpu.memref_slice %arg9[%dma_wait3A_769, %dma_wait3A_770, %dma_wait3A_771] : memref<8x128x16xf32, #tpu.memory_space<vmem>> -> memref<1x128x16xf32, #tpu.memory_space<vmem>>
      %dma_wait3A_773 = tpu.memref_squeeze %dma_wait3A_772 : memref<1x128x16xf32, #tpu.memory_space<vmem>> -> memref<128x16xf32, #tpu.memory_space<vmem>>
      %dma_wait3A_774 = arith.constant 128 : i32
      %dma_wait3A_775 = tpu.memref_slice %arg7[%dma_wait3A_774] : memref<1024xi32, #tpu.memory_space<vmem>> -> memref<128xi32, #tpu.memory_space<vmem>>
      %dma_wait3A_776 = arith.constant 0 : i32
      %dma_wait3A_777 = arith.constant 0 : i32
      %dma_wait3A_778 = tpu.memref_slice %arg2[%dma_wait3A_776, %dma_wait3A_777] : memref<200704x16xf32, #tpu.memory_space<hbm>> -> memref<200704x16xf32, #tpu.memory_space<hbm>>
      tpu.wait_indirect_dma semaphore(%arg12 : memref<!tpu.dma_semaphore, #tpu.memory_space<semaphore_mem>>) src(%dma_wait3A_778 : memref<200704x16xf32, #tpu.memory_space<hbm>>) dst(%dma_wait3A_773 : memref<128x16xf32, #tpu.memory_space<vmem>>)
      %dma_wait3A_779 = arith.constant 2 : i32
      %dma_wait3A_780 = arith.constant 0 : i32
      %dma_wait3A_781 = arith.constant 0 : i32
      %dma_wait3A_782 = tpu.memref_slice %arg9[%dma_wait3A_779, %dma_wait3A_780, %dma_wait3A_781] : memref<8x128x16xf32, #tpu.memory_space<vmem>> -> memref<1x128x16xf32, #tpu.memory_space<vmem>>
      %dma_wait3A_783 = tpu.memref_squeeze %dma_wait3A_782 : memref<1x128x16xf32, #tpu.memory_space<vmem>> -> memref<128x16xf32, #tpu.memory_space<vmem>>
      %dma_wait3A_784 = arith.constant 256 : i32
      %dma_wait3A_785 = tpu.memref_slice %arg7[%dma_wait3A_784] : memref<1024xi32, #tpu.memory_space<vmem>> -> memref<128xi32, #tpu.memory_space<vmem>>
      %dma_wait3A_786 = arith.constant 0 : i32
      %dma_wait3A_787 = arith.constant 0 : i32
      %dma_wait3A_788 = tpu.memref_slice %arg2[%dma_wait3A_786, %dma_wait3A_787] : memref<200704x16xf32, #tpu.memory_space<hbm>> -> memref<200704x16xf32, #tpu.memory_space<hbm>>
      tpu.wait_indirect_dma semaphore(%arg12 : memref<!tpu.dma_semaphore, #tpu.memory_space<semaphore_mem>>) src(%dma_wait3A_788 : memref<200704x16xf32, #tpu.memory_space<hbm>>) dst(%dma_wait3A_783 : memref<128x16xf32, #tpu.memory_space<vmem>>)
      %dma_wait3A_789 = arith.constant 3 : i32
      %dma_wait3A_790 = arith.constant 0 : i32
      %dma_wait3A_791 = arith.constant 0 : i32
      %dma_wait3A_792 = tpu.memref_slice %arg9[%dma_wait3A_789, %dma_wait3A_790, %dma_wait3A_791] : memref<8x128x16xf32, #tpu.memory_space<vmem>> -> memref<1x128x16xf32, #tpu.memory_space<vmem>>
      %dma_wait3A_793 = tpu.memref_squeeze %dma_wait3A_792 : memref<1x128x16xf32, #tpu.memory_space<vmem>> -> memref<128x16xf32, #tpu.memory_space<vmem>>
      %dma_wait3A_794 = arith.constant 384 : i32
      %dma_wait3A_795 = tpu.memref_slice %arg7[%dma_wait3A_794] : memref<1024xi32, #tpu.memory_space<vmem>> -> memref<128xi32, #tpu.memory_space<vmem>>
      %dma_wait3A_796 = arith.constant 0 : i32
      %dma_wait3A_797 = arith.constant 0 : i32
      %dma_wait3A_798 = tpu.memref_slice %arg2[%dma_wait3A_796, %dma_wait3A_797] : memref<200704x16xf32, #tpu.memory_space<hbm>> -> memref<200704x16xf32, #tpu.memory_space<hbm>>
      tpu.wait_indirect_dma semaphore(%arg12 : memref<!tpu.dma_semaphore, #tpu.memory_space<semaphore_mem>>) src(%dma_wait3A_798 : memref<200704x16xf32, #tpu.memory_space<hbm>>) dst(%dma_wait3A_793 : memref<128x16xf32, #tpu.memory_space<vmem>>)
      %dma_wait3A_799 = arith.constant 4 : i32
      %dma_wait3A_800 = arith.constant 0 : i32
      %dma_wait3A_801 = arith.constant 0 : i32
      %dma_wait3A_802 = tpu.memref_slice %arg9[%dma_wait3A_799, %dma_wait3A_800, %dma_wait3A_801] : memref<8x128x16xf32, #tpu.memory_space<vmem>> -> memref<1x128x16xf32, #tpu.memory_space<vmem>>
      %dma_wait3A_803 = tpu.memref_squeeze %dma_wait3A_802 : memref<1x128x16xf32, #tpu.memory_space<vmem>> -> memref<128x16xf32, #tpu.memory_space<vmem>>
      %dma_wait3A_804 = arith.constant 512 : i32
      %dma_wait3A_805 = tpu.memref_slice %arg7[%dma_wait3A_804] : memref<1024xi32, #tpu.memory_space<vmem>> -> memref<128xi32, #tpu.memory_space<vmem>>
      %dma_wait3A_806 = arith.constant 0 : i32
      %dma_wait3A_807 = arith.constant 0 : i32
      %dma_wait3A_808 = tpu.memref_slice %arg2[%dma_wait3A_806, %dma_wait3A_807] : memref<200704x16xf32, #tpu.memory_space<hbm>> -> memref<200704x16xf32, #tpu.memory_space<hbm>>
      tpu.wait_indirect_dma semaphore(%arg12 : memref<!tpu.dma_semaphore, #tpu.memory_space<semaphore_mem>>) src(%dma_wait3A_808 : memref<200704x16xf32, #tpu.memory_space<hbm>>) dst(%dma_wait3A_803 : memref<128x16xf32, #tpu.memory_space<vmem>>)
      %dma_wait3A_809 = arith.constant 5 : i32
      %dma_wait3A_810 = arith.constant 0 : i32
      %dma_wait3A_811 = arith.constant 0 : i32
      %dma_wait3A_812 = tpu.memref_slice %arg9[%dma_wait3A_809, %dma_wait3A_810, %dma_wait3A_811] : memref<8x128x16xf32, #tpu.memory_space<vmem>> -> memref<1x128x16xf32, #tpu.memory_space<vmem>>
      %dma_wait3A_813 = tpu.memref_squeeze %dma_wait3A_812 : memref<1x128x16xf32, #tpu.memory_space<vmem>> -> memref<128x16xf32, #tpu.memory_space<vmem>>
      %dma_wait3A_814 = arith.constant 640 : i32
      %dma_wait3A_815 = tpu.memref_slice %arg7[%dma_wait3A_814] : memref<1024xi32, #tpu.memory_space<vmem>> -> memref<128xi32, #tpu.memory_space<vmem>>
      %dma_wait3A_816 = arith.constant 0 : i32
      %dma_wait3A_817 = arith.constant 0 : i32
      %dma_wait3A_818 = tpu.memref_slice %arg2[%dma_wait3A_816, %dma_wait3A_817] : memref<200704x16xf32, #tpu.memory_space<hbm>> -> memref<200704x16xf32, #tpu.memory_space<hbm>>
      tpu.wait_indirect_dma semaphore(%arg12 : memref<!tpu.dma_semaphore, #tpu.memory_space<semaphore_mem>>) src(%dma_wait3A_818 : memref<200704x16xf32, #tpu.memory_space<hbm>>) dst(%dma_wait3A_813 : memref<128x16xf32, #tpu.memory_space<vmem>>)
      %dma_wait3A_819 = arith.constant 6 : i32
      %dma_wait3A_820 = arith.constant 0 : i32
      %dma_wait3A_821 = arith.constant 0 : i32
      %dma_wait3A_822 = tpu.memref_slice %arg9[%dma_wait3A_819, %dma_wait3A_820, %dma_wait3A_821] : memref<8x128x16xf32, #tpu.memory_space<vmem>> -> memref<1x128x16xf32, #tpu.memory_space<vmem>>
      %dma_wait3A_823 = tpu.memref_squeeze %dma_wait3A_822 : memref<1x128x16xf32, #tpu.memory_space<vmem>> -> memref<128x16xf32, #tpu.memory_space<vmem>>
      %dma_wait3A_824 = arith.constant 768 : i32
      %dma_wait3A_825 = tpu.memref_slice %arg7[%dma_wait3A_824] : memref<1024xi32, #tpu.memory_space<vmem>> -> memref<128xi32, #tpu.memory_space<vmem>>
      %dma_wait3A_826 = arith.constant 0 : i32
      %dma_wait3A_827 = arith.constant 0 : i32
      %dma_wait3A_828 = tpu.memref_slice %arg2[%dma_wait3A_826, %dma_wait3A_827] : memref<200704x16xf32, #tpu.memory_space<hbm>> -> memref<200704x16xf32, #tpu.memory_space<hbm>>
      tpu.wait_indirect_dma semaphore(%arg12 : memref<!tpu.dma_semaphore, #tpu.memory_space<semaphore_mem>>) src(%dma_wait3A_828 : memref<200704x16xf32, #tpu.memory_space<hbm>>) dst(%dma_wait3A_823 : memref<128x16xf32, #tpu.memory_space<vmem>>)
      %dma_wait3A_829 = arith.constant 7 : i32
      %dma_wait3A_830 = arith.constant 0 : i32
      %dma_wait3A_831 = arith.constant 0 : i32
      %dma_wait3A_832 = tpu.memref_slice %arg9[%dma_wait3A_829, %dma_wait3A_830, %dma_wait3A_831] : memref<8x128x16xf32, #tpu.memory_space<vmem>> -> memref<1x128x16xf32, #tpu.memory_space<vmem>>
      %dma_wait3A_833 = tpu.memref_squeeze %dma_wait3A_832 : memref<1x128x16xf32, #tpu.memory_space<vmem>> -> memref<128x16xf32, #tpu.memory_space<vmem>>
      %dma_wait3A_834 = arith.constant 896 : i32
      %dma_wait3A_835 = tpu.memref_slice %arg7[%dma_wait3A_834] : memref<1024xi32, #tpu.memory_space<vmem>> -> memref<128xi32, #tpu.memory_space<vmem>>
      %dma_wait3A_836 = arith.constant 0 : i32
      %dma_wait3A_837 = arith.constant 0 : i32
      %dma_wait3A_838 = tpu.memref_slice %arg2[%dma_wait3A_836, %dma_wait3A_837] : memref<200704x16xf32, #tpu.memory_space<hbm>> -> memref<200704x16xf32, #tpu.memory_space<hbm>>
      tpu.wait_indirect_dma semaphore(%arg12 : memref<!tpu.dma_semaphore, #tpu.memory_space<semaphore_mem>>) src(%dma_wait3A_838 : memref<200704x16xf32, #tpu.memory_space<hbm>>) dst(%dma_wait3A_833 : memref<128x16xf32, #tpu.memory_space<vmem>>)
      %dma_wait3A_839 = arith.constant 0 : i32
      %dma_wait3A_840 = arith.constant 0 : i32
      %dma_wait3A_841 = tpu.memref_slice %arg8[%dma_wait3A_839, %dma_wait3A_840] : memref<8x128xi32, #tpu.memory_space<vmem>> -> memref<1x128xi32, #tpu.memory_space<vmem>>
      %dma_wait3A_842 = tpu.memref_squeeze %dma_wait3A_841 : memref<1x128xi32, #tpu.memory_space<vmem>> -> memref<128xi32, #tpu.memory_space<vmem>>
      %dma_wait3A_843 = tpu.memref_slice %arg4[%add3A_20] : memref<1605632xi32, #tpu.memory_space<hbm>> -> memref<128xi32, #tpu.memory_space<hbm>>
      %dma_wait3A_844 = arith.constant 0 : i32
      %dma_wait3A_845 = tpu.memref_slice %arg8[%dma_wait3A_839, %dma_wait3A_844] : memref<8x128xi32, #tpu.memory_space<vmem>> -> memref<1x128xi32, #tpu.memory_space<vmem>>
      %dma_wait3A_846 = tpu.memref_squeeze %dma_wait3A_845 : memref<1x128xi32, #tpu.memory_space<vmem>> -> memref<128xi32, #tpu.memory_space<vmem>>
      %dma_wait3A_847 = tpu.memref_slice %arg4[%add3A_20] : memref<1605632xi32, #tpu.memory_space<hbm>> -> memref<128xi32, #tpu.memory_space<hbm>>
      tpu.wait_dma2 semaphore(%arg11 : memref<!tpu.dma_semaphore, #tpu.memory_space<semaphore_mem>>) src(%dma_wait3A_847 : memref<128xi32, #tpu.memory_space<hbm>>) dst(%dma_wait3A_846 : memref<128xi32, #tpu.memory_space<vmem>>)
      %dma_wait3A_848 = arith.constant 1 : i32
      %dma_wait3A_849 = arith.constant 0 : i32
      %dma_wait3A_850 = tpu.memref_slice %arg8[%dma_wait3A_848, %dma_wait3A_849] : memref<8x128xi32, #tpu.memory_space<vmem>> -> memref<1x128xi32, #tpu.memory_space<vmem>>
      %dma_wait3A_851 = tpu.memref_squeeze %dma_wait3A_850 : memref<1x128xi32, #tpu.memory_space<vmem>> -> memref<128xi32, #tpu.memory_space<vmem>>
      %dma_wait3A_852 = tpu.memref_slice %arg4[%add3A_30] : memref<1605632xi32, #tpu.memory_space<hbm>> -> memref<128xi32, #tpu.memory_space<hbm>>
      %dma_wait3A_853 = arith.constant 0 : i32
      %dma_wait3A_854 = tpu.memref_slice %arg8[%dma_wait3A_848, %dma_wait3A_853] : memref<8x128xi32, #tpu.memory_space<vmem>> -> memref<1x128xi32, #tpu.memory_space<vmem>>
      %dma_wait3A_855 = tpu.memref_squeeze %dma_wait3A_854 : memref<1x128xi32, #tpu.memory_space<vmem>> -> memref<128xi32, #tpu.memory_space<vmem>>
      %dma_wait3A_856 = tpu.memref_slice %arg4[%add3A_30] : memref<1605632xi32, #tpu.memory_space<hbm>> -> memref<128xi32, #tpu.memory_space<hbm>>
      tpu.wait_dma2 semaphore(%arg11 : memref<!tpu.dma_semaphore, #tpu.memory_space<semaphore_mem>>) src(%dma_wait3A_856 : memref<128xi32, #tpu.memory_space<hbm>>) dst(%dma_wait3A_855 : memref<128xi32, #tpu.memory_space<vmem>>)
      %dma_wait3A_857 = arith.constant 2 : i32
      %dma_wait3A_858 = arith.constant 0 : i32
      %dma_wait3A_859 = tpu.memref_slice %arg8[%dma_wait3A_857, %dma_wait3A_858] : memref<8x128xi32, #tpu.memory_space<vmem>> -> memref<1x128xi32, #tpu.memory_space<vmem>>
      %dma_wait3A_860 = tpu.memref_squeeze %dma_wait3A_859 : memref<1x128xi32, #tpu.memory_space<vmem>> -> memref<128xi32, #tpu.memory_space<vmem>>
      %dma_wait3A_861 = tpu.memref_slice %arg4[%add3A_41] : memref<1605632xi32, #tpu.memory_space<hbm>> -> memref<128xi32, #tpu.memory_space<hbm>>
      %dma_wait3A_862 = arith.constant 0 : i32
      %dma_wait3A_863 = tpu.memref_slice %arg8[%dma_wait3A_857, %dma_wait3A_862] : memref<8x128xi32, #tpu.memory_space<vmem>> -> memref<1x128xi32, #tpu.memory_space<vmem>>
      %dma_wait3A_864 = tpu.memref_squeeze %dma_wait3A_863 : memref<1x128xi32, #tpu.memory_space<vmem>> -> memref<128xi32, #tpu.memory_space<vmem>>
      %dma_wait3A_865 = tpu.memref_slice %arg4[%add3A_41] : memref<1605632xi32, #tpu.memory_space<hbm>> -> memref<128xi32, #tpu.memory_space<hbm>>
      tpu.wait_dma2 semaphore(%arg11 : memref<!tpu.dma_semaphore, #tpu.memory_space<semaphore_mem>>) src(%dma_wait3A_865 : memref<128xi32, #tpu.memory_space<hbm>>) dst(%dma_wait3A_864 : memref<128xi32, #tpu.memory_space<vmem>>)
      %dma_wait3A_866 = arith.constant 3 : i32
      %dma_wait3A_867 = arith.constant 0 : i32
      %dma_wait3A_868 = tpu.memref_slice %arg8[%dma_wait3A_866, %dma_wait3A_867] : memref<8x128xi32, #tpu.memory_space<vmem>> -> memref<1x128xi32, #tpu.memory_space<vmem>>
      %dma_wait3A_869 = tpu.memref_squeeze %dma_wait3A_868 : memref<1x128xi32, #tpu.memory_space<vmem>> -> memref<128xi32, #tpu.memory_space<vmem>>
      %dma_wait3A_870 = tpu.memref_slice %arg4[%add3A_52] : memref<1605632xi32, #tpu.memory_space<hbm>> -> memref<128xi32, #tpu.memory_space<hbm>>
      %dma_wait3A_871 = arith.constant 0 : i32
      %dma_wait3A_872 = tpu.memref_slice %arg8[%dma_wait3A_866, %dma_wait3A_871] : memref<8x128xi32, #tpu.memory_space<vmem>> -> memref<1x128xi32, #tpu.memory_space<vmem>>
      %dma_wait3A_873 = tpu.memref_squeeze %dma_wait3A_872 : memref<1x128xi32, #tpu.memory_space<vmem>> -> memref<128xi32, #tpu.memory_space<vmem>>
      %dma_wait3A_874 = tpu.memref_slice %arg4[%add3A_52] : memref<1605632xi32, #tpu.memory_space<hbm>> -> memref<128xi32, #tpu.memory_space<hbm>>
      tpu.wait_dma2 semaphore(%arg11 : memref<!tpu.dma_semaphore, #tpu.memory_space<semaphore_mem>>) src(%dma_wait3A_874 : memref<128xi32, #tpu.memory_space<hbm>>) dst(%dma_wait3A_873 : memref<128xi32, #tpu.memory_space<vmem>>)
      %dma_wait3A_875 = arith.constant 4 : i32
      %dma_wait3A_876 = arith.constant 0 : i32
      %dma_wait3A_877 = tpu.memref_slice %arg8[%dma_wait3A_875, %dma_wait3A_876] : memref<8x128xi32, #tpu.memory_space<vmem>> -> memref<1x128xi32, #tpu.memory_space<vmem>>
      %dma_wait3A_878 = tpu.memref_squeeze %dma_wait3A_877 : memref<1x128xi32, #tpu.memory_space<vmem>> -> memref<128xi32, #tpu.memory_space<vmem>>
      %dma_wait3A_879 = tpu.memref_slice %arg4[%add3A_63] : memref<1605632xi32, #tpu.memory_space<hbm>> -> memref<128xi32, #tpu.memory_space<hbm>>
      %dma_wait3A_880 = arith.constant 0 : i32
      %dma_wait3A_881 = tpu.memref_slice %arg8[%dma_wait3A_875, %dma_wait3A_880] : memref<8x128xi32, #tpu.memory_space<vmem>> -> memref<1x128xi32, #tpu.memory_space<vmem>>
      %dma_wait3A_882 = tpu.memref_squeeze %dma_wait3A_881 : memref<1x128xi32, #tpu.memory_space<vmem>> -> memref<128xi32, #tpu.memory_space<vmem>>
      %dma_wait3A_883 = tpu.memref_slice %arg4[%add3A_63] : memref<1605632xi32, #tpu.memory_space<hbm>> -> memref<128xi32, #tpu.memory_space<hbm>>
      tpu.wait_dma2 semaphore(%arg11 : memref<!tpu.dma_semaphore, #tpu.memory_space<semaphore_mem>>) src(%dma_wait3A_883 : memref<128xi32, #tpu.memory_space<hbm>>) dst(%dma_wait3A_882 : memref<128xi32, #tpu.memory_space<vmem>>)
      %dma_wait3A_884 = arith.constant 5 : i32
      %dma_wait3A_885 = arith.constant 0 : i32
      %dma_wait3A_886 = tpu.memref_slice %arg8[%dma_wait3A_884, %dma_wait3A_885] : memref<8x128xi32, #tpu.memory_space<vmem>> -> memref<1x128xi32, #tpu.memory_space<vmem>>
      %dma_wait3A_887 = tpu.memref_squeeze %dma_wait3A_886 : memref<1x128xi32, #tpu.memory_space<vmem>> -> memref<128xi32, #tpu.memory_space<vmem>>
      %dma_wait3A_888 = tpu.memref_slice %arg4[%add3A_74] : memref<1605632xi32, #tpu.memory_space<hbm>> -> memref<128xi32, #tpu.memory_space<hbm>>
      %dma_wait3A_889 = arith.constant 0 : i32
      %dma_wait3A_890 = tpu.memref_slice %arg8[%dma_wait3A_884, %dma_wait3A_889] : memref<8x128xi32, #tpu.memory_space<vmem>> -> memref<1x128xi32, #tpu.memory_space<vmem>>
      %dma_wait3A_891 = tpu.memref_squeeze %dma_wait3A_890 : memref<1x128xi32, #tpu.memory_space<vmem>> -> memref<128xi32, #tpu.memory_space<vmem>>
      %dma_wait3A_892 = tpu.memref_slice %arg4[%add3A_74] : memref<1605632xi32, #tpu.memory_space<hbm>> -> memref<128xi32, #tpu.memory_space<hbm>>
      tpu.wait_dma2 semaphore(%arg11 : memref<!tpu.dma_semaphore, #tpu.memory_space<semaphore_mem>>) src(%dma_wait3A_892 : memref<128xi32, #tpu.memory_space<hbm>>) dst(%dma_wait3A_891 : memref<128xi32, #tpu.memory_space<vmem>>)
      %dma_wait3A_893 = arith.constant 6 : i32
      %dma_wait3A_894 = arith.constant 0 : i32
      %dma_wait3A_895 = tpu.memref_slice %arg8[%dma_wait3A_893, %dma_wait3A_894] : memref<8x128xi32, #tpu.memory_space<vmem>> -> memref<1x128xi32, #tpu.memory_space<vmem>>
      %dma_wait3A_896 = tpu.memref_squeeze %dma_wait3A_895 : memref<1x128xi32, #tpu.memory_space<vmem>> -> memref<128xi32, #tpu.memory_space<vmem>>
      %dma_wait3A_897 = tpu.memref_slice %arg4[%add3A_85] : memref<1605632xi32, #tpu.memory_space<hbm>> -> memref<128xi32, #tpu.memory_space<hbm>>
      %dma_wait3A_898 = arith.constant 0 : i32
      %dma_wait3A_899 = tpu.memref_slice %arg8[%dma_wait3A_893, %dma_wait3A_898] : memref<8x128xi32, #tpu.memory_space<vmem>> -> memref<1x128xi32, #tpu.memory_space<vmem>>
      %dma_wait3A_900 = tpu.memref_squeeze %dma_wait3A_899 : memref<1x128xi32, #tpu.memory_space<vmem>> -> memref<128xi32, #tpu.memory_space<vmem>>
      %dma_wait3A_901 = tpu.memref_slice %arg4[%add3A_85] : memref<1605632xi32, #tpu.memory_space<hbm>> -> memref<128xi32, #tpu.memory_space<hbm>>
      tpu.wait_dma2 semaphore(%arg11 : memref<!tpu.dma_semaphore, #tpu.memory_space<semaphore_mem>>) src(%dma_wait3A_901 : memref<128xi32, #tpu.memory_space<hbm>>) dst(%dma_wait3A_900 : memref<128xi32, #tpu.memory_space<vmem>>)
      %dma_wait3A_902 = arith.constant 7 : i32
      %dma_wait3A_903 = arith.constant 0 : i32
      %dma_wait3A_904 = tpu.memref_slice %arg8[%dma_wait3A_902, %dma_wait3A_903] : memref<8x128xi32, #tpu.memory_space<vmem>> -> memref<1x128xi32, #tpu.memory_space<vmem>>
      %dma_wait3A_905 = tpu.memref_squeeze %dma_wait3A_904 : memref<1x128xi32, #tpu.memory_space<vmem>> -> memref<128xi32, #tpu.memory_space<vmem>>
      %dma_wait3A_906 = tpu.memref_slice %arg4[%add3A_96] : memref<1605632xi32, #tpu.memory_space<hbm>> -> memref<128xi32, #tpu.memory_space<hbm>>
      %dma_wait3A_907 = arith.constant 0 : i32
      %dma_wait3A_908 = tpu.memref_slice %arg8[%dma_wait3A_902, %dma_wait3A_907] : memref<8x128xi32, #tpu.memory_space<vmem>> -> memref<1x128xi32, #tpu.memory_space<vmem>>
      %dma_wait3A_909 = tpu.memref_squeeze %dma_wait3A_908 : memref<1x128xi32, #tpu.memory_space<vmem>> -> memref<128xi32, #tpu.memory_space<vmem>>
      %dma_wait3A_910 = tpu.memref_slice %arg4[%add3A_96] : memref<1605632xi32, #tpu.memory_space<hbm>> -> memref<128xi32, #tpu.memory_space<hbm>>
      tpu.wait_dma2 semaphore(%arg11 : memref<!tpu.dma_semaphore, #tpu.memory_space<semaphore_mem>>) src(%dma_wait3A_910 : memref<128xi32, #tpu.memory_space<hbm>>) dst(%dma_wait3A_909 : memref<128xi32, #tpu.memory_space<vmem>>)
      %dma_start3A_911 = arith.constant 0 : i32
      %dma_start3A_912 = arith.constant 0 : i32
      %dma_start3A_913 = arith.constant 0 : i32
      %dma_start3A_914 = arith.constant 0 : i32
      %dma_start3A_915 = tpu.memref_slice %arg9[%dma_start3A_911, %dma_start3A_913, %dma_start3A_914] : memref<8x128x16xf32, #tpu.memory_space<vmem>> -> memref<1x128x16xf32, #tpu.memory_space<vmem>>
      %dma_start3A_916 = tpu.memref_squeeze %dma_start3A_915 : memref<1x128x16xf32, #tpu.memory_space<vmem>> -> memref<128x16xf32, #tpu.memory_space<vmem>>
      %dma_start3A_917 = arith.constant 0 : i32
      %dma_start3A_918 = tpu.memref_slice %arg8[%dma_start3A_912, %dma_start3A_917] : memref<8x128xi32, #tpu.memory_space<vmem>> -> memref<1x128xi32, #tpu.memory_space<vmem>>
      %dma_start3A_919 = tpu.memref_squeeze %dma_start3A_918 : memref<1x128xi32, #tpu.memory_space<vmem>> -> memref<128xi32, #tpu.memory_space<vmem>>
      %dma_start3A_920 = arith.constant 0 : i32
      %dma_start3A_921 = arith.constant 0 : i32
      %dma_start3A_922 = tpu.memref_slice %arg10[%dma_start3A_920, %dma_start3A_921] : memref<100352x16xf32, #tpu.memory_space<vmem_shared>> -> memref<100352x16xf32, #tpu.memory_space<vmem_shared>>
      tpu.enqueue_indirect_dma source(%dma_start3A_916 : memref<128x16xf32, #tpu.memory_space<vmem>>) target(%dma_start3A_922 : memref<100352x16xf32, #tpu.memory_space<vmem_shared>>) offsets(%dma_start3A_919 : memref<128xi32, #tpu.memory_space<vmem>>) semaphore(%arg13 : memref<!tpu.dma_semaphore, #tpu.memory_space<semaphore_mem>>) {add = true}
      %dma_start3A_923 = arith.constant 1 : i32
      %dma_start3A_924 = arith.constant 1 : i32
      %dma_start3A_925 = arith.constant 0 : i32
      %dma_start3A_926 = arith.constant 0 : i32
      %dma_start3A_927 = tpu.memref_slice %arg9[%dma_start3A_923, %dma_start3A_925, %dma_start3A_926] : memref<8x128x16xf32, #tpu.memory_space<vmem>> -> memref<1x128x16xf32, #tpu.memory_space<vmem>>
      %dma_start3A_928 = tpu.memref_squeeze %dma_start3A_927 : memref<1x128x16xf32, #tpu.memory_space<vmem>> -> memref<128x16xf32, #tpu.memory_space<vmem>>
      %dma_start3A_929 = arith.constant 0 : i32
      %dma_start3A_930 = tpu.memref_slice %arg8[%dma_start3A_924, %dma_start3A_929] : memref<8x128xi32, #tpu.memory_space<vmem>> -> memref<1x128xi32, #tpu.memory_space<vmem>>
      %dma_start3A_931 = tpu.memref_squeeze %dma_start3A_930 : memref<1x128xi32, #tpu.memory_space<vmem>> -> memref<128xi32, #tpu.memory_space<vmem>>
      %dma_start3A_932 = arith.constant 0 : i32
      %dma_start3A_933 = arith.constant 0 : i32
      %dma_start3A_934 = tpu.memref_slice %arg10[%dma_start3A_932, %dma_start3A_933] : memref<100352x16xf32, #tpu.memory_space<vmem_shared>> -> memref<100352x16xf32, #tpu.memory_space<vmem_shared>>
      tpu.enqueue_indirect_dma source(%dma_start3A_928 : memref<128x16xf32, #tpu.memory_space<vmem>>) target(%dma_start3A_934 : memref<100352x16xf32, #tpu.memory_space<vmem_shared>>) offsets(%dma_start3A_931 : memref<128xi32, #tpu.memory_space<vmem>>) semaphore(%arg13 : memref<!tpu.dma_semaphore, #tpu.memory_space<semaphore_mem>>) {add = true}
      %dma_start3A_935 = arith.constant 2 : i32
      %dma_start3A_936 = arith.constant 2 : i32
      %dma_start3A_937 = arith.constant 0 : i32
      %dma_start3A_938 = arith.constant 0 : i32
      %dma_start3A_939 = tpu.memref_slice %arg9[%dma_start3A_935, %dma_start3A_937, %dma_start3A_938] : memref<8x128x16xf32, #tpu.memory_space<vmem>> -> memref<1x128x16xf32, #tpu.memory_space<vmem>>
      %dma_start3A_940 = tpu.memref_squeeze %dma_start3A_939 : memref<1x128x16xf32, #tpu.memory_space<vmem>> -> memref<128x16xf32, #tpu.memory_space<vmem>>
      %dma_start3A_941 = arith.constant 0 : i32
      %dma_start3A_942 = tpu.memref_slice %arg8[%dma_start3A_936, %dma_start3A_941] : memref<8x128xi32, #tpu.memory_space<vmem>> -> memref<1x128xi32, #tpu.memory_space<vmem>>
      %dma_start3A_943 = tpu.memref_squeeze %dma_start3A_942 : memref<1x128xi32, #tpu.memory_space<vmem>> -> memref<128xi32, #tpu.memory_space<vmem>>
      %dma_start3A_944 = arith.constant 0 : i32
      %dma_start3A_945 = arith.constant 0 : i32
      %dma_start3A_946 = tpu.memref_slice %arg10[%dma_start3A_944, %dma_start3A_945] : memref<100352x16xf32, #tpu.memory_space<vmem_shared>> -> memref<100352x16xf32, #tpu.memory_space<vmem_shared>>
      tpu.enqueue_indirect_dma source(%dma_start3A_940 : memref<128x16xf32, #tpu.memory_space<vmem>>) target(%dma_start3A_946 : memref<100352x16xf32, #tpu.memory_space<vmem_shared>>) offsets(%dma_start3A_943 : memref<128xi32, #tpu.memory_space<vmem>>) semaphore(%arg13 : memref<!tpu.dma_semaphore, #tpu.memory_space<semaphore_mem>>) {add = true}
      %dma_start3A_947 = arith.constant 3 : i32
      %dma_start3A_948 = arith.constant 3 : i32
      %dma_start3A_949 = arith.constant 0 : i32
      %dma_start3A_950 = arith.constant 0 : i32
      %dma_start3A_951 = tpu.memref_slice %arg9[%dma_start3A_947, %dma_start3A_949, %dma_start3A_950] : memref<8x128x16xf32, #tpu.memory_space<vmem>> -> memref<1x128x16xf32, #tpu.memory_space<vmem>>
      %dma_start3A_952 = tpu.memref_squeeze %dma_start3A_951 : memref<1x128x16xf32, #tpu.memory_space<vmem>> -> memref<128x16xf32, #tpu.memory_space<vmem>>
      %dma_start3A_953 = arith.constant 0 : i32
      %dma_start3A_954 = tpu.memref_slice %arg8[%dma_start3A_948, %dma_start3A_953] : memref<8x128xi32, #tpu.memory_space<vmem>> -> memref<1x128xi32, #tpu.memory_space<vmem>>
      %dma_start3A_955 = tpu.memref_squeeze %dma_start3A_954 : memref<1x128xi32, #tpu.memory_space<vmem>> -> memref<128xi32, #tpu.memory_space<vmem>>
      %dma_start3A_956 = arith.constant 0 : i32
      %dma_start3A_957 = arith.constant 0 : i32
      %dma_start3A_958 = tpu.memref_slice %arg10[%dma_start3A_956, %dma_start3A_957] : memref<100352x16xf32, #tpu.memory_space<vmem_shared>> -> memref<100352x16xf32, #tpu.memory_space<vmem_shared>>
      tpu.enqueue_indirect_dma source(%dma_start3A_952 : memref<128x16xf32, #tpu.memory_space<vmem>>) target(%dma_start3A_958 : memref<100352x16xf32, #tpu.memory_space<vmem_shared>>) offsets(%dma_start3A_955 : memref<128xi32, #tpu.memory_space<vmem>>) semaphore(%arg13 : memref<!tpu.dma_semaphore, #tpu.memory_space<semaphore_mem>>) {add = true}
      %dma_start3A_959 = arith.constant 4 : i32
      %dma_start3A_960 = arith.constant 4 : i32
      %dma_start3A_961 = arith.constant 0 : i32
      %dma_start3A_962 = arith.constant 0 : i32
      %dma_start3A_963 = tpu.memref_slice %arg9[%dma_start3A_959, %dma_start3A_961, %dma_start3A_962] : memref<8x128x16xf32, #tpu.memory_space<vmem>> -> memref<1x128x16xf32, #tpu.memory_space<vmem>>
      %dma_start3A_964 = tpu.memref_squeeze %dma_start3A_963 : memref<1x128x16xf32, #tpu.memory_space<vmem>> -> memref<128x16xf32, #tpu.memory_space<vmem>>
      %dma_start3A_965 = arith.constant 0 : i32
      %dma_start3A_966 = tpu.memref_slice %arg8[%dma_start3A_960, %dma_start3A_965] : memref<8x128xi32, #tpu.memory_space<vmem>> -> memref<1x128xi32, #tpu.memory_space<vmem>>
      %dma_start3A_967 = tpu.memref_squeeze %dma_start3A_966 : memref<1x128xi32, #tpu.memory_space<vmem>> -> memref<128xi32, #tpu.memory_space<vmem>>
      %dma_start3A_968 = arith.constant 0 : i32
      %dma_start3A_969 = arith.constant 0 : i32
      %dma_start3A_970 = tpu.memref_slice %arg10[%dma_start3A_968, %dma_start3A_969] : memref<100352x16xf32, #tpu.memory_space<vmem_shared>> -> memref<100352x16xf32, #tpu.memory_space<vmem_shared>>
      tpu.enqueue_indirect_dma source(%dma_start3A_964 : memref<128x16xf32, #tpu.memory_space<vmem>>) target(%dma_start3A_970 : memref<100352x16xf32, #tpu.memory_space<vmem_shared>>) offsets(%dma_start3A_967 : memref<128xi32, #tpu.memory_space<vmem>>) semaphore(%arg13 : memref<!tpu.dma_semaphore, #tpu.memory_space<semaphore_mem>>) {add = true}
      %dma_start3A_971 = arith.constant 5 : i32
      %dma_start3A_972 = arith.constant 5 : i32
      %dma_start3A_973 = arith.constant 0 : i32
      %dma_start3A_974 = arith.constant 0 : i32
      %dma_start3A_975 = tpu.memref_slice %arg9[%dma_start3A_971, %dma_start3A_973, %dma_start3A_974] : memref<8x128x16xf32, #tpu.memory_space<vmem>> -> memref<1x128x16xf32, #tpu.memory_space<vmem>>
      %dma_start3A_976 = tpu.memref_squeeze %dma_start3A_975 : memref<1x128x16xf32, #tpu.memory_space<vmem>> -> memref<128x16xf32, #tpu.memory_space<vmem>>
      %dma_start3A_977 = arith.constant 0 : i32
      %dma_start3A_978 = tpu.memref_slice %arg8[%dma_start3A_972, %dma_start3A_977] : memref<8x128xi32, #tpu.memory_space<vmem>> -> memref<1x128xi32, #tpu.memory_space<vmem>>
      %dma_start3A_979 = tpu.memref_squeeze %dma_start3A_978 : memref<1x128xi32, #tpu.memory_space<vmem>> -> memref<128xi32, #tpu.memory_space<vmem>>
      %dma_start3A_980 = arith.constant 0 : i32
      %dma_start3A_981 = arith.constant 0 : i32
      %dma_start3A_982 = tpu.memref_slice %arg10[%dma_start3A_980, %dma_start3A_981] : memref<100352x16xf32, #tpu.memory_space<vmem_shared>> -> memref<100352x16xf32, #tpu.memory_space<vmem_shared>>
      tpu.enqueue_indirect_dma source(%dma_start3A_976 : memref<128x16xf32, #tpu.memory_space<vmem>>) target(%dma_start3A_982 : memref<100352x16xf32, #tpu.memory_space<vmem_shared>>) offsets(%dma_start3A_979 : memref<128xi32, #tpu.memory_space<vmem>>) semaphore(%arg13 : memref<!tpu.dma_semaphore, #tpu.memory_space<semaphore_mem>>) {add = true}
      %dma_start3A_983 = arith.constant 6 : i32
      %dma_start3A_984 = arith.constant 6 : i32
      %dma_start3A_985 = arith.constant 0 : i32
      %dma_start3A_986 = arith.constant 0 : i32
      %dma_start3A_987 = tpu.memref_slice %arg9[%dma_start3A_983, %dma_start3A_985, %dma_start3A_986] : memref<8x128x16xf32, #tpu.memory_space<vmem>> -> memref<1x128x16xf32, #tpu.memory_space<vmem>>
      %dma_start3A_988 = tpu.memref_squeeze %dma_start3A_987 : memref<1x128x16xf32, #tpu.memory_space<vmem>> -> memref<128x16xf32, #tpu.memory_space<vmem>>
      %dma_start3A_989 = arith.constant 0 : i32
      %dma_start3A_990 = tpu.memref_slice %arg8[%dma_start3A_984, %dma_start3A_989] : memref<8x128xi32, #tpu.memory_space<vmem>> -> memref<1x128xi32, #tpu.memory_space<vmem>>
      %dma_start3A_991 = tpu.memref_squeeze %dma_start3A_990 : memref<1x128xi32, #tpu.memory_space<vmem>> -> memref<128xi32, #tpu.memory_space<vmem>>
      %dma_start3A_992 = arith.constant 0 : i32
      %dma_start3A_993 = arith.constant 0 : i32
      %dma_start3A_994 = tpu.memref_slice %arg10[%dma_start3A_992, %dma_start3A_993] : memref<100352x16xf32, #tpu.memory_space<vmem_shared>> -> memref<100352x16xf32, #tpu.memory_space<vmem_shared>>
      tpu.enqueue_indirect_dma source(%dma_start3A_988 : memref<128x16xf32, #tpu.memory_space<vmem>>) target(%dma_start3A_994 : memref<100352x16xf32, #tpu.memory_space<vmem_shared>>) offsets(%dma_start3A_991 : memref<128xi32, #tpu.memory_space<vmem>>) semaphore(%arg13 : memref<!tpu.dma_semaphore, #tpu.memory_space<semaphore_mem>>) {add = true}
      %dma_start3A_995 = arith.constant 7 : i32
      %dma_start3A_996 = arith.constant 7 : i32
      %dma_start3A_997 = arith.constant 0 : i32
      %dma_start3A_998 = arith.constant 0 : i32
      %dma_start3A_999 = tpu.memref_slice %arg9[%dma_start3A_995, %dma_start3A_997, %dma_start3A_998] : memref<8x128x16xf32, #tpu.memory_space<vmem>> -> memref<1x128x16xf32, #tpu.memory_space<vmem>>
      %dma_start3A_1000 = tpu.memref_squeeze %dma_start3A_999 : memref<1x128x16xf32, #tpu.memory_space<vmem>> -> memref<128x16xf32, #tpu.memory_space<vmem>>
      %dma_start3A_1001 = arith.constant 0 : i32
      %dma_start3A_1002 = tpu.memref_slice %arg8[%dma_start3A_996, %dma_start3A_1001] : memref<8x128xi32, #tpu.memory_space<vmem>> -> memref<1x128xi32, #tpu.memory_space<vmem>>
      %dma_start3A_1003 = tpu.memref_squeeze %dma_start3A_1002 : memref<1x128xi32, #tpu.memory_space<vmem>> -> memref<128xi32, #tpu.memory_space<vmem>>
      %dma_start3A_1004 = arith.constant 0 : i32
      %dma_start3A_1005 = arith.constant 0 : i32
      %dma_start3A_1006 = tpu.memref_slice %arg10[%dma_start3A_1004, %dma_start3A_1005] : memref<100352x16xf32, #tpu.memory_space<vmem_shared>> -> memref<100352x16xf32, #tpu.memory_space<vmem_shared>>
      tpu.enqueue_indirect_dma source(%dma_start3A_1000 : memref<128x16xf32, #tpu.memory_space<vmem>>) target(%dma_start3A_1006 : memref<100352x16xf32, #tpu.memory_space<vmem_shared>>) offsets(%dma_start3A_1003 : memref<128xi32, #tpu.memory_space<vmem>>) semaphore(%arg13 : memref<!tpu.dma_semaphore, #tpu.memory_space<semaphore_mem>>) {add = true}
      %dma_wait3A_1007 = arith.constant 0 : i32
      %dma_wait3A_1008 = arith.constant 0 : i32
      %dma_wait3A_1009 = arith.constant 0 : i32
      %dma_wait3A_1010 = arith.constant 0 : i32
      %dma_wait3A_1011 = tpu.memref_slice %arg9[%dma_wait3A_1007, %dma_wait3A_1009, %dma_wait3A_1010] : memref<8x128x16xf32, #tpu.memory_space<vmem>> -> memref<1x128x16xf32, #tpu.memory_space<vmem>>
      %dma_wait3A_1012 = tpu.memref_squeeze %dma_wait3A_1011 : memref<1x128x16xf32, #tpu.memory_space<vmem>> -> memref<128x16xf32, #tpu.memory_space<vmem>>
      %dma_wait3A_1013 = arith.constant 0 : i32
      %dma_wait3A_1014 = tpu.memref_slice %arg8[%dma_wait3A_1008, %dma_wait3A_1013] : memref<8x128xi32, #tpu.memory_space<vmem>> -> memref<1x128xi32, #tpu.memory_space<vmem>>
      %dma_wait3A_1015 = tpu.memref_squeeze %dma_wait3A_1014 : memref<1x128xi32, #tpu.memory_space<vmem>> -> memref<128xi32, #tpu.memory_space<vmem>>
      %dma_wait3A_1016 = arith.constant 0 : i32
      %dma_wait3A_1017 = arith.constant 0 : i32
      %dma_wait3A_1018 = tpu.memref_slice %arg10[%dma_wait3A_1016, %dma_wait3A_1017] : memref<100352x16xf32, #tpu.memory_space<vmem_shared>> -> memref<100352x16xf32, #tpu.memory_space<vmem_shared>>
      tpu.wait_indirect_dma semaphore(%arg13 : memref<!tpu.dma_semaphore, #tpu.memory_space<semaphore_mem>>) src(%dma_wait3A_1012 : memref<128x16xf32, #tpu.memory_space<vmem>>) dst(%dma_wait3A_1018 : memref<100352x16xf32, #tpu.memory_space<vmem_shared>>)
      %dma_wait3A_1019 = arith.constant 1 : i32
      %dma_wait3A_1020 = arith.constant 1 : i32
      %dma_wait3A_1021 = arith.constant 0 : i32
      %dma_wait3A_1022 = arith.constant 0 : i32
      %dma_wait3A_1023 = tpu.memref_slice %arg9[%dma_wait3A_1019, %dma_wait3A_1021, %dma_wait3A_1022] : memref<8x128x16xf32, #tpu.memory_space<vmem>> -> memref<1x128x16xf32, #tpu.memory_space<vmem>>
      %dma_wait3A_1024 = tpu.memref_squeeze %dma_wait3A_1023 : memref<1x128x16xf32, #tpu.memory_space<vmem>> -> memref<128x16xf32, #tpu.memory_space<vmem>>
      %dma_wait3A_1025 = arith.constant 0 : i32
      %dma_wait3A_1026 = tpu.memref_slice %arg8[%dma_wait3A_1020, %dma_wait3A_1025] : memref<8x128xi32, #tpu.memory_space<vmem>> -> memref<1x128xi32, #tpu.memory_space<vmem>>
      %dma_wait3A_1027 = tpu.memref_squeeze %dma_wait3A_1026 : memref<1x128xi32, #tpu.memory_space<vmem>> -> memref<128xi32, #tpu.memory_space<vmem>>
      %dma_wait3A_1028 = arith.constant 0 : i32
      %dma_wait3A_1029 = arith.constant 0 : i32
      %dma_wait3A_1030 = tpu.memref_slice %arg10[%dma_wait3A_1028, %dma_wait3A_1029] : memref<100352x16xf32, #tpu.memory_space<vmem_shared>> -> memref<100352x16xf32, #tpu.memory_space<vmem_shared>>
      tpu.wait_indirect_dma semaphore(%arg13 : memref<!tpu.dma_semaphore, #tpu.memory_space<semaphore_mem>>) src(%dma_wait3A_1024 : memref<128x16xf32, #tpu.memory_space<vmem>>) dst(%dma_wait3A_1030 : memref<100352x16xf32, #tpu.memory_space<vmem_shared>>)
      %dma_wait3A_1031 = arith.constant 2 : i32
      %dma_wait3A_1032 = arith.constant 2 : i32
      %dma_wait3A_1033 = arith.constant 0 : i32
      %dma_wait3A_1034 = arith.constant 0 : i32
      %dma_wait3A_1035 = tpu.memref_slice %arg9[%dma_wait3A_1031, %dma_wait3A_1033, %dma_wait3A_1034] : memref<8x128x16xf32, #tpu.memory_space<vmem>> -> memref<1x128x16xf32, #tpu.memory_space<vmem>>
      %dma_wait3A_1036 = tpu.memref_squeeze %dma_wait3A_1035 : memref<1x128x16xf32, #tpu.memory_space<vmem>> -> memref<128x16xf32, #tpu.memory_space<vmem>>
      %dma_wait3A_1037 = arith.constant 0 : i32
      %dma_wait3A_1038 = tpu.memref_slice %arg8[%dma_wait3A_1032, %dma_wait3A_1037] : memref<8x128xi32, #tpu.memory_space<vmem>> -> memref<1x128xi32, #tpu.memory_space<vmem>>
      %dma_wait3A_1039 = tpu.memref_squeeze %dma_wait3A_1038 : memref<1x128xi32, #tpu.memory_space<vmem>> -> memref<128xi32, #tpu.memory_space<vmem>>
      %dma_wait3A_1040 = arith.constant 0 : i32
      %dma_wait3A_1041 = arith.constant 0 : i32
      %dma_wait3A_1042 = tpu.memref_slice %arg10[%dma_wait3A_1040, %dma_wait3A_1041] : memref<100352x16xf32, #tpu.memory_space<vmem_shared>> -> memref<100352x16xf32, #tpu.memory_space<vmem_shared>>
      tpu.wait_indirect_dma semaphore(%arg13 : memref<!tpu.dma_semaphore, #tpu.memory_space<semaphore_mem>>) src(%dma_wait3A_1036 : memref<128x16xf32, #tpu.memory_space<vmem>>) dst(%dma_wait3A_1042 : memref<100352x16xf32, #tpu.memory_space<vmem_shared>>)
      %dma_wait3A_1043 = arith.constant 3 : i32
      %dma_wait3A_1044 = arith.constant 3 : i32
      %dma_wait3A_1045 = arith.constant 0 : i32
      %dma_wait3A_1046 = arith.constant 0 : i32
      %dma_wait3A_1047 = tpu.memref_slice %arg9[%dma_wait3A_1043, %dma_wait3A_1045, %dma_wait3A_1046] : memref<8x128x16xf32, #tpu.memory_space<vmem>> -> memref<1x128x16xf32, #tpu.memory_space<vmem>>
      %dma_wait3A_1048 = tpu.memref_squeeze %dma_wait3A_1047 : memref<1x128x16xf32, #tpu.memory_space<vmem>> -> memref<128x16xf32, #tpu.memory_space<vmem>>
      %dma_wait3A_1049 = arith.constant 0 : i32
      %dma_wait3A_1050 = tpu.memref_slice %arg8[%dma_wait3A_1044, %dma_wait3A_1049] : memref<8x128xi32, #tpu.memory_space<vmem>> -> memref<1x128xi32, #tpu.memory_space<vmem>>
      %dma_wait3A_1051 = tpu.memref_squeeze %dma_wait3A_1050 : memref<1x128xi32, #tpu.memory_space<vmem>> -> memref<128xi32, #tpu.memory_space<vmem>>
      %dma_wait3A_1052 = arith.constant 0 : i32
      %dma_wait3A_1053 = arith.constant 0 : i32
      %dma_wait3A_1054 = tpu.memref_slice %arg10[%dma_wait3A_1052, %dma_wait3A_1053] : memref<100352x16xf32, #tpu.memory_space<vmem_shared>> -> memref<100352x16xf32, #tpu.memory_space<vmem_shared>>
      tpu.wait_indirect_dma semaphore(%arg13 : memref<!tpu.dma_semaphore, #tpu.memory_space<semaphore_mem>>) src(%dma_wait3A_1048 : memref<128x16xf32, #tpu.memory_space<vmem>>) dst(%dma_wait3A_1054 : memref<100352x16xf32, #tpu.memory_space<vmem_shared>>)
      %dma_wait3A_1055 = arith.constant 4 : i32
      %dma_wait3A_1056 = arith.constant 4 : i32
      %dma_wait3A_1057 = arith.constant 0 : i32
      %dma_wait3A_1058 = arith.constant 0 : i32
      %dma_wait3A_1059 = tpu.memref_slice %arg9[%dma_wait3A_1055, %dma_wait3A_1057, %dma_wait3A_1058] : memref<8x128x16xf32, #tpu.memory_space<vmem>> -> memref<1x128x16xf32, #tpu.memory_space<vmem>>
      %dma_wait3A_1060 = tpu.memref_squeeze %dma_wait3A_1059 : memref<1x128x16xf32, #tpu.memory_space<vmem>> -> memref<128x16xf32, #tpu.memory_space<vmem>>
      %dma_wait3A_1061 = arith.constant 0 : i32
      %dma_wait3A_1062 = tpu.memref_slice %arg8[%dma_wait3A_1056, %dma_wait3A_1061] : memref<8x128xi32, #tpu.memory_space<vmem>> -> memref<1x128xi32, #tpu.memory_space<vmem>>
      %dma_wait3A_1063 = tpu.memref_squeeze %dma_wait3A_1062 : memref<1x128xi32, #tpu.memory_space<vmem>> -> memref<128xi32, #tpu.memory_space<vmem>>
      %dma_wait3A_1064 = arith.constant 0 : i32
      %dma_wait3A_1065 = arith.constant 0 : i32
      %dma_wait3A_1066 = tpu.memref_slice %arg10[%dma_wait3A_1064, %dma_wait3A_1065] : memref<100352x16xf32, #tpu.memory_space<vmem_shared>> -> memref<100352x16xf32, #tpu.memory_space<vmem_shared>>
      tpu.wait_indirect_dma semaphore(%arg13 : memref<!tpu.dma_semaphore, #tpu.memory_space<semaphore_mem>>) src(%dma_wait3A_1060 : memref<128x16xf32, #tpu.memory_space<vmem>>) dst(%dma_wait3A_1066 : memref<100352x16xf32, #tpu.memory_space<vmem_shared>>)
      %dma_wait3A_1067 = arith.constant 5 : i32
      %dma_wait3A_1068 = arith.constant 5 : i32
      %dma_wait3A_1069 = arith.constant 0 : i32
      %dma_wait3A_1070 = arith.constant 0 : i32
      %dma_wait3A_1071 = tpu.memref_slice %arg9[%dma_wait3A_1067, %dma_wait3A_1069, %dma_wait3A_1070] : memref<8x128x16xf32, #tpu.memory_space<vmem>> -> memref<1x128x16xf32, #tpu.memory_space<vmem>>
      %dma_wait3A_1072 = tpu.memref_squeeze %dma_wait3A_1071 : memref<1x128x16xf32, #tpu.memory_space<vmem>> -> memref<128x16xf32, #tpu.memory_space<vmem>>
      %dma_wait3A_1073 = arith.constant 0 : i32
      %dma_wait3A_1074 = tpu.memref_slice %arg8[%dma_wait3A_1068, %dma_wait3A_1073] : memref<8x128xi32, #tpu.memory_space<vmem>> -> memref<1x128xi32, #tpu.memory_space<vmem>>
      %dma_wait3A_1075 = tpu.memref_squeeze %dma_wait3A_1074 : memref<1x128xi32, #tpu.memory_space<vmem>> -> memref<128xi32, #tpu.memory_space<vmem>>
      %dma_wait3A_1076 = arith.constant 0 : i32
      %dma_wait3A_1077 = arith.constant 0 : i32
      %dma_wait3A_1078 = tpu.memref_slice %arg10[%dma_wait3A_1076, %dma_wait3A_1077] : memref<100352x16xf32, #tpu.memory_space<vmem_shared>> -> memref<100352x16xf32, #tpu.memory_space<vmem_shared>>
      tpu.wait_indirect_dma semaphore(%arg13 : memref<!tpu.dma_semaphore, #tpu.memory_space<semaphore_mem>>) src(%dma_wait3A_1072 : memref<128x16xf32, #tpu.memory_space<vmem>>) dst(%dma_wait3A_1078 : memref<100352x16xf32, #tpu.memory_space<vmem_shared>>)
      %dma_wait3A_1079 = arith.constant 6 : i32
      %dma_wait3A_1080 = arith.constant 6 : i32
      %dma_wait3A_1081 = arith.constant 0 : i32
      %dma_wait3A_1082 = arith.constant 0 : i32
      %dma_wait3A_1083 = tpu.memref_slice %arg9[%dma_wait3A_1079, %dma_wait3A_1081, %dma_wait3A_1082] : memref<8x128x16xf32, #tpu.memory_space<vmem>> -> memref<1x128x16xf32, #tpu.memory_space<vmem>>
      %dma_wait3A_1084 = tpu.memref_squeeze %dma_wait3A_1083 : memref<1x128x16xf32, #tpu.memory_space<vmem>> -> memref<128x16xf32, #tpu.memory_space<vmem>>
      %dma_wait3A_1085 = arith.constant 0 : i32
      %dma_wait3A_1086 = tpu.memref_slice %arg8[%dma_wait3A_1080, %dma_wait3A_1085] : memref<8x128xi32, #tpu.memory_space<vmem>> -> memref<1x128xi32, #tpu.memory_space<vmem>>
      %dma_wait3A_1087 = tpu.memref_squeeze %dma_wait3A_1086 : memref<1x128xi32, #tpu.memory_space<vmem>> -> memref<128xi32, #tpu.memory_space<vmem>>
      %dma_wait3A_1088 = arith.constant 0 : i32
      %dma_wait3A_1089 = arith.constant 0 : i32
      %dma_wait3A_1090 = tpu.memref_slice %arg10[%dma_wait3A_1088, %dma_wait3A_1089] : memref<100352x16xf32, #tpu.memory_space<vmem_shared>> -> memref<100352x16xf32, #tpu.memory_space<vmem_shared>>
      tpu.wait_indirect_dma semaphore(%arg13 : memref<!tpu.dma_semaphore, #tpu.memory_space<semaphore_mem>>) src(%dma_wait3A_1084 : memref<128x16xf32, #tpu.memory_space<vmem>>) dst(%dma_wait3A_1090 : memref<100352x16xf32, #tpu.memory_space<vmem_shared>>)
      %dma_wait3A_1091 = arith.constant 7 : i32
      %dma_wait3A_1092 = arith.constant 7 : i32
      %dma_wait3A_1093 = arith.constant 0 : i32
      %dma_wait3A_1094 = arith.constant 0 : i32
      %dma_wait3A_1095 = tpu.memref_slice %arg9[%dma_wait3A_1091, %dma_wait3A_1093, %dma_wait3A_1094] : memref<8x128x16xf32, #tpu.memory_space<vmem>> -> memref<1x128x16xf32, #tpu.memory_space<vmem>>
      %dma_wait3A_1096 = tpu.memref_squeeze %dma_wait3A_1095 : memref<1x128x16xf32, #tpu.memory_space<vmem>> -> memref<128x16xf32, #tpu.memory_space<vmem>>
      %dma_wait3A_1097 = arith.constant 0 : i32
      %dma_wait3A_1098 = tpu.memref_slice %arg8[%dma_wait3A_1092, %dma_wait3A_1097] : memref<8x128xi32, #tpu.memory_space<vmem>> -> memref<1x128xi32, #tpu.memory_space<vmem>>
      %dma_wait3A_1099 = tpu.memref_squeeze %dma_wait3A_1098 : memref<1x128xi32, #tpu.memory_space<vmem>> -> memref<128xi32, #tpu.memory_space<vmem>>
      %dma_wait3A_1100 = arith.constant 0 : i32
      %dma_wait3A_1101 = arith.constant 0 : i32
      %dma_wait3A_1102 = tpu.memref_slice %arg10[%dma_wait3A_1100, %dma_wait3A_1101] : memref<100352x16xf32, #tpu.memory_space<vmem_shared>> -> memref<100352x16xf32, #tpu.memory_space<vmem_shared>>
      tpu.wait_indirect_dma semaphore(%arg13 : memref<!tpu.dma_semaphore, #tpu.memory_space<semaphore_mem>>) src(%dma_wait3A_1096 : memref<128x16xf32, #tpu.memory_space<vmem>>) dst(%dma_wait3A_1102 : memref<100352x16xf32, #tpu.memory_space<vmem_shared>>)
    }
    %scan3A_9 = arith.constant 98 : i32
    %barrier3A_10 = arith.constant 0 : index
    tpu.barrier barrier_id(%barrier3A_10)
    %mul3A_11 = arith.constant 100352 : i32
    %mul3A_12 = arith.muli %arg0, %mul3A_11 : i32
    %add3A = arith.addi %mul3A_12, %mul3A_0 : i32
    "tpu.region"() ({
      %run_scoped3A = tpu.sem_alloc : memref<!tpu.dma_semaphore, #tpu.memory_space<semaphore_mem>>
      %dma_start3A = arith.constant 0 : i32
      %dma_start3A_13 = tpu.memref_slice %arg6[%add3A, %dma_start3A] : memref<200704x16xf32, #tpu.memory_space<hbm>> -> memref<6272x16xf32, #tpu.memory_space<hbm>>
      %dma_start3A_14 = arith.constant 0 : i32
      %dma_start3A_15 = tpu.memref_slice %arg10[%mul3A_0, %dma_start3A_14] : memref<100352x16xf32, #tpu.memory_space<vmem_shared>> -> memref<6272x16xf32, #tpu.memory_space<vmem_shared>>
      tpu.enqueue_dma source(%dma_start3A_15 : memref<6272x16xf32, #tpu.memory_space<vmem_shared>>) target(%dma_start3A_13 : memref<6272x16xf32, #tpu.memory_space<hbm>>) target_semaphore(%run_scoped3A : memref<!tpu.dma_semaphore, #tpu.memory_space<semaphore_mem>>)
      %dma_wait3A = arith.constant 0 : i32
      %dma_wait3A_16 = tpu.memref_slice %arg6[%add3A, %dma_wait3A] : memref<200704x16xf32, #tpu.memory_space<hbm>> -> memref<6272x16xf32, #tpu.memory_space<hbm>>
      %dma_wait3A_17 = arith.constant 0 : i32
      %dma_wait3A_18 = tpu.memref_slice %arg10[%mul3A_0, %dma_wait3A_17] : memref<100352x16xf32, #tpu.memory_space<vmem_shared>> -> memref<6272x16xf32, #tpu.memory_space<vmem_shared>>
      tpu.wait_dma2 semaphore(%run_scoped3A : memref<!tpu.dma_semaphore, #tpu.memory_space<semaphore_mem>>) src(%dma_wait3A_18 : memref<6272x16xf32, #tpu.memory_space<vmem_shared>>) dst(%dma_wait3A_16 : memref<6272x16xf32, #tpu.memory_space<hbm>>)
      tpu.yield
    }) : () -> ()
    return
  }
}

#map = affine_map<(d0, d1) -> (0, 0)>
#map1 = affine_map<(d0, d1) -> (0)>
module attributes {stable_mosaic.version = 14 : i64} {
  func.func @body(%arg0: i32, %arg1: i32, %arg2: memref<100352x16xf32, #tpu.memory_space<hbm>>, %arg3: memref<1605632xi32, #tpu.memory_space<hbm>>, %arg4: memref<1605632xi32, #tpu.memory_space<hbm>>, %arg5: memref<100352x16xf32, #tpu.memory_space<hbm>>, %arg6: memref<200704x16xf32, #tpu.memory_space<hbm>>, %arg7: memref<1024xi32, #tpu.memory_space<vmem>>, %arg8: memref<8x128xi32, #tpu.memory_space<vmem>>, %arg9: memref<8x128x16xf32, #tpu.memory_space<vmem>>, %arg10: memref<100352x16xf32, #tpu.memory_space<vmem_shared>>, %arg11: memref<!tpu.dma_semaphore, #tpu.memory_space<semaphore_mem>>, %arg12: memref<!tpu.dma_semaphore, #tpu.memory_space<semaphore_mem>>, %arg13: memref<!tpu.dma_semaphore, #tpu.memory_space<semaphore_mem>>) attributes {dimension_semantics = [#tpu.dimension_semantics<core_parallel>, #tpu.dimension_semantics<subcore_parallel>], iteration_bounds = array<i64: 2, 16>, scalar_prefetch = 0 : i64, scratch_operands = 7 : i64, tpu.core_type = #tpu.core_type<sc_vector_subcore>, window_params = [{transform_indices = #map}, {transform_indices = #map1}, {transform_indices = #map1}, {transform_indices = #map}, {transform_indices = #map}]} {
    %mul3A = arith.constant 6272 : i32
    %mul3A_0 = arith.muli %arg1, %mul3A : i32
    "tpu.region"() ({
      %run_scoped3A = tpu.sem_alloc : memref<!tpu.dma_semaphore, #tpu.memory_space<semaphore_mem>>
      %dma_start3A = arith.constant 0 : i32
      %dma_start3A_16 = tpu.memref_slice %arg10[%mul3A_0, %dma_start3A] : memref<100352x16xf32, #tpu.memory_space<vmem_shared>> -> memref<6272x16xf32, #tpu.memory_space<vmem_shared>>
      %dma_start3A_17 = arith.constant 0 : i32
      %dma_start3A_18 = tpu.memref_slice %arg5[%mul3A_0, %dma_start3A_17] : memref<100352x16xf32, #tpu.memory_space<hbm>> -> memref<6272x16xf32, #tpu.memory_space<hbm>>
      tpu.enqueue_dma source(%dma_start3A_18 : memref<6272x16xf32, #tpu.memory_space<hbm>>) target(%dma_start3A_16 : memref<6272x16xf32, #tpu.memory_space<vmem_shared>>) target_semaphore(%run_scoped3A : memref<!tpu.dma_semaphore, #tpu.memory_space<semaphore_mem>>)
      %dma_wait3A = arith.constant 0 : i32
      %dma_wait3A_19 = tpu.memref_slice %arg10[%mul3A_0, %dma_wait3A] : memref<100352x16xf32, #tpu.memory_space<vmem_shared>> -> memref<6272x16xf32, #tpu.memory_space<vmem_shared>>
      %dma_wait3A_20 = arith.constant 0 : i32
      %dma_wait3A_21 = tpu.memref_slice %arg5[%mul3A_0, %dma_wait3A_20] : memref<100352x16xf32, #tpu.memory_space<hbm>> -> memref<6272x16xf32, #tpu.memory_space<hbm>>
      tpu.wait_dma2 semaphore(%run_scoped3A : memref<!tpu.dma_semaphore, #tpu.memory_space<semaphore_mem>>) src(%dma_wait3A_21 : memref<6272x16xf32, #tpu.memory_space<hbm>>) dst(%dma_wait3A_19 : memref<6272x16xf32, #tpu.memory_space<vmem_shared>>)
      tpu.yield
    }) : () -> ()
    %barrier3A = arith.constant 0 : index
    tpu.barrier barrier_id(%barrier3A)
    %mul3A_1 = arith.constant 16 : i32
    %mul3A_2 = arith.muli %arg0, %mul3A_1 : i32
    %add3A = arith.addi %mul3A_2, %arg1 : i32
    %mul3A_3 = arith.constant 392 : i32
    %mul3A_4 = arith.muli %add3A, %mul3A_3 : i32
    %mul3A_5 = arith.constant 100352 : i32
    %mul3A_6 = arith.muli %arg0, %mul3A_5 : i32
    %scan3A = arith.constant 0 : i32
    %scan3A_7 = arith.constant 0 : i32
    %scan3A_8 = arith.constant 49 : i32
    %scan3A_9 = arith.addi %scan3A_7, %scan3A_8 : i32
    %scan3A_10 = arith.constant 1 : i32
    scf.for %scan3A_16 = %scan3A_7 to %scan3A_9 step %scan3A_10  : i32 {
      %mul3A_17 = arith.constant 8 : i32
      %mul3A_18 = arith.muli %scan3A_16, %mul3A_17 : i32
      %add3A_19 = arith.addi %mul3A_4, %mul3A_18 : i32
      %mul3A_20 = arith.constant 128 : i32
      %mul3A_21 = arith.muli %add3A_19, %mul3A_20 : i32
      "tpu.region"() ({
        %run_scoped3A = tpu.sem_alloc : memref<!tpu.dma_semaphore, #tpu.memory_space<semaphore_mem>>
        %dma_start3A_532 = tpu.memref_slice %arg3[%mul3A_21] : memref<1605632xi32, #tpu.memory_space<hbm>> -> memref<1024xi32, #tpu.memory_space<hbm>>
        %dma_start3A_533 = tpu.memref_slice %arg3[%mul3A_21] : memref<1605632xi32, #tpu.memory_space<hbm>> -> memref<1024xi32, #tpu.memory_space<hbm>>
        tpu.enqueue_dma source(%dma_start3A_533 : memref<1024xi32, #tpu.memory_space<hbm>>) target(%arg7 : memref<1024xi32, #tpu.memory_space<vmem>>) target_semaphore(%run_scoped3A : memref<!tpu.dma_semaphore, #tpu.memory_space<semaphore_mem>>)
        %dma_wait3A_534 = tpu.memref_slice %arg3[%mul3A_21] : memref<1605632xi32, #tpu.memory_space<hbm>> -> memref<1024xi32, #tpu.memory_space<hbm>>
        %dma_wait3A_535 = tpu.memref_slice %arg3[%mul3A_21] : memref<1605632xi32, #tpu.memory_space<hbm>> -> memref<1024xi32, #tpu.memory_space<hbm>>
        tpu.wait_dma2 semaphore(%run_scoped3A : memref<!tpu.dma_semaphore, #tpu.memory_space<semaphore_mem>>) src(%dma_wait3A_535 : memref<1024xi32, #tpu.memory_space<hbm>>) dst(%arg7 : memref<1024xi32, #tpu.memory_space<vmem>>)
        tpu.yield
      }) : () -> ()
      %add3A_22 = arith.constant 0 : i32
      %add3A_23 = arith.addi %mul3A_21, %add3A_22 : i32
      %dma_start3A = arith.constant 0 : i32
      %dma_start3A_24 = arith.constant 0 : i32
      %dma_start3A_25 = tpu.memref_slice %arg8[%dma_start3A, %dma_start3A_24] : memref<8x128xi32, #tpu.memory_space<vmem>> -> memref<1x128xi32, #tpu.memory_space<vmem>>
      %dma_start3A_26 = tpu.memref_squeeze %dma_start3A_25 : memref<1x128xi32, #tpu.memory_space<vmem>> -> memref<128xi32, #tpu.memory_space<vmem>>
      %dma_start3A_27 = tpu.memref_slice %arg4[%add3A_23] : memref<1605632xi32, #tpu.memory_space<hbm>> -> memref<128xi32, #tpu.memory_space<hbm>>
      %dma_start3A_28 = arith.constant 0 : i32
      %dma_start3A_29 = tpu.memref_slice %arg8[%dma_start3A, %dma_start3A_28] : memref<8x128xi32, #tpu.memory_space<vmem>> -> memref<1x128xi32, #tpu.memory_space<vmem>>
      %dma_start3A_30 = tpu.memref_squeeze %dma_start3A_29 : memref<1x128xi32, #tpu.memory_space<vmem>> -> memref<128xi32, #tpu.memory_space<vmem>>
      %dma_start3A_31 = tpu.memref_slice %arg4[%add3A_23] : memref<1605632xi32, #tpu.memory_space<hbm>> -> memref<128xi32, #tpu.memory_space<hbm>>
      tpu.enqueue_dma source(%dma_start3A_31 : memref<128xi32, #tpu.memory_space<hbm>>) target(%dma_start3A_30 : memref<128xi32, #tpu.memory_space<vmem>>) target_semaphore(%arg11 : memref<!tpu.dma_semaphore, #tpu.memory_space<semaphore_mem>>)
      %add3A_32 = arith.constant 128 : i32
      %add3A_33 = arith.addi %mul3A_21, %add3A_32 : i32
      %dma_start3A_34 = arith.constant 1 : i32
      %dma_start3A_35 = arith.constant 0 : i32
      %dma_start3A_36 = tpu.memref_slice %arg8[%dma_start3A_34, %dma_start3A_35] : memref<8x128xi32, #tpu.memory_space<vmem>> -> memref<1x128xi32, #tpu.memory_space<vmem>>
      %dma_start3A_37 = tpu.memref_squeeze %dma_start3A_36 : memref<1x128xi32, #tpu.memory_space<vmem>> -> memref<128xi32, #tpu.memory_space<vmem>>
      %dma_start3A_38 = tpu.memref_slice %arg4[%add3A_33] : memref<1605632xi32, #tpu.memory_space<hbm>> -> memref<128xi32, #tpu.memory_space<hbm>>
      %dma_start3A_39 = arith.constant 0 : i32
      %dma_start3A_40 = tpu.memref_slice %arg8[%dma_start3A_34, %dma_start3A_39] : memref<8x128xi32, #tpu.memory_space<vmem>> -> memref<1x128xi32, #tpu.memory_space<vmem>>
      %dma_start3A_41 = tpu.memref_squeeze %dma_start3A_40 : memref<1x128xi32, #tpu.memory_space<vmem>> -> memref<128xi32, #tpu.memory_space<vmem>>
      %dma_start3A_42 = tpu.memref_slice %arg4[%add3A_33] : memref<1605632xi32, #tpu.memory_space<hbm>> -> memref<128xi32, #tpu.memory_space<hbm>>
      tpu.enqueue_dma source(%dma_start3A_42 : memref<128xi32, #tpu.memory_space<hbm>>) target(%dma_start3A_41 : memref<128xi32, #tpu.memory_space<vmem>>) target_semaphore(%arg11 : memref<!tpu.dma_semaphore, #tpu.memory_space<semaphore_mem>>)
      %add3A_43 = arith.constant 256 : i32
      %add3A_44 = arith.addi %mul3A_21, %add3A_43 : i32
      %dma_start3A_45 = arith.constant 2 : i32
      %dma_start3A_46 = arith.constant 0 : i32
      %dma_start3A_47 = tpu.memref_slice %arg8[%dma_start3A_45, %dma_start3A_46] : memref<8x128xi32, #tpu.memory_space<vmem>> -> memref<1x128xi32, #tpu.memory_space<vmem>>
      %dma_start3A_48 = tpu.memref_squeeze %dma_start3A_47 : memref<1x128xi32, #tpu.memory_space<vmem>> -> memref<128xi32, #tpu.memory_space<vmem>>
      %dma_start3A_49 = tpu.memref_slice %arg4[%add3A_44] : memref<1605632xi32, #tpu.memory_space<hbm>> -> memref<128xi32, #tpu.memory_space<hbm>>
      %dma_start3A_50 = arith.constant 0 : i32
      %dma_start3A_51 = tpu.memref_slice %arg8[%dma_start3A_45, %dma_start3A_50] : memref<8x128xi32, #tpu.memory_space<vmem>> -> memref<1x128xi32, #tpu.memory_space<vmem>>
      %dma_start3A_52 = tpu.memref_squeeze %dma_start3A_51 : memref<1x128xi32, #tpu.memory_space<vmem>> -> memref<128xi32, #tpu.memory_space<vmem>>
      %dma_start3A_53 = tpu.memref_slice %arg4[%add3A_44] : memref<1605632xi32, #tpu.memory_space<hbm>> -> memref<128xi32, #tpu.memory_space<hbm>>
      tpu.enqueue_dma source(%dma_start3A_53 : memref<128xi32, #tpu.memory_space<hbm>>) target(%dma_start3A_52 : memref<128xi32, #tpu.memory_space<vmem>>) target_semaphore(%arg11 : memref<!tpu.dma_semaphore, #tpu.memory_space<semaphore_mem>>)
      %add3A_54 = arith.constant 384 : i32
      %add3A_55 = arith.addi %mul3A_21, %add3A_54 : i32
      %dma_start3A_56 = arith.constant 3 : i32
      %dma_start3A_57 = arith.constant 0 : i32
      %dma_start3A_58 = tpu.memref_slice %arg8[%dma_start3A_56, %dma_start3A_57] : memref<8x128xi32, #tpu.memory_space<vmem>> -> memref<1x128xi32, #tpu.memory_space<vmem>>
      %dma_start3A_59 = tpu.memref_squeeze %dma_start3A_58 : memref<1x128xi32, #tpu.memory_space<vmem>> -> memref<128xi32, #tpu.memory_space<vmem>>
      %dma_start3A_60 = tpu.memref_slice %arg4[%add3A_55] : memref<1605632xi32, #tpu.memory_space<hbm>> -> memref<128xi32, #tpu.memory_space<hbm>>
      %dma_start3A_61 = arith.constant 0 : i32
      %dma_start3A_62 = tpu.memref_slice %arg8[%dma_start3A_56, %dma_start3A_61] : memref<8x128xi32, #tpu.memory_space<vmem>> -> memref<1x128xi32, #tpu.memory_space<vmem>>
      %dma_start3A_63 = tpu.memref_squeeze %dma_start3A_62 : memref<1x128xi32, #tpu.memory_space<vmem>> -> memref<128xi32, #tpu.memory_space<vmem>>
      %dma_start3A_64 = tpu.memref_slice %arg4[%add3A_55] : memref<1605632xi32, #tpu.memory_space<hbm>> -> memref<128xi32, #tpu.memory_space<hbm>>
      tpu.enqueue_dma source(%dma_start3A_64 : memref<128xi32, #tpu.memory_space<hbm>>) target(%dma_start3A_63 : memref<128xi32, #tpu.memory_space<vmem>>) target_semaphore(%arg11 : memref<!tpu.dma_semaphore, #tpu.memory_space<semaphore_mem>>)
      %add3A_65 = arith.constant 512 : i32
      %add3A_66 = arith.addi %mul3A_21, %add3A_65 : i32
      %dma_start3A_67 = arith.constant 4 : i32
      %dma_start3A_68 = arith.constant 0 : i32
      %dma_start3A_69 = tpu.memref_slice %arg8[%dma_start3A_67, %dma_start3A_68] : memref<8x128xi32, #tpu.memory_space<vmem>> -> memref<1x128xi32, #tpu.memory_space<vmem>>
      %dma_start3A_70 = tpu.memref_squeeze %dma_start3A_69 : memref<1x128xi32, #tpu.memory_space<vmem>> -> memref<128xi32, #tpu.memory_space<vmem>>
      %dma_start3A_71 = tpu.memref_slice %arg4[%add3A_66] : memref<1605632xi32, #tpu.memory_space<hbm>> -> memref<128xi32, #tpu.memory_space<hbm>>
      %dma_start3A_72 = arith.constant 0 : i32
      %dma_start3A_73 = tpu.memref_slice %arg8[%dma_start3A_67, %dma_start3A_72] : memref<8x128xi32, #tpu.memory_space<vmem>> -> memref<1x128xi32, #tpu.memory_space<vmem>>
      %dma_start3A_74 = tpu.memref_squeeze %dma_start3A_73 : memref<1x128xi32, #tpu.memory_space<vmem>> -> memref<128xi32, #tpu.memory_space<vmem>>
      %dma_start3A_75 = tpu.memref_slice %arg4[%add3A_66] : memref<1605632xi32, #tpu.memory_space<hbm>> -> memref<128xi32, #tpu.memory_space<hbm>>
      tpu.enqueue_dma source(%dma_start3A_75 : memref<128xi32, #tpu.memory_space<hbm>>) target(%dma_start3A_74 : memref<128xi32, #tpu.memory_space<vmem>>) target_semaphore(%arg11 : memref<!tpu.dma_semaphore, #tpu.memory_space<semaphore_mem>>)
      %add3A_76 = arith.constant 640 : i32
      %add3A_77 = arith.addi %mul3A_21, %add3A_76 : i32
      %dma_start3A_78 = arith.constant 5 : i32
      %dma_start3A_79 = arith.constant 0 : i32
      %dma_start3A_80 = tpu.memref_slice %arg8[%dma_start3A_78, %dma_start3A_79] : memref<8x128xi32, #tpu.memory_space<vmem>> -> memref<1x128xi32, #tpu.memory_space<vmem>>
      %dma_start3A_81 = tpu.memref_squeeze %dma_start3A_80 : memref<1x128xi32, #tpu.memory_space<vmem>> -> memref<128xi32, #tpu.memory_space<vmem>>
      %dma_start3A_82 = tpu.memref_slice %arg4[%add3A_77] : memref<1605632xi32, #tpu.memory_space<hbm>> -> memref<128xi32, #tpu.memory_space<hbm>>
      %dma_start3A_83 = arith.constant 0 : i32
      %dma_start3A_84 = tpu.memref_slice %arg8[%dma_start3A_78, %dma_start3A_83] : memref<8x128xi32, #tpu.memory_space<vmem>> -> memref<1x128xi32, #tpu.memory_space<vmem>>
      %dma_start3A_85 = tpu.memref_squeeze %dma_start3A_84 : memref<1x128xi32, #tpu.memory_space<vmem>> -> memref<128xi32, #tpu.memory_space<vmem>>
      %dma_start3A_86 = tpu.memref_slice %arg4[%add3A_77] : memref<1605632xi32, #tpu.memory_space<hbm>> -> memref<128xi32, #tpu.memory_space<hbm>>
      tpu.enqueue_dma source(%dma_start3A_86 : memref<128xi32, #tpu.memory_space<hbm>>) target(%dma_start3A_85 : memref<128xi32, #tpu.memory_space<vmem>>) target_semaphore(%arg11 : memref<!tpu.dma_semaphore, #tpu.memory_space<semaphore_mem>>)
      %add3A_87 = arith.constant 768 : i32
      %add3A_88 = arith.addi %mul3A_21, %add3A_87 : i32
      %dma_start3A_89 = arith.constant 6 : i32
      %dma_start3A_90 = arith.constant 0 : i32
      %dma_start3A_91 = tpu.memref_slice %arg8[%dma_start3A_89, %dma_start3A_90] : memref<8x128xi32, #tpu.memory_space<vmem>> -> memref<1x128xi32, #tpu.memory_space<vmem>>
      %dma_start3A_92 = tpu.memref_squeeze %dma_start3A_91 : memref<1x128xi32, #tpu.memory_space<vmem>> -> memref<128xi32, #tpu.memory_space<vmem>>
      %dma_start3A_93 = tpu.memref_slice %arg4[%add3A_88] : memref<1605632xi32, #tpu.memory_space<hbm>> -> memref<128xi32, #tpu.memory_space<hbm>>
      %dma_start3A_94 = arith.constant 0 : i32
      %dma_start3A_95 = tpu.memref_slice %arg8[%dma_start3A_89, %dma_start3A_94] : memref<8x128xi32, #tpu.memory_space<vmem>> -> memref<1x128xi32, #tpu.memory_space<vmem>>
      %dma_start3A_96 = tpu.memref_squeeze %dma_start3A_95 : memref<1x128xi32, #tpu.memory_space<vmem>> -> memref<128xi32, #tpu.memory_space<vmem>>
      %dma_start3A_97 = tpu.memref_slice %arg4[%add3A_88] : memref<1605632xi32, #tpu.memory_space<hbm>> -> memref<128xi32, #tpu.memory_space<hbm>>
      tpu.enqueue_dma source(%dma_start3A_97 : memref<128xi32, #tpu.memory_space<hbm>>) target(%dma_start3A_96 : memref<128xi32, #tpu.memory_space<vmem>>) target_semaphore(%arg11 : memref<!tpu.dma_semaphore, #tpu.memory_space<semaphore_mem>>)
      %add3A_98 = arith.constant 896 : i32
      %add3A_99 = arith.addi %mul3A_21, %add3A_98 : i32
      %dma_start3A_100 = arith.constant 7 : i32
      %dma_start3A_101 = arith.constant 0 : i32
      %dma_start3A_102 = tpu.memref_slice %arg8[%dma_start3A_100, %dma_start3A_101] : memref<8x128xi32, #tpu.memory_space<vmem>> -> memref<1x128xi32, #tpu.memory_space<vmem>>
      %dma_start3A_103 = tpu.memref_squeeze %dma_start3A_102 : memref<1x128xi32, #tpu.memory_space<vmem>> -> memref<128xi32, #tpu.memory_space<vmem>>
      %dma_start3A_104 = tpu.memref_slice %arg4[%add3A_99] : memref<1605632xi32, #tpu.memory_space<hbm>> -> memref<128xi32, #tpu.memory_space<hbm>>
      %dma_start3A_105 = arith.constant 0 : i32
      %dma_start3A_106 = tpu.memref_slice %arg8[%dma_start3A_100, %dma_start3A_105] : memref<8x128xi32, #tpu.memory_space<vmem>> -> memref<1x128xi32, #tpu.memory_space<vmem>>
      %dma_start3A_107 = tpu.memref_squeeze %dma_start3A_106 : memref<1x128xi32, #tpu.memory_space<vmem>> -> memref<128xi32, #tpu.memory_space<vmem>>
      %dma_start3A_108 = tpu.memref_slice %arg4[%add3A_99] : memref<1605632xi32, #tpu.memory_space<hbm>> -> memref<128xi32, #tpu.memory_space<hbm>>
      tpu.enqueue_dma source(%dma_start3A_108 : memref<128xi32, #tpu.memory_space<hbm>>) target(%dma_start3A_107 : memref<128xi32, #tpu.memory_space<vmem>>) target_semaphore(%arg11 : memref<!tpu.dma_semaphore, #tpu.memory_space<semaphore_mem>>)
      %dma_start3A_109 = arith.constant 0 : i32
      %dma_start3A_110 = arith.constant 0 : i32
      %dma_start3A_111 = arith.constant 0 : i32
      %dma_start3A_112 = tpu.memref_slice %arg9[%dma_start3A_109, %dma_start3A_110, %dma_start3A_111] : memref<8x128x16xf32, #tpu.memory_space<vmem>> -> memref<1x128x16xf32, #tpu.memory_space<vmem>>
      %dma_start3A_113 = tpu.memref_squeeze %dma_start3A_112 : memref<1x128x16xf32, #tpu.memory_space<vmem>> -> memref<128x16xf32, #tpu.memory_space<vmem>>
      %dma_start3A_114 = arith.constant 0 : i32
      %dma_start3A_115 = tpu.memref_slice %arg7[%dma_start3A_114] : memref<1024xi32, #tpu.memory_space<vmem>> -> memref<128xi32, #tpu.memory_space<vmem>>
      %dma_start3A_116 = arith.constant 0 : i32
      %dma_start3A_117 = arith.constant 0 : i32
      %dma_start3A_118 = tpu.memref_slice %arg2[%dma_start3A_116, %dma_start3A_117] : memref<100352x16xf32, #tpu.memory_space<hbm>> -> memref<100352x16xf32, #tpu.memory_space<hbm>>
      tpu.enqueue_indirect_dma source(%dma_start3A_118 : memref<100352x16xf32, #tpu.memory_space<hbm>>) target(%dma_start3A_113 : memref<128x16xf32, #tpu.memory_space<vmem>>) offsets(%dma_start3A_115 : memref<128xi32, #tpu.memory_space<vmem>>) semaphore(%arg12 : memref<!tpu.dma_semaphore, #tpu.memory_space<semaphore_mem>>)
      %dma_start3A_119 = arith.constant 1 : i32
      %dma_start3A_120 = arith.constant 0 : i32
      %dma_start3A_121 = arith.constant 0 : i32
      %dma_start3A_122 = tpu.memref_slice %arg9[%dma_start3A_119, %dma_start3A_120, %dma_start3A_121] : memref<8x128x16xf32, #tpu.memory_space<vmem>> -> memref<1x128x16xf32, #tpu.memory_space<vmem>>
      %dma_start3A_123 = tpu.memref_squeeze %dma_start3A_122 : memref<1x128x16xf32, #tpu.memory_space<vmem>> -> memref<128x16xf32, #tpu.memory_space<vmem>>
      %dma_start3A_124 = arith.constant 128 : i32
      %dma_start3A_125 = tpu.memref_slice %arg7[%dma_start3A_124] : memref<1024xi32, #tpu.memory_space<vmem>> -> memref<128xi32, #tpu.memory_space<vmem>>
      %dma_start3A_126 = arith.constant 0 : i32
      %dma_start3A_127 = arith.constant 0 : i32
      %dma_start3A_128 = tpu.memref_slice %arg2[%dma_start3A_126, %dma_start3A_127] : memref<100352x16xf32, #tpu.memory_space<hbm>> -> memref<100352x16xf32, #tpu.memory_space<hbm>>
      tpu.enqueue_indirect_dma source(%dma_start3A_128 : memref<100352x16xf32, #tpu.memory_space<hbm>>) target(%dma_start3A_123 : memref<128x16xf32, #tpu.memory_space<vmem>>) offsets(%dma_start3A_125 : memref<128xi32, #tpu.memory_space<vmem>>) semaphore(%arg12 : memref<!tpu.dma_semaphore, #tpu.memory_space<semaphore_mem>>)
      %dma_start3A_129 = arith.constant 2 : i32
      %dma_start3A_130 = arith.constant 0 : i32
      %dma_start3A_131 = arith.constant 0 : i32
      %dma_start3A_132 = tpu.memref_slice %arg9[%dma_start3A_129, %dma_start3A_130, %dma_start3A_131] : memref<8x128x16xf32, #tpu.memory_space<vmem>> -> memref<1x128x16xf32, #tpu.memory_space<vmem>>
      %dma_start3A_133 = tpu.memref_squeeze %dma_start3A_132 : memref<1x128x16xf32, #tpu.memory_space<vmem>> -> memref<128x16xf32, #tpu.memory_space<vmem>>
      %dma_start3A_134 = arith.constant 256 : i32
      %dma_start3A_135 = tpu.memref_slice %arg7[%dma_start3A_134] : memref<1024xi32, #tpu.memory_space<vmem>> -> memref<128xi32, #tpu.memory_space<vmem>>
      %dma_start3A_136 = arith.constant 0 : i32
      %dma_start3A_137 = arith.constant 0 : i32
      %dma_start3A_138 = tpu.memref_slice %arg2[%dma_start3A_136, %dma_start3A_137] : memref<100352x16xf32, #tpu.memory_space<hbm>> -> memref<100352x16xf32, #tpu.memory_space<hbm>>
      tpu.enqueue_indirect_dma source(%dma_start3A_138 : memref<100352x16xf32, #tpu.memory_space<hbm>>) target(%dma_start3A_133 : memref<128x16xf32, #tpu.memory_space<vmem>>) offsets(%dma_start3A_135 : memref<128xi32, #tpu.memory_space<vmem>>) semaphore(%arg12 : memref<!tpu.dma_semaphore, #tpu.memory_space<semaphore_mem>>)
      %dma_start3A_139 = arith.constant 3 : i32
      %dma_start3A_140 = arith.constant 0 : i32
      %dma_start3A_141 = arith.constant 0 : i32
      %dma_start3A_142 = tpu.memref_slice %arg9[%dma_start3A_139, %dma_start3A_140, %dma_start3A_141] : memref<8x128x16xf32, #tpu.memory_space<vmem>> -> memref<1x128x16xf32, #tpu.memory_space<vmem>>
      %dma_start3A_143 = tpu.memref_squeeze %dma_start3A_142 : memref<1x128x16xf32, #tpu.memory_space<vmem>> -> memref<128x16xf32, #tpu.memory_space<vmem>>
      %dma_start3A_144 = arith.constant 384 : i32
      %dma_start3A_145 = tpu.memref_slice %arg7[%dma_start3A_144] : memref<1024xi32, #tpu.memory_space<vmem>> -> memref<128xi32, #tpu.memory_space<vmem>>
      %dma_start3A_146 = arith.constant 0 : i32
      %dma_start3A_147 = arith.constant 0 : i32
      %dma_start3A_148 = tpu.memref_slice %arg2[%dma_start3A_146, %dma_start3A_147] : memref<100352x16xf32, #tpu.memory_space<hbm>> -> memref<100352x16xf32, #tpu.memory_space<hbm>>
      tpu.enqueue_indirect_dma source(%dma_start3A_148 : memref<100352x16xf32, #tpu.memory_space<hbm>>) target(%dma_start3A_143 : memref<128x16xf32, #tpu.memory_space<vmem>>) offsets(%dma_start3A_145 : memref<128xi32, #tpu.memory_space<vmem>>) semaphore(%arg12 : memref<!tpu.dma_semaphore, #tpu.memory_space<semaphore_mem>>)
      %dma_start3A_149 = arith.constant 4 : i32
      %dma_start3A_150 = arith.constant 0 : i32
      %dma_start3A_151 = arith.constant 0 : i32
      %dma_start3A_152 = tpu.memref_slice %arg9[%dma_start3A_149, %dma_start3A_150, %dma_start3A_151] : memref<8x128x16xf32, #tpu.memory_space<vmem>> -> memref<1x128x16xf32, #tpu.memory_space<vmem>>
      %dma_start3A_153 = tpu.memref_squeeze %dma_start3A_152 : memref<1x128x16xf32, #tpu.memory_space<vmem>> -> memref<128x16xf32, #tpu.memory_space<vmem>>
      %dma_start3A_154 = arith.constant 512 : i32
      %dma_start3A_155 = tpu.memref_slice %arg7[%dma_start3A_154] : memref<1024xi32, #tpu.memory_space<vmem>> -> memref<128xi32, #tpu.memory_space<vmem>>
      %dma_start3A_156 = arith.constant 0 : i32
      %dma_start3A_157 = arith.constant 0 : i32
      %dma_start3A_158 = tpu.memref_slice %arg2[%dma_start3A_156, %dma_start3A_157] : memref<100352x16xf32, #tpu.memory_space<hbm>> -> memref<100352x16xf32, #tpu.memory_space<hbm>>
      tpu.enqueue_indirect_dma source(%dma_start3A_158 : memref<100352x16xf32, #tpu.memory_space<hbm>>) target(%dma_start3A_153 : memref<128x16xf32, #tpu.memory_space<vmem>>) offsets(%dma_start3A_155 : memref<128xi32, #tpu.memory_space<vmem>>) semaphore(%arg12 : memref<!tpu.dma_semaphore, #tpu.memory_space<semaphore_mem>>)
      %dma_start3A_159 = arith.constant 5 : i32
      %dma_start3A_160 = arith.constant 0 : i32
      %dma_start3A_161 = arith.constant 0 : i32
      %dma_start3A_162 = tpu.memref_slice %arg9[%dma_start3A_159, %dma_start3A_160, %dma_start3A_161] : memref<8x128x16xf32, #tpu.memory_space<vmem>> -> memref<1x128x16xf32, #tpu.memory_space<vmem>>
      %dma_start3A_163 = tpu.memref_squeeze %dma_start3A_162 : memref<1x128x16xf32, #tpu.memory_space<vmem>> -> memref<128x16xf32, #tpu.memory_space<vmem>>
      %dma_start3A_164 = arith.constant 640 : i32
      %dma_start3A_165 = tpu.memref_slice %arg7[%dma_start3A_164] : memref<1024xi32, #tpu.memory_space<vmem>> -> memref<128xi32, #tpu.memory_space<vmem>>
      %dma_start3A_166 = arith.constant 0 : i32
      %dma_start3A_167 = arith.constant 0 : i32
      %dma_start3A_168 = tpu.memref_slice %arg2[%dma_start3A_166, %dma_start3A_167] : memref<100352x16xf32, #tpu.memory_space<hbm>> -> memref<100352x16xf32, #tpu.memory_space<hbm>>
      tpu.enqueue_indirect_dma source(%dma_start3A_168 : memref<100352x16xf32, #tpu.memory_space<hbm>>) target(%dma_start3A_163 : memref<128x16xf32, #tpu.memory_space<vmem>>) offsets(%dma_start3A_165 : memref<128xi32, #tpu.memory_space<vmem>>) semaphore(%arg12 : memref<!tpu.dma_semaphore, #tpu.memory_space<semaphore_mem>>)
      %dma_start3A_169 = arith.constant 6 : i32
      %dma_start3A_170 = arith.constant 0 : i32
      %dma_start3A_171 = arith.constant 0 : i32
      %dma_start3A_172 = tpu.memref_slice %arg9[%dma_start3A_169, %dma_start3A_170, %dma_start3A_171] : memref<8x128x16xf32, #tpu.memory_space<vmem>> -> memref<1x128x16xf32, #tpu.memory_space<vmem>>
      %dma_start3A_173 = tpu.memref_squeeze %dma_start3A_172 : memref<1x128x16xf32, #tpu.memory_space<vmem>> -> memref<128x16xf32, #tpu.memory_space<vmem>>
      %dma_start3A_174 = arith.constant 768 : i32
      %dma_start3A_175 = tpu.memref_slice %arg7[%dma_start3A_174] : memref<1024xi32, #tpu.memory_space<vmem>> -> memref<128xi32, #tpu.memory_space<vmem>>
      %dma_start3A_176 = arith.constant 0 : i32
      %dma_start3A_177 = arith.constant 0 : i32
      %dma_start3A_178 = tpu.memref_slice %arg2[%dma_start3A_176, %dma_start3A_177] : memref<100352x16xf32, #tpu.memory_space<hbm>> -> memref<100352x16xf32, #tpu.memory_space<hbm>>
      tpu.enqueue_indirect_dma source(%dma_start3A_178 : memref<100352x16xf32, #tpu.memory_space<hbm>>) target(%dma_start3A_173 : memref<128x16xf32, #tpu.memory_space<vmem>>) offsets(%dma_start3A_175 : memref<128xi32, #tpu.memory_space<vmem>>) semaphore(%arg12 : memref<!tpu.dma_semaphore, #tpu.memory_space<semaphore_mem>>)
      %dma_start3A_179 = arith.constant 7 : i32
      %dma_start3A_180 = arith.constant 0 : i32
      %dma_start3A_181 = arith.constant 0 : i32
      %dma_start3A_182 = tpu.memref_slice %arg9[%dma_start3A_179, %dma_start3A_180, %dma_start3A_181] : memref<8x128x16xf32, #tpu.memory_space<vmem>> -> memref<1x128x16xf32, #tpu.memory_space<vmem>>
      %dma_start3A_183 = tpu.memref_squeeze %dma_start3A_182 : memref<1x128x16xf32, #tpu.memory_space<vmem>> -> memref<128x16xf32, #tpu.memory_space<vmem>>
      %dma_start3A_184 = arith.constant 896 : i32
      %dma_start3A_185 = tpu.memref_slice %arg7[%dma_start3A_184] : memref<1024xi32, #tpu.memory_space<vmem>> -> memref<128xi32, #tpu.memory_space<vmem>>
      %dma_start3A_186 = arith.constant 0 : i32
      %dma_start3A_187 = arith.constant 0 : i32
      %dma_start3A_188 = tpu.memref_slice %arg2[%dma_start3A_186, %dma_start3A_187] : memref<100352x16xf32, #tpu.memory_space<hbm>> -> memref<100352x16xf32, #tpu.memory_space<hbm>>
      tpu.enqueue_indirect_dma source(%dma_start3A_188 : memref<100352x16xf32, #tpu.memory_space<hbm>>) target(%dma_start3A_183 : memref<128x16xf32, #tpu.memory_space<vmem>>) offsets(%dma_start3A_185 : memref<128xi32, #tpu.memory_space<vmem>>) semaphore(%arg12 : memref<!tpu.dma_semaphore, #tpu.memory_space<semaphore_mem>>)
      %dma_wait3A = arith.constant 0 : i32
      %dma_wait3A_189 = arith.constant 0 : i32
      %dma_wait3A_190 = arith.constant 0 : i32
      %dma_wait3A_191 = tpu.memref_slice %arg9[%dma_wait3A, %dma_wait3A_189, %dma_wait3A_190] : memref<8x128x16xf32, #tpu.memory_space<vmem>> -> memref<1x128x16xf32, #tpu.memory_space<vmem>>
      %dma_wait3A_192 = tpu.memref_squeeze %dma_wait3A_191 : memref<1x128x16xf32, #tpu.memory_space<vmem>> -> memref<128x16xf32, #tpu.memory_space<vmem>>
      %dma_wait3A_193 = arith.constant 0 : i32
      %dma_wait3A_194 = tpu.memref_slice %arg7[%dma_wait3A_193] : memref<1024xi32, #tpu.memory_space<vmem>> -> memref<128xi32, #tpu.memory_space<vmem>>
      %dma_wait3A_195 = arith.constant 0 : i32
      %dma_wait3A_196 = arith.constant 0 : i32
      %dma_wait3A_197 = tpu.memref_slice %arg2[%dma_wait3A_195, %dma_wait3A_196] : memref<100352x16xf32, #tpu.memory_space<hbm>> -> memref<100352x16xf32, #tpu.memory_space<hbm>>
      tpu.wait_indirect_dma semaphore(%arg12 : memref<!tpu.dma_semaphore, #tpu.memory_space<semaphore_mem>>) src(%dma_wait3A_197 : memref<100352x16xf32, #tpu.memory_space<hbm>>) dst(%dma_wait3A_192 : memref<128x16xf32, #tpu.memory_space<vmem>>)
      %dma_wait3A_198 = arith.constant 1 : i32
      %dma_wait3A_199 = arith.constant 0 : i32
      %dma_wait3A_200 = arith.constant 0 : i32
      %dma_wait3A_201 = tpu.memref_slice %arg9[%dma_wait3A_198, %dma_wait3A_199, %dma_wait3A_200] : memref<8x128x16xf32, #tpu.memory_space<vmem>> -> memref<1x128x16xf32, #tpu.memory_space<vmem>>
      %dma_wait3A_202 = tpu.memref_squeeze %dma_wait3A_201 : memref<1x128x16xf32, #tpu.memory_space<vmem>> -> memref<128x16xf32, #tpu.memory_space<vmem>>
      %dma_wait3A_203 = arith.constant 128 : i32
      %dma_wait3A_204 = tpu.memref_slice %arg7[%dma_wait3A_203] : memref<1024xi32, #tpu.memory_space<vmem>> -> memref<128xi32, #tpu.memory_space<vmem>>
      %dma_wait3A_205 = arith.constant 0 : i32
      %dma_wait3A_206 = arith.constant 0 : i32
      %dma_wait3A_207 = tpu.memref_slice %arg2[%dma_wait3A_205, %dma_wait3A_206] : memref<100352x16xf32, #tpu.memory_space<hbm>> -> memref<100352x16xf32, #tpu.memory_space<hbm>>
      tpu.wait_indirect_dma semaphore(%arg12 : memref<!tpu.dma_semaphore, #tpu.memory_space<semaphore_mem>>) src(%dma_wait3A_207 : memref<100352x16xf32, #tpu.memory_space<hbm>>) dst(%dma_wait3A_202 : memref<128x16xf32, #tpu.memory_space<vmem>>)
      %dma_wait3A_208 = arith.constant 2 : i32
      %dma_wait3A_209 = arith.constant 0 : i32
      %dma_wait3A_210 = arith.constant 0 : i32
      %dma_wait3A_211 = tpu.memref_slice %arg9[%dma_wait3A_208, %dma_wait3A_209, %dma_wait3A_210] : memref<8x128x16xf32, #tpu.memory_space<vmem>> -> memref<1x128x16xf32, #tpu.memory_space<vmem>>
      %dma_wait3A_212 = tpu.memref_squeeze %dma_wait3A_211 : memref<1x128x16xf32, #tpu.memory_space<vmem>> -> memref<128x16xf32, #tpu.memory_space<vmem>>
      %dma_wait3A_213 = arith.constant 256 : i32
      %dma_wait3A_214 = tpu.memref_slice %arg7[%dma_wait3A_213] : memref<1024xi32, #tpu.memory_space<vmem>> -> memref<128xi32, #tpu.memory_space<vmem>>
      %dma_wait3A_215 = arith.constant 0 : i32
      %dma_wait3A_216 = arith.constant 0 : i32
      %dma_wait3A_217 = tpu.memref_slice %arg2[%dma_wait3A_215, %dma_wait3A_216] : memref<100352x16xf32, #tpu.memory_space<hbm>> -> memref<100352x16xf32, #tpu.memory_space<hbm>>
      tpu.wait_indirect_dma semaphore(%arg12 : memref<!tpu.dma_semaphore, #tpu.memory_space<semaphore_mem>>) src(%dma_wait3A_217 : memref<100352x16xf32, #tpu.memory_space<hbm>>) dst(%dma_wait3A_212 : memref<128x16xf32, #tpu.memory_space<vmem>>)
      %dma_wait3A_218 = arith.constant 3 : i32
      %dma_wait3A_219 = arith.constant 0 : i32
      %dma_wait3A_220 = arith.constant 0 : i32
      %dma_wait3A_221 = tpu.memref_slice %arg9[%dma_wait3A_218, %dma_wait3A_219, %dma_wait3A_220] : memref<8x128x16xf32, #tpu.memory_space<vmem>> -> memref<1x128x16xf32, #tpu.memory_space<vmem>>
      %dma_wait3A_222 = tpu.memref_squeeze %dma_wait3A_221 : memref<1x128x16xf32, #tpu.memory_space<vmem>> -> memref<128x16xf32, #tpu.memory_space<vmem>>
      %dma_wait3A_223 = arith.constant 384 : i32
      %dma_wait3A_224 = tpu.memref_slice %arg7[%dma_wait3A_223] : memref<1024xi32, #tpu.memory_space<vmem>> -> memref<128xi32, #tpu.memory_space<vmem>>
      %dma_wait3A_225 = arith.constant 0 : i32
      %dma_wait3A_226 = arith.constant 0 : i32
      %dma_wait3A_227 = tpu.memref_slice %arg2[%dma_wait3A_225, %dma_wait3A_226] : memref<100352x16xf32, #tpu.memory_space<hbm>> -> memref<100352x16xf32, #tpu.memory_space<hbm>>
      tpu.wait_indirect_dma semaphore(%arg12 : memref<!tpu.dma_semaphore, #tpu.memory_space<semaphore_mem>>) src(%dma_wait3A_227 : memref<100352x16xf32, #tpu.memory_space<hbm>>) dst(%dma_wait3A_222 : memref<128x16xf32, #tpu.memory_space<vmem>>)
      %dma_wait3A_228 = arith.constant 4 : i32
      %dma_wait3A_229 = arith.constant 0 : i32
      %dma_wait3A_230 = arith.constant 0 : i32
      %dma_wait3A_231 = tpu.memref_slice %arg9[%dma_wait3A_228, %dma_wait3A_229, %dma_wait3A_230] : memref<8x128x16xf32, #tpu.memory_space<vmem>> -> memref<1x128x16xf32, #tpu.memory_space<vmem>>
      %dma_wait3A_232 = tpu.memref_squeeze %dma_wait3A_231 : memref<1x128x16xf32, #tpu.memory_space<vmem>> -> memref<128x16xf32, #tpu.memory_space<vmem>>
      %dma_wait3A_233 = arith.constant 512 : i32
      %dma_wait3A_234 = tpu.memref_slice %arg7[%dma_wait3A_233] : memref<1024xi32, #tpu.memory_space<vmem>> -> memref<128xi32, #tpu.memory_space<vmem>>
      %dma_wait3A_235 = arith.constant 0 : i32
      %dma_wait3A_236 = arith.constant 0 : i32
      %dma_wait3A_237 = tpu.memref_slice %arg2[%dma_wait3A_235, %dma_wait3A_236] : memref<100352x16xf32, #tpu.memory_space<hbm>> -> memref<100352x16xf32, #tpu.memory_space<hbm>>
      tpu.wait_indirect_dma semaphore(%arg12 : memref<!tpu.dma_semaphore, #tpu.memory_space<semaphore_mem>>) src(%dma_wait3A_237 : memref<100352x16xf32, #tpu.memory_space<hbm>>) dst(%dma_wait3A_232 : memref<128x16xf32, #tpu.memory_space<vmem>>)
      %dma_wait3A_238 = arith.constant 5 : i32
      %dma_wait3A_239 = arith.constant 0 : i32
      %dma_wait3A_240 = arith.constant 0 : i32
      %dma_wait3A_241 = tpu.memref_slice %arg9[%dma_wait3A_238, %dma_wait3A_239, %dma_wait3A_240] : memref<8x128x16xf32, #tpu.memory_space<vmem>> -> memref<1x128x16xf32, #tpu.memory_space<vmem>>
      %dma_wait3A_242 = tpu.memref_squeeze %dma_wait3A_241 : memref<1x128x16xf32, #tpu.memory_space<vmem>> -> memref<128x16xf32, #tpu.memory_space<vmem>>
      %dma_wait3A_243 = arith.constant 640 : i32
      %dma_wait3A_244 = tpu.memref_slice %arg7[%dma_wait3A_243] : memref<1024xi32, #tpu.memory_space<vmem>> -> memref<128xi32, #tpu.memory_space<vmem>>
      %dma_wait3A_245 = arith.constant 0 : i32
      %dma_wait3A_246 = arith.constant 0 : i32
      %dma_wait3A_247 = tpu.memref_slice %arg2[%dma_wait3A_245, %dma_wait3A_246] : memref<100352x16xf32, #tpu.memory_space<hbm>> -> memref<100352x16xf32, #tpu.memory_space<hbm>>
      tpu.wait_indirect_dma semaphore(%arg12 : memref<!tpu.dma_semaphore, #tpu.memory_space<semaphore_mem>>) src(%dma_wait3A_247 : memref<100352x16xf32, #tpu.memory_space<hbm>>) dst(%dma_wait3A_242 : memref<128x16xf32, #tpu.memory_space<vmem>>)
      %dma_wait3A_248 = arith.constant 6 : i32
      %dma_wait3A_249 = arith.constant 0 : i32
      %dma_wait3A_250 = arith.constant 0 : i32
      %dma_wait3A_251 = tpu.memref_slice %arg9[%dma_wait3A_248, %dma_wait3A_249, %dma_wait3A_250] : memref<8x128x16xf32, #tpu.memory_space<vmem>> -> memref<1x128x16xf32, #tpu.memory_space<vmem>>
      %dma_wait3A_252 = tpu.memref_squeeze %dma_wait3A_251 : memref<1x128x16xf32, #tpu.memory_space<vmem>> -> memref<128x16xf32, #tpu.memory_space<vmem>>
      %dma_wait3A_253 = arith.constant 768 : i32
      %dma_wait3A_254 = tpu.memref_slice %arg7[%dma_wait3A_253] : memref<1024xi32, #tpu.memory_space<vmem>> -> memref<128xi32, #tpu.memory_space<vmem>>
      %dma_wait3A_255 = arith.constant 0 : i32
      %dma_wait3A_256 = arith.constant 0 : i32
      %dma_wait3A_257 = tpu.memref_slice %arg2[%dma_wait3A_255, %dma_wait3A_256] : memref<100352x16xf32, #tpu.memory_space<hbm>> -> memref<100352x16xf32, #tpu.memory_space<hbm>>
      tpu.wait_indirect_dma semaphore(%arg12 : memref<!tpu.dma_semaphore, #tpu.memory_space<semaphore_mem>>) src(%dma_wait3A_257 : memref<100352x16xf32, #tpu.memory_space<hbm>>) dst(%dma_wait3A_252 : memref<128x16xf32, #tpu.memory_space<vmem>>)
      %dma_wait3A_258 = arith.constant 7 : i32
      %dma_wait3A_259 = arith.constant 0 : i32
      %dma_wait3A_260 = arith.constant 0 : i32
      %dma_wait3A_261 = tpu.memref_slice %arg9[%dma_wait3A_258, %dma_wait3A_259, %dma_wait3A_260] : memref<8x128x16xf32, #tpu.memory_space<vmem>> -> memref<1x128x16xf32, #tpu.memory_space<vmem>>
      %dma_wait3A_262 = tpu.memref_squeeze %dma_wait3A_261 : memref<1x128x16xf32, #tpu.memory_space<vmem>> -> memref<128x16xf32, #tpu.memory_space<vmem>>
      %dma_wait3A_263 = arith.constant 896 : i32
      %dma_wait3A_264 = tpu.memref_slice %arg7[%dma_wait3A_263] : memref<1024xi32, #tpu.memory_space<vmem>> -> memref<128xi32, #tpu.memory_space<vmem>>
      %dma_wait3A_265 = arith.constant 0 : i32
      %dma_wait3A_266 = arith.constant 0 : i32
      %dma_wait3A_267 = tpu.memref_slice %arg2[%dma_wait3A_265, %dma_wait3A_266] : memref<100352x16xf32, #tpu.memory_space<hbm>> -> memref<100352x16xf32, #tpu.memory_space<hbm>>
      tpu.wait_indirect_dma semaphore(%arg12 : memref<!tpu.dma_semaphore, #tpu.memory_space<semaphore_mem>>) src(%dma_wait3A_267 : memref<100352x16xf32, #tpu.memory_space<hbm>>) dst(%dma_wait3A_262 : memref<128x16xf32, #tpu.memory_space<vmem>>)
      %dma_wait3A_268 = arith.constant 0 : i32
      %dma_wait3A_269 = arith.constant 0 : i32
      %dma_wait3A_270 = tpu.memref_slice %arg8[%dma_wait3A_268, %dma_wait3A_269] : memref<8x128xi32, #tpu.memory_space<vmem>> -> memref<1x128xi32, #tpu.memory_space<vmem>>
      %dma_wait3A_271 = tpu.memref_squeeze %dma_wait3A_270 : memref<1x128xi32, #tpu.memory_space<vmem>> -> memref<128xi32, #tpu.memory_space<vmem>>
      %dma_wait3A_272 = tpu.memref_slice %arg4[%add3A_23] : memref<1605632xi32, #tpu.memory_space<hbm>> -> memref<128xi32, #tpu.memory_space<hbm>>
      %dma_wait3A_273 = arith.constant 0 : i32
      %dma_wait3A_274 = tpu.memref_slice %arg8[%dma_wait3A_268, %dma_wait3A_273] : memref<8x128xi32, #tpu.memory_space<vmem>> -> memref<1x128xi32, #tpu.memory_space<vmem>>
      %dma_wait3A_275 = tpu.memref_squeeze %dma_wait3A_274 : memref<1x128xi32, #tpu.memory_space<vmem>> -> memref<128xi32, #tpu.memory_space<vmem>>
      %dma_wait3A_276 = tpu.memref_slice %arg4[%add3A_23] : memref<1605632xi32, #tpu.memory_space<hbm>> -> memref<128xi32, #tpu.memory_space<hbm>>
      tpu.wait_dma2 semaphore(%arg11 : memref<!tpu.dma_semaphore, #tpu.memory_space<semaphore_mem>>) src(%dma_wait3A_276 : memref<128xi32, #tpu.memory_space<hbm>>) dst(%dma_wait3A_275 : memref<128xi32, #tpu.memory_space<vmem>>)
      %dma_wait3A_277 = arith.constant 1 : i32
      %dma_wait3A_278 = arith.constant 0 : i32
      %dma_wait3A_279 = tpu.memref_slice %arg8[%dma_wait3A_277, %dma_wait3A_278] : memref<8x128xi32, #tpu.memory_space<vmem>> -> memref<1x128xi32, #tpu.memory_space<vmem>>
      %dma_wait3A_280 = tpu.memref_squeeze %dma_wait3A_279 : memref<1x128xi32, #tpu.memory_space<vmem>> -> memref<128xi32, #tpu.memory_space<vmem>>
      %dma_wait3A_281 = tpu.memref_slice %arg4[%add3A_33] : memref<1605632xi32, #tpu.memory_space<hbm>> -> memref<128xi32, #tpu.memory_space<hbm>>
      %dma_wait3A_282 = arith.constant 0 : i32
      %dma_wait3A_283 = tpu.memref_slice %arg8[%dma_wait3A_277, %dma_wait3A_282] : memref<8x128xi32, #tpu.memory_space<vmem>> -> memref<1x128xi32, #tpu.memory_space<vmem>>
      %dma_wait3A_284 = tpu.memref_squeeze %dma_wait3A_283 : memref<1x128xi32, #tpu.memory_space<vmem>> -> memref<128xi32, #tpu.memory_space<vmem>>
      %dma_wait3A_285 = tpu.memref_slice %arg4[%add3A_33] : memref<1605632xi32, #tpu.memory_space<hbm>> -> memref<128xi32, #tpu.memory_space<hbm>>
      tpu.wait_dma2 semaphore(%arg11 : memref<!tpu.dma_semaphore, #tpu.memory_space<semaphore_mem>>) src(%dma_wait3A_285 : memref<128xi32, #tpu.memory_space<hbm>>) dst(%dma_wait3A_284 : memref<128xi32, #tpu.memory_space<vmem>>)
      %dma_wait3A_286 = arith.constant 2 : i32
      %dma_wait3A_287 = arith.constant 0 : i32
      %dma_wait3A_288 = tpu.memref_slice %arg8[%dma_wait3A_286, %dma_wait3A_287] : memref<8x128xi32, #tpu.memory_space<vmem>> -> memref<1x128xi32, #tpu.memory_space<vmem>>
      %dma_wait3A_289 = tpu.memref_squeeze %dma_wait3A_288 : memref<1x128xi32, #tpu.memory_space<vmem>> -> memref<128xi32, #tpu.memory_space<vmem>>
      %dma_wait3A_290 = tpu.memref_slice %arg4[%add3A_44] : memref<1605632xi32, #tpu.memory_space<hbm>> -> memref<128xi32, #tpu.memory_space<hbm>>
      %dma_wait3A_291 = arith.constant 0 : i32
      %dma_wait3A_292 = tpu.memref_slice %arg8[%dma_wait3A_286, %dma_wait3A_291] : memref<8x128xi32, #tpu.memory_space<vmem>> -> memref<1x128xi32, #tpu.memory_space<vmem>>
      %dma_wait3A_293 = tpu.memref_squeeze %dma_wait3A_292 : memref<1x128xi32, #tpu.memory_space<vmem>> -> memref<128xi32, #tpu.memory_space<vmem>>
      %dma_wait3A_294 = tpu.memref_slice %arg4[%add3A_44] : memref<1605632xi32, #tpu.memory_space<hbm>> -> memref<128xi32, #tpu.memory_space<hbm>>
      tpu.wait_dma2 semaphore(%arg11 : memref<!tpu.dma_semaphore, #tpu.memory_space<semaphore_mem>>) src(%dma_wait3A_294 : memref<128xi32, #tpu.memory_space<hbm>>) dst(%dma_wait3A_293 : memref<128xi32, #tpu.memory_space<vmem>>)
      %dma_wait3A_295 = arith.constant 3 : i32
      %dma_wait3A_296 = arith.constant 0 : i32
      %dma_wait3A_297 = tpu.memref_slice %arg8[%dma_wait3A_295, %dma_wait3A_296] : memref<8x128xi32, #tpu.memory_space<vmem>> -> memref<1x128xi32, #tpu.memory_space<vmem>>
      %dma_wait3A_298 = tpu.memref_squeeze %dma_wait3A_297 : memref<1x128xi32, #tpu.memory_space<vmem>> -> memref<128xi32, #tpu.memory_space<vmem>>
      %dma_wait3A_299 = tpu.memref_slice %arg4[%add3A_55] : memref<1605632xi32, #tpu.memory_space<hbm>> -> memref<128xi32, #tpu.memory_space<hbm>>
      %dma_wait3A_300 = arith.constant 0 : i32
      %dma_wait3A_301 = tpu.memref_slice %arg8[%dma_wait3A_295, %dma_wait3A_300] : memref<8x128xi32, #tpu.memory_space<vmem>> -> memref<1x128xi32, #tpu.memory_space<vmem>>
      %dma_wait3A_302 = tpu.memref_squeeze %dma_wait3A_301 : memref<1x128xi32, #tpu.memory_space<vmem>> -> memref<128xi32, #tpu.memory_space<vmem>>
      %dma_wait3A_303 = tpu.memref_slice %arg4[%add3A_55] : memref<1605632xi32, #tpu.memory_space<hbm>> -> memref<128xi32, #tpu.memory_space<hbm>>
      tpu.wait_dma2 semaphore(%arg11 : memref<!tpu.dma_semaphore, #tpu.memory_space<semaphore_mem>>) src(%dma_wait3A_303 : memref<128xi32, #tpu.memory_space<hbm>>) dst(%dma_wait3A_302 : memref<128xi32, #tpu.memory_space<vmem>>)
      %dma_wait3A_304 = arith.constant 4 : i32
      %dma_wait3A_305 = arith.constant 0 : i32
      %dma_wait3A_306 = tpu.memref_slice %arg8[%dma_wait3A_304, %dma_wait3A_305] : memref<8x128xi32, #tpu.memory_space<vmem>> -> memref<1x128xi32, #tpu.memory_space<vmem>>
      %dma_wait3A_307 = tpu.memref_squeeze %dma_wait3A_306 : memref<1x128xi32, #tpu.memory_space<vmem>> -> memref<128xi32, #tpu.memory_space<vmem>>
      %dma_wait3A_308 = tpu.memref_slice %arg4[%add3A_66] : memref<1605632xi32, #tpu.memory_space<hbm>> -> memref<128xi32, #tpu.memory_space<hbm>>
      %dma_wait3A_309 = arith.constant 0 : i32
      %dma_wait3A_310 = tpu.memref_slice %arg8[%dma_wait3A_304, %dma_wait3A_309] : memref<8x128xi32, #tpu.memory_space<vmem>> -> memref<1x128xi32, #tpu.memory_space<vmem>>
      %dma_wait3A_311 = tpu.memref_squeeze %dma_wait3A_310 : memref<1x128xi32, #tpu.memory_space<vmem>> -> memref<128xi32, #tpu.memory_space<vmem>>
      %dma_wait3A_312 = tpu.memref_slice %arg4[%add3A_66] : memref<1605632xi32, #tpu.memory_space<hbm>> -> memref<128xi32, #tpu.memory_space<hbm>>
      tpu.wait_dma2 semaphore(%arg11 : memref<!tpu.dma_semaphore, #tpu.memory_space<semaphore_mem>>) src(%dma_wait3A_312 : memref<128xi32, #tpu.memory_space<hbm>>) dst(%dma_wait3A_311 : memref<128xi32, #tpu.memory_space<vmem>>)
      %dma_wait3A_313 = arith.constant 5 : i32
      %dma_wait3A_314 = arith.constant 0 : i32
      %dma_wait3A_315 = tpu.memref_slice %arg8[%dma_wait3A_313, %dma_wait3A_314] : memref<8x128xi32, #tpu.memory_space<vmem>> -> memref<1x128xi32, #tpu.memory_space<vmem>>
      %dma_wait3A_316 = tpu.memref_squeeze %dma_wait3A_315 : memref<1x128xi32, #tpu.memory_space<vmem>> -> memref<128xi32, #tpu.memory_space<vmem>>
      %dma_wait3A_317 = tpu.memref_slice %arg4[%add3A_77] : memref<1605632xi32, #tpu.memory_space<hbm>> -> memref<128xi32, #tpu.memory_space<hbm>>
      %dma_wait3A_318 = arith.constant 0 : i32
      %dma_wait3A_319 = tpu.memref_slice %arg8[%dma_wait3A_313, %dma_wait3A_318] : memref<8x128xi32, #tpu.memory_space<vmem>> -> memref<1x128xi32, #tpu.memory_space<vmem>>
      %dma_wait3A_320 = tpu.memref_squeeze %dma_wait3A_319 : memref<1x128xi32, #tpu.memory_space<vmem>> -> memref<128xi32, #tpu.memory_space<vmem>>
      %dma_wait3A_321 = tpu.memref_slice %arg4[%add3A_77] : memref<1605632xi32, #tpu.memory_space<hbm>> -> memref<128xi32, #tpu.memory_space<hbm>>
      tpu.wait_dma2 semaphore(%arg11 : memref<!tpu.dma_semaphore, #tpu.memory_space<semaphore_mem>>) src(%dma_wait3A_321 : memref<128xi32, #tpu.memory_space<hbm>>) dst(%dma_wait3A_320 : memref<128xi32, #tpu.memory_space<vmem>>)
      %dma_wait3A_322 = arith.constant 6 : i32
      %dma_wait3A_323 = arith.constant 0 : i32
      %dma_wait3A_324 = tpu.memref_slice %arg8[%dma_wait3A_322, %dma_wait3A_323] : memref<8x128xi32, #tpu.memory_space<vmem>> -> memref<1x128xi32, #tpu.memory_space<vmem>>
      %dma_wait3A_325 = tpu.memref_squeeze %dma_wait3A_324 : memref<1x128xi32, #tpu.memory_space<vmem>> -> memref<128xi32, #tpu.memory_space<vmem>>
      %dma_wait3A_326 = tpu.memref_slice %arg4[%add3A_88] : memref<1605632xi32, #tpu.memory_space<hbm>> -> memref<128xi32, #tpu.memory_space<hbm>>
      %dma_wait3A_327 = arith.constant 0 : i32
      %dma_wait3A_328 = tpu.memref_slice %arg8[%dma_wait3A_322, %dma_wait3A_327] : memref<8x128xi32, #tpu.memory_space<vmem>> -> memref<1x128xi32, #tpu.memory_space<vmem>>
      %dma_wait3A_329 = tpu.memref_squeeze %dma_wait3A_328 : memref<1x128xi32, #tpu.memory_space<vmem>> -> memref<128xi32, #tpu.memory_space<vmem>>
      %dma_wait3A_330 = tpu.memref_slice %arg4[%add3A_88] : memref<1605632xi32, #tpu.memory_space<hbm>> -> memref<128xi32, #tpu.memory_space<hbm>>
      tpu.wait_dma2 semaphore(%arg11 : memref<!tpu.dma_semaphore, #tpu.memory_space<semaphore_mem>>) src(%dma_wait3A_330 : memref<128xi32, #tpu.memory_space<hbm>>) dst(%dma_wait3A_329 : memref<128xi32, #tpu.memory_space<vmem>>)
      %dma_wait3A_331 = arith.constant 7 : i32
      %dma_wait3A_332 = arith.constant 0 : i32
      %dma_wait3A_333 = tpu.memref_slice %arg8[%dma_wait3A_331, %dma_wait3A_332] : memref<8x128xi32, #tpu.memory_space<vmem>> -> memref<1x128xi32, #tpu.memory_space<vmem>>
      %dma_wait3A_334 = tpu.memref_squeeze %dma_wait3A_333 : memref<1x128xi32, #tpu.memory_space<vmem>> -> memref<128xi32, #tpu.memory_space<vmem>>
      %dma_wait3A_335 = tpu.memref_slice %arg4[%add3A_99] : memref<1605632xi32, #tpu.memory_space<hbm>> -> memref<128xi32, #tpu.memory_space<hbm>>
      %dma_wait3A_336 = arith.constant 0 : i32
      %dma_wait3A_337 = tpu.memref_slice %arg8[%dma_wait3A_331, %dma_wait3A_336] : memref<8x128xi32, #tpu.memory_space<vmem>> -> memref<1x128xi32, #tpu.memory_space<vmem>>
      %dma_wait3A_338 = tpu.memref_squeeze %dma_wait3A_337 : memref<1x128xi32, #tpu.memory_space<vmem>> -> memref<128xi32, #tpu.memory_space<vmem>>
      %dma_wait3A_339 = tpu.memref_slice %arg4[%add3A_99] : memref<1605632xi32, #tpu.memory_space<hbm>> -> memref<128xi32, #tpu.memory_space<hbm>>
      tpu.wait_dma2 semaphore(%arg11 : memref<!tpu.dma_semaphore, #tpu.memory_space<semaphore_mem>>) src(%dma_wait3A_339 : memref<128xi32, #tpu.memory_space<hbm>>) dst(%dma_wait3A_338 : memref<128xi32, #tpu.memory_space<vmem>>)
      %dma_start3A_340 = arith.constant 0 : i32
      %dma_start3A_341 = arith.constant 0 : i32
      %dma_start3A_342 = arith.constant 0 : i32
      %dma_start3A_343 = arith.constant 0 : i32
      %dma_start3A_344 = tpu.memref_slice %arg9[%dma_start3A_340, %dma_start3A_342, %dma_start3A_343] : memref<8x128x16xf32, #tpu.memory_space<vmem>> -> memref<1x128x16xf32, #tpu.memory_space<vmem>>
      %dma_start3A_345 = tpu.memref_squeeze %dma_start3A_344 : memref<1x128x16xf32, #tpu.memory_space<vmem>> -> memref<128x16xf32, #tpu.memory_space<vmem>>
      %dma_start3A_346 = arith.constant 0 : i32
      %dma_start3A_347 = tpu.memref_slice %arg8[%dma_start3A_341, %dma_start3A_346] : memref<8x128xi32, #tpu.memory_space<vmem>> -> memref<1x128xi32, #tpu.memory_space<vmem>>
      %dma_start3A_348 = tpu.memref_squeeze %dma_start3A_347 : memref<1x128xi32, #tpu.memory_space<vmem>> -> memref<128xi32, #tpu.memory_space<vmem>>
      %dma_start3A_349 = arith.constant 0 : i32
      %dma_start3A_350 = arith.constant 0 : i32
      %dma_start3A_351 = tpu.memref_slice %arg10[%dma_start3A_349, %dma_start3A_350] : memref<100352x16xf32, #tpu.memory_space<vmem_shared>> -> memref<100352x16xf32, #tpu.memory_space<vmem_shared>>
      tpu.enqueue_indirect_dma source(%dma_start3A_345 : memref<128x16xf32, #tpu.memory_space<vmem>>) target(%dma_start3A_351 : memref<100352x16xf32, #tpu.memory_space<vmem_shared>>) offsets(%dma_start3A_348 : memref<128xi32, #tpu.memory_space<vmem>>) semaphore(%arg13 : memref<!tpu.dma_semaphore, #tpu.memory_space<semaphore_mem>>) {add = true}
      %dma_start3A_352 = arith.constant 1 : i32
      %dma_start3A_353 = arith.constant 1 : i32
      %dma_start3A_354 = arith.constant 0 : i32
      %dma_start3A_355 = arith.constant 0 : i32
      %dma_start3A_356 = tpu.memref_slice %arg9[%dma_start3A_352, %dma_start3A_354, %dma_start3A_355] : memref<8x128x16xf32, #tpu.memory_space<vmem>> -> memref<1x128x16xf32, #tpu.memory_space<vmem>>
      %dma_start3A_357 = tpu.memref_squeeze %dma_start3A_356 : memref<1x128x16xf32, #tpu.memory_space<vmem>> -> memref<128x16xf32, #tpu.memory_space<vmem>>
      %dma_start3A_358 = arith.constant 0 : i32
      %dma_start3A_359 = tpu.memref_slice %arg8[%dma_start3A_353, %dma_start3A_358] : memref<8x128xi32, #tpu.memory_space<vmem>> -> memref<1x128xi32, #tpu.memory_space<vmem>>
      %dma_start3A_360 = tpu.memref_squeeze %dma_start3A_359 : memref<1x128xi32, #tpu.memory_space<vmem>> -> memref<128xi32, #tpu.memory_space<vmem>>
      %dma_start3A_361 = arith.constant 0 : i32
      %dma_start3A_362 = arith.constant 0 : i32
      %dma_start3A_363 = tpu.memref_slice %arg10[%dma_start3A_361, %dma_start3A_362] : memref<100352x16xf32, #tpu.memory_space<vmem_shared>> -> memref<100352x16xf32, #tpu.memory_space<vmem_shared>>
      tpu.enqueue_indirect_dma source(%dma_start3A_357 : memref<128x16xf32, #tpu.memory_space<vmem>>) target(%dma_start3A_363 : memref<100352x16xf32, #tpu.memory_space<vmem_shared>>) offsets(%dma_start3A_360 : memref<128xi32, #tpu.memory_space<vmem>>) semaphore(%arg13 : memref<!tpu.dma_semaphore, #tpu.memory_space<semaphore_mem>>) {add = true}
      %dma_start3A_364 = arith.constant 2 : i32
      %dma_start3A_365 = arith.constant 2 : i32
      %dma_start3A_366 = arith.constant 0 : i32
      %dma_start3A_367 = arith.constant 0 : i32
      %dma_start3A_368 = tpu.memref_slice %arg9[%dma_start3A_364, %dma_start3A_366, %dma_start3A_367] : memref<8x128x16xf32, #tpu.memory_space<vmem>> -> memref<1x128x16xf32, #tpu.memory_space<vmem>>
      %dma_start3A_369 = tpu.memref_squeeze %dma_start3A_368 : memref<1x128x16xf32, #tpu.memory_space<vmem>> -> memref<128x16xf32, #tpu.memory_space<vmem>>
      %dma_start3A_370 = arith.constant 0 : i32
      %dma_start3A_371 = tpu.memref_slice %arg8[%dma_start3A_365, %dma_start3A_370] : memref<8x128xi32, #tpu.memory_space<vmem>> -> memref<1x128xi32, #tpu.memory_space<vmem>>
      %dma_start3A_372 = tpu.memref_squeeze %dma_start3A_371 : memref<1x128xi32, #tpu.memory_space<vmem>> -> memref<128xi32, #tpu.memory_space<vmem>>
      %dma_start3A_373 = arith.constant 0 : i32
      %dma_start3A_374 = arith.constant 0 : i32
      %dma_start3A_375 = tpu.memref_slice %arg10[%dma_start3A_373, %dma_start3A_374] : memref<100352x16xf32, #tpu.memory_space<vmem_shared>> -> memref<100352x16xf32, #tpu.memory_space<vmem_shared>>
      tpu.enqueue_indirect_dma source(%dma_start3A_369 : memref<128x16xf32, #tpu.memory_space<vmem>>) target(%dma_start3A_375 : memref<100352x16xf32, #tpu.memory_space<vmem_shared>>) offsets(%dma_start3A_372 : memref<128xi32, #tpu.memory_space<vmem>>) semaphore(%arg13 : memref<!tpu.dma_semaphore, #tpu.memory_space<semaphore_mem>>) {add = true}
      %dma_start3A_376 = arith.constant 3 : i32
      %dma_start3A_377 = arith.constant 3 : i32
      %dma_start3A_378 = arith.constant 0 : i32
      %dma_start3A_379 = arith.constant 0 : i32
      %dma_start3A_380 = tpu.memref_slice %arg9[%dma_start3A_376, %dma_start3A_378, %dma_start3A_379] : memref<8x128x16xf32, #tpu.memory_space<vmem>> -> memref<1x128x16xf32, #tpu.memory_space<vmem>>
      %dma_start3A_381 = tpu.memref_squeeze %dma_start3A_380 : memref<1x128x16xf32, #tpu.memory_space<vmem>> -> memref<128x16xf32, #tpu.memory_space<vmem>>
      %dma_start3A_382 = arith.constant 0 : i32
      %dma_start3A_383 = tpu.memref_slice %arg8[%dma_start3A_377, %dma_start3A_382] : memref<8x128xi32, #tpu.memory_space<vmem>> -> memref<1x128xi32, #tpu.memory_space<vmem>>
      %dma_start3A_384 = tpu.memref_squeeze %dma_start3A_383 : memref<1x128xi32, #tpu.memory_space<vmem>> -> memref<128xi32, #tpu.memory_space<vmem>>
      %dma_start3A_385 = arith.constant 0 : i32
      %dma_start3A_386 = arith.constant 0 : i32
      %dma_start3A_387 = tpu.memref_slice %arg10[%dma_start3A_385, %dma_start3A_386] : memref<100352x16xf32, #tpu.memory_space<vmem_shared>> -> memref<100352x16xf32, #tpu.memory_space<vmem_shared>>
      tpu.enqueue_indirect_dma source(%dma_start3A_381 : memref<128x16xf32, #tpu.memory_space<vmem>>) target(%dma_start3A_387 : memref<100352x16xf32, #tpu.memory_space<vmem_shared>>) offsets(%dma_start3A_384 : memref<128xi32, #tpu.memory_space<vmem>>) semaphore(%arg13 : memref<!tpu.dma_semaphore, #tpu.memory_space<semaphore_mem>>) {add = true}
      %dma_start3A_388 = arith.constant 4 : i32
      %dma_start3A_389 = arith.constant 4 : i32
      %dma_start3A_390 = arith.constant 0 : i32
      %dma_start3A_391 = arith.constant 0 : i32
      %dma_start3A_392 = tpu.memref_slice %arg9[%dma_start3A_388, %dma_start3A_390, %dma_start3A_391] : memref<8x128x16xf32, #tpu.memory_space<vmem>> -> memref<1x128x16xf32, #tpu.memory_space<vmem>>
      %dma_start3A_393 = tpu.memref_squeeze %dma_start3A_392 : memref<1x128x16xf32, #tpu.memory_space<vmem>> -> memref<128x16xf32, #tpu.memory_space<vmem>>
      %dma_start3A_394 = arith.constant 0 : i32
      %dma_start3A_395 = tpu.memref_slice %arg8[%dma_start3A_389, %dma_start3A_394] : memref<8x128xi32, #tpu.memory_space<vmem>> -> memref<1x128xi32, #tpu.memory_space<vmem>>
      %dma_start3A_396 = tpu.memref_squeeze %dma_start3A_395 : memref<1x128xi32, #tpu.memory_space<vmem>> -> memref<128xi32, #tpu.memory_space<vmem>>
      %dma_start3A_397 = arith.constant 0 : i32
      %dma_start3A_398 = arith.constant 0 : i32
      %dma_start3A_399 = tpu.memref_slice %arg10[%dma_start3A_397, %dma_start3A_398] : memref<100352x16xf32, #tpu.memory_space<vmem_shared>> -> memref<100352x16xf32, #tpu.memory_space<vmem_shared>>
      tpu.enqueue_indirect_dma source(%dma_start3A_393 : memref<128x16xf32, #tpu.memory_space<vmem>>) target(%dma_start3A_399 : memref<100352x16xf32, #tpu.memory_space<vmem_shared>>) offsets(%dma_start3A_396 : memref<128xi32, #tpu.memory_space<vmem>>) semaphore(%arg13 : memref<!tpu.dma_semaphore, #tpu.memory_space<semaphore_mem>>) {add = true}
      %dma_start3A_400 = arith.constant 5 : i32
      %dma_start3A_401 = arith.constant 5 : i32
      %dma_start3A_402 = arith.constant 0 : i32
      %dma_start3A_403 = arith.constant 0 : i32
      %dma_start3A_404 = tpu.memref_slice %arg9[%dma_start3A_400, %dma_start3A_402, %dma_start3A_403] : memref<8x128x16xf32, #tpu.memory_space<vmem>> -> memref<1x128x16xf32, #tpu.memory_space<vmem>>
      %dma_start3A_405 = tpu.memref_squeeze %dma_start3A_404 : memref<1x128x16xf32, #tpu.memory_space<vmem>> -> memref<128x16xf32, #tpu.memory_space<vmem>>
      %dma_start3A_406 = arith.constant 0 : i32
      %dma_start3A_407 = tpu.memref_slice %arg8[%dma_start3A_401, %dma_start3A_406] : memref<8x128xi32, #tpu.memory_space<vmem>> -> memref<1x128xi32, #tpu.memory_space<vmem>>
      %dma_start3A_408 = tpu.memref_squeeze %dma_start3A_407 : memref<1x128xi32, #tpu.memory_space<vmem>> -> memref<128xi32, #tpu.memory_space<vmem>>
      %dma_start3A_409 = arith.constant 0 : i32
      %dma_start3A_410 = arith.constant 0 : i32
      %dma_start3A_411 = tpu.memref_slice %arg10[%dma_start3A_409, %dma_start3A_410] : memref<100352x16xf32, #tpu.memory_space<vmem_shared>> -> memref<100352x16xf32, #tpu.memory_space<vmem_shared>>
      tpu.enqueue_indirect_dma source(%dma_start3A_405 : memref<128x16xf32, #tpu.memory_space<vmem>>) target(%dma_start3A_411 : memref<100352x16xf32, #tpu.memory_space<vmem_shared>>) offsets(%dma_start3A_408 : memref<128xi32, #tpu.memory_space<vmem>>) semaphore(%arg13 : memref<!tpu.dma_semaphore, #tpu.memory_space<semaphore_mem>>) {add = true}
      %dma_start3A_412 = arith.constant 6 : i32
      %dma_start3A_413 = arith.constant 6 : i32
      %dma_start3A_414 = arith.constant 0 : i32
      %dma_start3A_415 = arith.constant 0 : i32
      %dma_start3A_416 = tpu.memref_slice %arg9[%dma_start3A_412, %dma_start3A_414, %dma_start3A_415] : memref<8x128x16xf32, #tpu.memory_space<vmem>> -> memref<1x128x16xf32, #tpu.memory_space<vmem>>
      %dma_start3A_417 = tpu.memref_squeeze %dma_start3A_416 : memref<1x128x16xf32, #tpu.memory_space<vmem>> -> memref<128x16xf32, #tpu.memory_space<vmem>>
      %dma_start3A_418 = arith.constant 0 : i32
      %dma_start3A_419 = tpu.memref_slice %arg8[%dma_start3A_413, %dma_start3A_418] : memref<8x128xi32, #tpu.memory_space<vmem>> -> memref<1x128xi32, #tpu.memory_space<vmem>>
      %dma_start3A_420 = tpu.memref_squeeze %dma_start3A_419 : memref<1x128xi32, #tpu.memory_space<vmem>> -> memref<128xi32, #tpu.memory_space<vmem>>
      %dma_start3A_421 = arith.constant 0 : i32
      %dma_start3A_422 = arith.constant 0 : i32
      %dma_start3A_423 = tpu.memref_slice %arg10[%dma_start3A_421, %dma_start3A_422] : memref<100352x16xf32, #tpu.memory_space<vmem_shared>> -> memref<100352x16xf32, #tpu.memory_space<vmem_shared>>
      tpu.enqueue_indirect_dma source(%dma_start3A_417 : memref<128x16xf32, #tpu.memory_space<vmem>>) target(%dma_start3A_423 : memref<100352x16xf32, #tpu.memory_space<vmem_shared>>) offsets(%dma_start3A_420 : memref<128xi32, #tpu.memory_space<vmem>>) semaphore(%arg13 : memref<!tpu.dma_semaphore, #tpu.memory_space<semaphore_mem>>) {add = true}
      %dma_start3A_424 = arith.constant 7 : i32
      %dma_start3A_425 = arith.constant 7 : i32
      %dma_start3A_426 = arith.constant 0 : i32
      %dma_start3A_427 = arith.constant 0 : i32
      %dma_start3A_428 = tpu.memref_slice %arg9[%dma_start3A_424, %dma_start3A_426, %dma_start3A_427] : memref<8x128x16xf32, #tpu.memory_space<vmem>> -> memref<1x128x16xf32, #tpu.memory_space<vmem>>
      %dma_start3A_429 = tpu.memref_squeeze %dma_start3A_428 : memref<1x128x16xf32, #tpu.memory_space<vmem>> -> memref<128x16xf32, #tpu.memory_space<vmem>>
      %dma_start3A_430 = arith.constant 0 : i32
      %dma_start3A_431 = tpu.memref_slice %arg8[%dma_start3A_425, %dma_start3A_430] : memref<8x128xi32, #tpu.memory_space<vmem>> -> memref<1x128xi32, #tpu.memory_space<vmem>>
      %dma_start3A_432 = tpu.memref_squeeze %dma_start3A_431 : memref<1x128xi32, #tpu.memory_space<vmem>> -> memref<128xi32, #tpu.memory_space<vmem>>
      %dma_start3A_433 = arith.constant 0 : i32
      %dma_start3A_434 = arith.constant 0 : i32
      %dma_start3A_435 = tpu.memref_slice %arg10[%dma_start3A_433, %dma_start3A_434] : memref<100352x16xf32, #tpu.memory_space<vmem_shared>> -> memref<100352x16xf32, #tpu.memory_space<vmem_shared>>
      tpu.enqueue_indirect_dma source(%dma_start3A_429 : memref<128x16xf32, #tpu.memory_space<vmem>>) target(%dma_start3A_435 : memref<100352x16xf32, #tpu.memory_space<vmem_shared>>) offsets(%dma_start3A_432 : memref<128xi32, #tpu.memory_space<vmem>>) semaphore(%arg13 : memref<!tpu.dma_semaphore, #tpu.memory_space<semaphore_mem>>) {add = true}
      %dma_wait3A_436 = arith.constant 0 : i32
      %dma_wait3A_437 = arith.constant 0 : i32
      %dma_wait3A_438 = arith.constant 0 : i32
      %dma_wait3A_439 = arith.constant 0 : i32
      %dma_wait3A_440 = tpu.memref_slice %arg9[%dma_wait3A_436, %dma_wait3A_438, %dma_wait3A_439] : memref<8x128x16xf32, #tpu.memory_space<vmem>> -> memref<1x128x16xf32, #tpu.memory_space<vmem>>
      %dma_wait3A_441 = tpu.memref_squeeze %dma_wait3A_440 : memref<1x128x16xf32, #tpu.memory_space<vmem>> -> memref<128x16xf32, #tpu.memory_space<vmem>>
      %dma_wait3A_442 = arith.constant 0 : i32
      %dma_wait3A_443 = tpu.memref_slice %arg8[%dma_wait3A_437, %dma_wait3A_442] : memref<8x128xi32, #tpu.memory_space<vmem>> -> memref<1x128xi32, #tpu.memory_space<vmem>>
      %dma_wait3A_444 = tpu.memref_squeeze %dma_wait3A_443 : memref<1x128xi32, #tpu.memory_space<vmem>> -> memref<128xi32, #tpu.memory_space<vmem>>
      %dma_wait3A_445 = arith.constant 0 : i32
      %dma_wait3A_446 = arith.constant 0 : i32
      %dma_wait3A_447 = tpu.memref_slice %arg10[%dma_wait3A_445, %dma_wait3A_446] : memref<100352x16xf32, #tpu.memory_space<vmem_shared>> -> memref<100352x16xf32, #tpu.memory_space<vmem_shared>>
      tpu.wait_indirect_dma semaphore(%arg13 : memref<!tpu.dma_semaphore, #tpu.memory_space<semaphore_mem>>) src(%dma_wait3A_441 : memref<128x16xf32, #tpu.memory_space<vmem>>) dst(%dma_wait3A_447 : memref<100352x16xf32, #tpu.memory_space<vmem_shared>>)
      %dma_wait3A_448 = arith.constant 1 : i32
      %dma_wait3A_449 = arith.constant 1 : i32
      %dma_wait3A_450 = arith.constant 0 : i32
      %dma_wait3A_451 = arith.constant 0 : i32
      %dma_wait3A_452 = tpu.memref_slice %arg9[%dma_wait3A_448, %dma_wait3A_450, %dma_wait3A_451] : memref<8x128x16xf32, #tpu.memory_space<vmem>> -> memref<1x128x16xf32, #tpu.memory_space<vmem>>
      %dma_wait3A_453 = tpu.memref_squeeze %dma_wait3A_452 : memref<1x128x16xf32, #tpu.memory_space<vmem>> -> memref<128x16xf32, #tpu.memory_space<vmem>>
      %dma_wait3A_454 = arith.constant 0 : i32
      %dma_wait3A_455 = tpu.memref_slice %arg8[%dma_wait3A_449, %dma_wait3A_454] : memref<8x128xi32, #tpu.memory_space<vmem>> -> memref<1x128xi32, #tpu.memory_space<vmem>>
      %dma_wait3A_456 = tpu.memref_squeeze %dma_wait3A_455 : memref<1x128xi32, #tpu.memory_space<vmem>> -> memref<128xi32, #tpu.memory_space<vmem>>
      %dma_wait3A_457 = arith.constant 0 : i32
      %dma_wait3A_458 = arith.constant 0 : i32
      %dma_wait3A_459 = tpu.memref_slice %arg10[%dma_wait3A_457, %dma_wait3A_458] : memref<100352x16xf32, #tpu.memory_space<vmem_shared>> -> memref<100352x16xf32, #tpu.memory_space<vmem_shared>>
      tpu.wait_indirect_dma semaphore(%arg13 : memref<!tpu.dma_semaphore, #tpu.memory_space<semaphore_mem>>) src(%dma_wait3A_453 : memref<128x16xf32, #tpu.memory_space<vmem>>) dst(%dma_wait3A_459 : memref<100352x16xf32, #tpu.memory_space<vmem_shared>>)
      %dma_wait3A_460 = arith.constant 2 : i32
      %dma_wait3A_461 = arith.constant 2 : i32
      %dma_wait3A_462 = arith.constant 0 : i32
      %dma_wait3A_463 = arith.constant 0 : i32
      %dma_wait3A_464 = tpu.memref_slice %arg9[%dma_wait3A_460, %dma_wait3A_462, %dma_wait3A_463] : memref<8x128x16xf32, #tpu.memory_space<vmem>> -> memref<1x128x16xf32, #tpu.memory_space<vmem>>
      %dma_wait3A_465 = tpu.memref_squeeze %dma_wait3A_464 : memref<1x128x16xf32, #tpu.memory_space<vmem>> -> memref<128x16xf32, #tpu.memory_space<vmem>>
      %dma_wait3A_466 = arith.constant 0 : i32
      %dma_wait3A_467 = tpu.memref_slice %arg8[%dma_wait3A_461, %dma_wait3A_466] : memref<8x128xi32, #tpu.memory_space<vmem>> -> memref<1x128xi32, #tpu.memory_space<vmem>>
      %dma_wait3A_468 = tpu.memref_squeeze %dma_wait3A_467 : memref<1x128xi32, #tpu.memory_space<vmem>> -> memref<128xi32, #tpu.memory_space<vmem>>
      %dma_wait3A_469 = arith.constant 0 : i32
      %dma_wait3A_470 = arith.constant 0 : i32
      %dma_wait3A_471 = tpu.memref_slice %arg10[%dma_wait3A_469, %dma_wait3A_470] : memref<100352x16xf32, #tpu.memory_space<vmem_shared>> -> memref<100352x16xf32, #tpu.memory_space<vmem_shared>>
      tpu.wait_indirect_dma semaphore(%arg13 : memref<!tpu.dma_semaphore, #tpu.memory_space<semaphore_mem>>) src(%dma_wait3A_465 : memref<128x16xf32, #tpu.memory_space<vmem>>) dst(%dma_wait3A_471 : memref<100352x16xf32, #tpu.memory_space<vmem_shared>>)
      %dma_wait3A_472 = arith.constant 3 : i32
      %dma_wait3A_473 = arith.constant 3 : i32
      %dma_wait3A_474 = arith.constant 0 : i32
      %dma_wait3A_475 = arith.constant 0 : i32
      %dma_wait3A_476 = tpu.memref_slice %arg9[%dma_wait3A_472, %dma_wait3A_474, %dma_wait3A_475] : memref<8x128x16xf32, #tpu.memory_space<vmem>> -> memref<1x128x16xf32, #tpu.memory_space<vmem>>
      %dma_wait3A_477 = tpu.memref_squeeze %dma_wait3A_476 : memref<1x128x16xf32, #tpu.memory_space<vmem>> -> memref<128x16xf32, #tpu.memory_space<vmem>>
      %dma_wait3A_478 = arith.constant 0 : i32
      %dma_wait3A_479 = tpu.memref_slice %arg8[%dma_wait3A_473, %dma_wait3A_478] : memref<8x128xi32, #tpu.memory_space<vmem>> -> memref<1x128xi32, #tpu.memory_space<vmem>>
      %dma_wait3A_480 = tpu.memref_squeeze %dma_wait3A_479 : memref<1x128xi32, #tpu.memory_space<vmem>> -> memref<128xi32, #tpu.memory_space<vmem>>
      %dma_wait3A_481 = arith.constant 0 : i32
      %dma_wait3A_482 = arith.constant 0 : i32
      %dma_wait3A_483 = tpu.memref_slice %arg10[%dma_wait3A_481, %dma_wait3A_482] : memref<100352x16xf32, #tpu.memory_space<vmem_shared>> -> memref<100352x16xf32, #tpu.memory_space<vmem_shared>>
      tpu.wait_indirect_dma semaphore(%arg13 : memref<!tpu.dma_semaphore, #tpu.memory_space<semaphore_mem>>) src(%dma_wait3A_477 : memref<128x16xf32, #tpu.memory_space<vmem>>) dst(%dma_wait3A_483 : memref<100352x16xf32, #tpu.memory_space<vmem_shared>>)
      %dma_wait3A_484 = arith.constant 4 : i32
      %dma_wait3A_485 = arith.constant 4 : i32
      %dma_wait3A_486 = arith.constant 0 : i32
      %dma_wait3A_487 = arith.constant 0 : i32
      %dma_wait3A_488 = tpu.memref_slice %arg9[%dma_wait3A_484, %dma_wait3A_486, %dma_wait3A_487] : memref<8x128x16xf32, #tpu.memory_space<vmem>> -> memref<1x128x16xf32, #tpu.memory_space<vmem>>
      %dma_wait3A_489 = tpu.memref_squeeze %dma_wait3A_488 : memref<1x128x16xf32, #tpu.memory_space<vmem>> -> memref<128x16xf32, #tpu.memory_space<vmem>>
      %dma_wait3A_490 = arith.constant 0 : i32
      %dma_wait3A_491 = tpu.memref_slice %arg8[%dma_wait3A_485, %dma_wait3A_490] : memref<8x128xi32, #tpu.memory_space<vmem>> -> memref<1x128xi32, #tpu.memory_space<vmem>>
      %dma_wait3A_492 = tpu.memref_squeeze %dma_wait3A_491 : memref<1x128xi32, #tpu.memory_space<vmem>> -> memref<128xi32, #tpu.memory_space<vmem>>
      %dma_wait3A_493 = arith.constant 0 : i32
      %dma_wait3A_494 = arith.constant 0 : i32
      %dma_wait3A_495 = tpu.memref_slice %arg10[%dma_wait3A_493, %dma_wait3A_494] : memref<100352x16xf32, #tpu.memory_space<vmem_shared>> -> memref<100352x16xf32, #tpu.memory_space<vmem_shared>>
      tpu.wait_indirect_dma semaphore(%arg13 : memref<!tpu.dma_semaphore, #tpu.memory_space<semaphore_mem>>) src(%dma_wait3A_489 : memref<128x16xf32, #tpu.memory_space<vmem>>) dst(%dma_wait3A_495 : memref<100352x16xf32, #tpu.memory_space<vmem_shared>>)
      %dma_wait3A_496 = arith.constant 5 : i32
      %dma_wait3A_497 = arith.constant 5 : i32
      %dma_wait3A_498 = arith.constant 0 : i32
      %dma_wait3A_499 = arith.constant 0 : i32
      %dma_wait3A_500 = tpu.memref_slice %arg9[%dma_wait3A_496, %dma_wait3A_498, %dma_wait3A_499] : memref<8x128x16xf32, #tpu.memory_space<vmem>> -> memref<1x128x16xf32, #tpu.memory_space<vmem>>
      %dma_wait3A_501 = tpu.memref_squeeze %dma_wait3A_500 : memref<1x128x16xf32, #tpu.memory_space<vmem>> -> memref<128x16xf32, #tpu.memory_space<vmem>>
      %dma_wait3A_502 = arith.constant 0 : i32
      %dma_wait3A_503 = tpu.memref_slice %arg8[%dma_wait3A_497, %dma_wait3A_502] : memref<8x128xi32, #tpu.memory_space<vmem>> -> memref<1x128xi32, #tpu.memory_space<vmem>>
      %dma_wait3A_504 = tpu.memref_squeeze %dma_wait3A_503 : memref<1x128xi32, #tpu.memory_space<vmem>> -> memref<128xi32, #tpu.memory_space<vmem>>
      %dma_wait3A_505 = arith.constant 0 : i32
      %dma_wait3A_506 = arith.constant 0 : i32
      %dma_wait3A_507 = tpu.memref_slice %arg10[%dma_wait3A_505, %dma_wait3A_506] : memref<100352x16xf32, #tpu.memory_space<vmem_shared>> -> memref<100352x16xf32, #tpu.memory_space<vmem_shared>>
      tpu.wait_indirect_dma semaphore(%arg13 : memref<!tpu.dma_semaphore, #tpu.memory_space<semaphore_mem>>) src(%dma_wait3A_501 : memref<128x16xf32, #tpu.memory_space<vmem>>) dst(%dma_wait3A_507 : memref<100352x16xf32, #tpu.memory_space<vmem_shared>>)
      %dma_wait3A_508 = arith.constant 6 : i32
      %dma_wait3A_509 = arith.constant 6 : i32
      %dma_wait3A_510 = arith.constant 0 : i32
      %dma_wait3A_511 = arith.constant 0 : i32
      %dma_wait3A_512 = tpu.memref_slice %arg9[%dma_wait3A_508, %dma_wait3A_510, %dma_wait3A_511] : memref<8x128x16xf32, #tpu.memory_space<vmem>> -> memref<1x128x16xf32, #tpu.memory_space<vmem>>
      %dma_wait3A_513 = tpu.memref_squeeze %dma_wait3A_512 : memref<1x128x16xf32, #tpu.memory_space<vmem>> -> memref<128x16xf32, #tpu.memory_space<vmem>>
      %dma_wait3A_514 = arith.constant 0 : i32
      %dma_wait3A_515 = tpu.memref_slice %arg8[%dma_wait3A_509, %dma_wait3A_514] : memref<8x128xi32, #tpu.memory_space<vmem>> -> memref<1x128xi32, #tpu.memory_space<vmem>>
      %dma_wait3A_516 = tpu.memref_squeeze %dma_wait3A_515 : memref<1x128xi32, #tpu.memory_space<vmem>> -> memref<128xi32, #tpu.memory_space<vmem>>
      %dma_wait3A_517 = arith.constant 0 : i32
      %dma_wait3A_518 = arith.constant 0 : i32
      %dma_wait3A_519 = tpu.memref_slice %arg10[%dma_wait3A_517, %dma_wait3A_518] : memref<100352x16xf32, #tpu.memory_space<vmem_shared>> -> memref<100352x16xf32, #tpu.memory_space<vmem_shared>>
      tpu.wait_indirect_dma semaphore(%arg13 : memref<!tpu.dma_semaphore, #tpu.memory_space<semaphore_mem>>) src(%dma_wait3A_513 : memref<128x16xf32, #tpu.memory_space<vmem>>) dst(%dma_wait3A_519 : memref<100352x16xf32, #tpu.memory_space<vmem_shared>>)
      %dma_wait3A_520 = arith.constant 7 : i32
      %dma_wait3A_521 = arith.constant 7 : i32
      %dma_wait3A_522 = arith.constant 0 : i32
      %dma_wait3A_523 = arith.constant 0 : i32
      %dma_wait3A_524 = tpu.memref_slice %arg9[%dma_wait3A_520, %dma_wait3A_522, %dma_wait3A_523] : memref<8x128x16xf32, #tpu.memory_space<vmem>> -> memref<1x128x16xf32, #tpu.memory_space<vmem>>
      %dma_wait3A_525 = tpu.memref_squeeze %dma_wait3A_524 : memref<1x128x16xf32, #tpu.memory_space<vmem>> -> memref<128x16xf32, #tpu.memory_space<vmem>>
      %dma_wait3A_526 = arith.constant 0 : i32
      %dma_wait3A_527 = tpu.memref_slice %arg8[%dma_wait3A_521, %dma_wait3A_526] : memref<8x128xi32, #tpu.memory_space<vmem>> -> memref<1x128xi32, #tpu.memory_space<vmem>>
      %dma_wait3A_528 = tpu.memref_squeeze %dma_wait3A_527 : memref<1x128xi32, #tpu.memory_space<vmem>> -> memref<128xi32, #tpu.memory_space<vmem>>
      %dma_wait3A_529 = arith.constant 0 : i32
      %dma_wait3A_530 = arith.constant 0 : i32
      %dma_wait3A_531 = tpu.memref_slice %arg10[%dma_wait3A_529, %dma_wait3A_530] : memref<100352x16xf32, #tpu.memory_space<vmem_shared>> -> memref<100352x16xf32, #tpu.memory_space<vmem_shared>>
      tpu.wait_indirect_dma semaphore(%arg13 : memref<!tpu.dma_semaphore, #tpu.memory_space<semaphore_mem>>) src(%dma_wait3A_525 : memref<128x16xf32, #tpu.memory_space<vmem>>) dst(%dma_wait3A_531 : memref<100352x16xf32, #tpu.memory_space<vmem_shared>>)
    }
    %scan3A_11 = arith.constant 49 : i32
    %barrier3A_12 = arith.constant 0 : index
    tpu.barrier barrier_id(%barrier3A_12)
    %mul3A_13 = arith.constant 100352 : i32
    %mul3A_14 = arith.muli %arg0, %mul3A_13 : i32
    %add3A_15 = arith.addi %mul3A_14, %mul3A_0 : i32
    "tpu.region"() ({
      %run_scoped3A = tpu.sem_alloc : memref<!tpu.dma_semaphore, #tpu.memory_space<semaphore_mem>>
      %dma_start3A = arith.constant 0 : i32
      %dma_start3A_16 = tpu.memref_slice %arg6[%add3A_15, %dma_start3A] : memref<200704x16xf32, #tpu.memory_space<hbm>> -> memref<6272x16xf32, #tpu.memory_space<hbm>>
      %dma_start3A_17 = arith.constant 0 : i32
      %dma_start3A_18 = tpu.memref_slice %arg10[%mul3A_0, %dma_start3A_17] : memref<100352x16xf32, #tpu.memory_space<vmem_shared>> -> memref<6272x16xf32, #tpu.memory_space<vmem_shared>>
      tpu.enqueue_dma source(%dma_start3A_18 : memref<6272x16xf32, #tpu.memory_space<vmem_shared>>) target(%dma_start3A_16 : memref<6272x16xf32, #tpu.memory_space<hbm>>) target_semaphore(%run_scoped3A : memref<!tpu.dma_semaphore, #tpu.memory_space<semaphore_mem>>)
      %dma_wait3A = arith.constant 0 : i32
      %dma_wait3A_19 = tpu.memref_slice %arg6[%add3A_15, %dma_wait3A] : memref<200704x16xf32, #tpu.memory_space<hbm>> -> memref<6272x16xf32, #tpu.memory_space<hbm>>
      %dma_wait3A_20 = arith.constant 0 : i32
      %dma_wait3A_21 = tpu.memref_slice %arg10[%mul3A_0, %dma_wait3A_20] : memref<100352x16xf32, #tpu.memory_space<vmem_shared>> -> memref<6272x16xf32, #tpu.memory_space<vmem_shared>>
      tpu.wait_dma2 semaphore(%run_scoped3A : memref<!tpu.dma_semaphore, #tpu.memory_space<semaphore_mem>>) src(%dma_wait3A_21 : memref<6272x16xf32, #tpu.memory_space<vmem_shared>>) dst(%dma_wait3A_19 : memref<6272x16xf32, #tpu.memory_space<hbm>>)
      tpu.yield
    }) : () -> ()
    return
  }
}

module attributes {stable_mosaic.version = 14 : i64} {
  func.func @body(%arg0: i32, %arg1: i32, %arg2: memref<1568x128xf32, #tpu.memory_space<vmem>>, %arg3: memref<1568x128xf32, #tpu.memory_space<vmem>>, %arg4: memref<1568x128xf32, #tpu.memory_space<vmem>>, %arg5: memref<1x128x128xf32, #tpu.memory_space<vmem>>, %arg6: memref<1x128x128xf32, #tpu.memory_space<vmem>>, %arg7: memref<1568x128xf32, #tpu.memory_space<vmem>>) attributes {dimension_semantics = [#tpu.dimension_semantics<arbitrary>, #tpu.dimension_semantics<arbitrary>], iteration_bounds = array<i64: 2, 8>, scalar_prefetch = 0 : i64, scratch_operands = 0 : i64, tpu.core_type = #tpu.core_type<tc>, window_params = [{transform_indices = @transform_0, window_bounds = array<i64: 1568, 128>}, {transform_indices = @transform_1, window_bounds = array<i64: 1568, 128>}, {transform_indices = @transform_2, window_bounds = array<i64: 1568, 128>}, {transform_indices = @transform_3, window_bounds = array<i64: 1, 128, 128>}, {transform_indices = @transform_4, window_bounds = array<i64: 1, 128, 128>}, {transform_indices = @transform_5, window_bounds = array<i64: 1568, 128>}]} {
    %get3A = arith.constant 0 : index
    %get3A_0 = arith.constant 0 : index
    %get3A_1 = vector.load %arg2[%get3A, %get3A_0] : memref<1568x128xf32, #tpu.memory_space<vmem>>, vector<1568x128xf32>
    %get3A_2 = arith.constant 0 : index
    %get3A_3 = arith.constant 0 : index
    %get3A_4 = vector.load %arg3[%get3A_2, %get3A_3] : memref<1568x128xf32, #tpu.memory_space<vmem>>, vector<1568x128xf32>
    %add3A = arith.addf %get3A_1, %get3A_4 : vector<1568x128xf32>
    %get3A_5 = arith.constant 0 : index
    %get3A_6 = arith.constant 0 : index
    %get3A_7 = arith.constant 0 : index
    %get3A_8 = vector.load %arg5[%get3A_5, %get3A_6, %get3A_7] : memref<1x128x128xf32, #tpu.memory_space<vmem>>, vector<1x128x128xf32>
    %get3A_9 = vector.shape_cast %get3A_8 : vector<1x128x128xf32> to vector<128x128xf32>
    %dot_general3A = arith.constant dense<0.000000e+00> : vector<1568x128xf32>
    %dot_general3A_10 = tpu.matmul %add3A, %get3A_9, %dot_general3A {dimension_numbers = #tpu.dot_dimension_numbers<[1], [0], [0], [1], [0, 0, 1, 1], [], []>, precision = #tpu.contract_precision<fp32>, transpose_lhs_hint = false} : vector<1568x128xf32>, vector<128x128xf32>, vector<1568x128xf32> -> vector<1568x128xf32>
    %get3A_11 = arith.constant 0 : index
    %get3A_12 = arith.constant 0 : index
    %get3A_13 = vector.load %arg4[%get3A_11, %get3A_12] : memref<1568x128xf32, #tpu.memory_space<vmem>>, vector<1568x128xf32>
    %get3A_14 = arith.constant 0 : index
    %get3A_15 = arith.constant 0 : index
    %get3A_16 = arith.constant 0 : index
    %get3A_17 = vector.load %arg6[%get3A_14, %get3A_15, %get3A_16] : memref<1x128x128xf32, #tpu.memory_space<vmem>>, vector<1x128x128xf32>
    %get3A_18 = vector.shape_cast %get3A_17 : vector<1x128x128xf32> to vector<128x128xf32>
    %dot_general3A_19 = arith.constant dense<0.000000e+00> : vector<1568x128xf32>
    %dot_general3A_20 = tpu.matmul %get3A_13, %get3A_18, %dot_general3A_19 {dimension_numbers = #tpu.dot_dimension_numbers<[1], [0], [0], [1], [0, 0, 1, 1], [], []>, precision = #tpu.contract_precision<fp32>, transpose_lhs_hint = false} : vector<1568x128xf32>, vector<128x128xf32>, vector<1568x128xf32> -> vector<1568x128xf32>
    %add3A_21 = arith.addf %dot_general3A_10, %dot_general3A_20 : vector<1568x128xf32>
    %max3A = arith.constant 0.000000e+00 : f32
    %max3A_22 = vector.broadcast %max3A : f32 to vector<1568x128xf32>
    %max3A_23 = arith.maximumf %add3A_21, %max3A_22 : vector<1568x128xf32>
    %swap3A = arith.constant 0 : index
    %swap3A_24 = arith.constant 0 : index
    %swap3A_25 = vector.load %arg7[%swap3A, %swap3A_24] : memref<1568x128xf32, #tpu.memory_space<vmem>>, vector<1568x128xf32>
    tpu.vector_store %arg7[%swap3A, %swap3A_24], %max3A_23 {strides = array<i32>} : memref<1568x128xf32, #tpu.memory_space<vmem>>, vector<1568x128xf32>,
    return
  }
  func.func @transform_0(%arg0: i32, %arg1: i32) -> (i32, i32) {
    %c0_i32 = arith.constant 0 : i32
    %c0_i32_0 = arith.constant 0 : i32
    return %arg1, %c0_i32 : i32, i32
  }
  func.func @transform_1(%arg0: i32, %arg1: i32) -> (i32, i32) {
    %add3A = arith.constant 8 : i32
    %add3A_0 = arith.addi %add3A, %arg1 : i32
    %c0_i32 = arith.constant 0 : i32
    %c0_i32_1 = arith.constant 0 : i32
    return %add3A_0, %c0_i32 : i32, i32
  }
  func.func @transform_2(%arg0: i32, %arg1: i32) -> (i32, i32) {
    %c0_i32 = arith.constant 0 : i32
    %c0_i32_0 = arith.constant 0 : i32
    return %arg1, %c0_i32 : i32, i32
  }
  func.func @transform_3(%arg0: i32, %arg1: i32) -> (i32, i32, i32) {
    %c0_i32 = arith.constant 0 : i32
    %c0_i32_0 = arith.constant 0 : i32
    %c0_i32_1 = arith.constant 0 : i32
    return %arg0, %c0_i32, %c0_i32_0 : i32, i32, i32
  }
  func.func @transform_4(%arg0: i32, %arg1: i32) -> (i32, i32, i32) {
    %c0_i32 = arith.constant 0 : i32
    %c0_i32_0 = arith.constant 0 : i32
    %c0_i32_1 = arith.constant 0 : i32
    return %arg0, %c0_i32, %c0_i32_0 : i32, i32, i32
  }
  func.func @transform_5(%arg0: i32, %arg1: i32) -> (i32, i32) {
    %mul3A = arith.constant 8 : i32
    %mul3A_0 = arith.muli %arg0, %mul3A : i32
    %add3A = arith.addi %mul3A_0, %arg1 : i32
    %c0_i32 = arith.constant 0 : i32
    %c0_i32_1 = arith.constant 0 : i32
    return %add3A, %c0_i32 : i32, i32
  }
}

module attributes {stable_mosaic.version = 14 : i64} {
  func.func @body(%arg0: i32, %arg1: i32, %arg2: memref<1568x128xf32, #tpu.memory_space<vmem>>, %arg3: memref<1568x128xf32, #tpu.memory_space<vmem>>, %arg4: memref<1568x128xf32, #tpu.memory_space<vmem>>, %arg5: memref<1568x128xf32, #tpu.memory_space<vmem>>, %arg6: memref<1x128x128xf32, #tpu.memory_space<vmem>>, %arg7: memref<1x128x128xf32, #tpu.memory_space<vmem>>, %arg8: memref<1x128x128xf32, #tpu.memory_space<vmem>>, %arg9: memref<1x128x128xf32, #tpu.memory_space<vmem>>, %arg10: memref<128x16xf32, #tpu.memory_space<vmem>>, %arg11: memref<32x16xf32, #tpu.memory_space<vmem>>, %arg12: memref<1x16xf32, #tpu.memory_space<vmem>>, %arg13: memref<16x1xf32, #tpu.memory_space<vmem>>, %arg14: memref<1x1xf32, #tpu.memory_space<vmem>>, %arg15: memref<1x1xf32, #tpu.memory_space<vmem>>, %arg16: memref<2x128xf32, #tpu.memory_space<vmem>>) attributes {dimension_semantics = [#tpu.dimension_semantics<arbitrary>, #tpu.dimension_semantics<arbitrary>], iteration_bounds = array<i64: 2, 8>, scalar_prefetch = 0 : i64, scratch_operands = 1 : i64, tpu.core_type = #tpu.core_type<tc>, window_params = [{transform_indices = @transform_0, window_bounds = array<i64: 1568, 128>}, {transform_indices = @transform_1, window_bounds = array<i64: 1568, 128>}, {transform_indices = @transform_2, window_bounds = array<i64: 1568, 128>}, {transform_indices = @transform_3, window_bounds = array<i64: 1568, 128>}, {transform_indices = @transform_4, window_bounds = array<i64: 1, 128, 128>}, {transform_indices = @transform_5, window_bounds = array<i64: 1, 128, 128>}, {transform_indices = @transform_6, window_bounds = array<i64: 1, 128, 128>}, {transform_indices = @transform_7, window_bounds = array<i64: 1, 128, 128>}, {pipeline_mode = #tpu.pipeline_mode<synchronous>, transform_indices = @transform_8, window_bounds = array<i64: 128, 16>}, {pipeline_mode = #tpu.pipeline_mode<synchronous>, transform_indices = @transform_9, window_bounds = array<i64: 32, 16>}, {pipeline_mode = #tpu.pipeline_mode<synchronous>, transform_indices = @transform_10, window_bounds = array<i64: 1, 16>}, {pipeline_mode = #tpu.pipeline_mode<synchronous>, transform_indices = @transform_11, window_bounds = array<i64: 16, 1>}, {pipeline_mode = #tpu.pipeline_mode<synchronous>, transform_indices = @transform_12, window_bounds = array<i64: 1, 1>}, {pipeline_mode = #tpu.pipeline_mode<synchronous>, transform_indices = @transform_13, window_bounds = array<i64: 1, 1>}]} {
    %get3A = arith.constant 0 : index
    %get3A_0 = arith.constant 0 : index
    %get3A_1 = vector.load %arg2[%get3A, %get3A_0] : memref<1568x128xf32, #tpu.memory_space<vmem>>, vector<1568x128xf32>
    %get3A_2 = arith.constant 0 : index
    %get3A_3 = arith.constant 0 : index
    %get3A_4 = arith.constant 0 : index
    %get3A_5 = vector.load %arg6[%get3A_2, %get3A_3, %get3A_4] : memref<1x128x128xf32, #tpu.memory_space<vmem>>, vector<1x128x128xf32>
    %get3A_6 = vector.shape_cast %get3A_5 : vector<1x128x128xf32> to vector<128x128xf32>
    %dot_general3A = arith.constant dense<0.000000e+00> : vector<1568x128xf32>
    %dot_general3A_7 = tpu.matmul %get3A_1, %get3A_6, %dot_general3A {dimension_numbers = #tpu.dot_dimension_numbers<[1], [0], [0], [1], [0, 0, 1, 1], [], []>, precision = #tpu.contract_precision<fp32>, transpose_lhs_hint = false} : vector<1568x128xf32>, vector<128x128xf32>, vector<1568x128xf32> -> vector<1568x128xf32>
    %get3A_8 = arith.constant 0 : index
    %get3A_9 = arith.constant 0 : index
    %get3A_10 = vector.load %arg3[%get3A_8, %get3A_9] : memref<1568x128xf32, #tpu.memory_space<vmem>>, vector<1568x128xf32>
    %get3A_11 = arith.constant 0 : index
    %get3A_12 = arith.constant 0 : index
    %get3A_13 = arith.constant 0 : index
    %get3A_14 = vector.load %arg7[%get3A_11, %get3A_12, %get3A_13] : memref<1x128x128xf32, #tpu.memory_space<vmem>>, vector<1x128x128xf32>
    %get3A_15 = vector.shape_cast %get3A_14 : vector<1x128x128xf32> to vector<128x128xf32>
    %dot_general3A_16 = arith.constant dense<0.000000e+00> : vector<1568x128xf32>
    %dot_general3A_17 = tpu.matmul %get3A_10, %get3A_15, %dot_general3A_16 {dimension_numbers = #tpu.dot_dimension_numbers<[1], [0], [0], [1], [0, 0, 1, 1], [], []>, precision = #tpu.contract_precision<fp32>, transpose_lhs_hint = false} : vector<1568x128xf32>, vector<128x128xf32>, vector<1568x128xf32> -> vector<1568x128xf32>
    %add3A = arith.addf %dot_general3A_7, %dot_general3A_17 : vector<1568x128xf32>
    %get3A_18 = arith.constant 0 : index
    %get3A_19 = arith.constant 0 : index
    %get3A_20 = vector.load %arg4[%get3A_18, %get3A_19] : memref<1568x128xf32, #tpu.memory_space<vmem>>, vector<1568x128xf32>
    %get3A_21 = arith.constant 0 : index
    %get3A_22 = arith.constant 0 : index
    %get3A_23 = arith.constant 0 : index
    %get3A_24 = vector.load %arg8[%get3A_21, %get3A_22, %get3A_23] : memref<1x128x128xf32, #tpu.memory_space<vmem>>, vector<1x128x128xf32>
    %get3A_25 = vector.shape_cast %get3A_24 : vector<1x128x128xf32> to vector<128x128xf32>
    %dot_general3A_26 = arith.constant dense<0.000000e+00> : vector<1568x128xf32>
    %dot_general3A_27 = tpu.matmul %get3A_20, %get3A_25, %dot_general3A_26 {dimension_numbers = #tpu.dot_dimension_numbers<[1], [0], [0], [1], [0, 0, 1, 1], [], []>, precision = #tpu.contract_precision<fp32>, transpose_lhs_hint = false} : vector<1568x128xf32>, vector<128x128xf32>, vector<1568x128xf32> -> vector<1568x128xf32>
    %add3A_28 = arith.addf %add3A, %dot_general3A_27 : vector<1568x128xf32>
    %get3A_29 = arith.constant 0 : index
    %get3A_30 = arith.constant 0 : index
    %get3A_31 = vector.load %arg5[%get3A_29, %get3A_30] : memref<1568x128xf32, #tpu.memory_space<vmem>>, vector<1568x128xf32>
    %get3A_32 = arith.constant 0 : index
    %get3A_33 = arith.constant 0 : index
    %get3A_34 = arith.constant 0 : index
    %get3A_35 = vector.load %arg9[%get3A_32, %get3A_33, %get3A_34] : memref<1x128x128xf32, #tpu.memory_space<vmem>>, vector<1x128x128xf32>
    %get3A_36 = vector.shape_cast %get3A_35 : vector<1x128x128xf32> to vector<128x128xf32>
    %dot_general3A_37 = arith.constant dense<0.000000e+00> : vector<1568x128xf32>
    %dot_general3A_38 = tpu.matmul %get3A_31, %get3A_36, %dot_general3A_37 {dimension_numbers = #tpu.dot_dimension_numbers<[1], [0], [0], [1], [0, 0, 1, 1], [], []>, precision = #tpu.contract_precision<fp32>, transpose_lhs_hint = false} : vector<1568x128xf32>, vector<128x128xf32>, vector<1568x128xf32> -> vector<1568x128xf32>
    %add3A_39 = arith.addf %add3A_28, %dot_general3A_38 : vector<1568x128xf32>
    %max3A = arith.constant 0.000000e+00 : f32
    %max3A_40 = vector.broadcast %max3A : f32 to vector<1568x128xf32>
    %max3A_41 = arith.maximumf %add3A_39, %max3A_40 : vector<1568x128xf32>
    %reduce_sum3A = arith.constant dense<0.000000e+00> : vector<128xf32>
    %reduce_sum3A_42 = vector.multi_reduction <add>, %max3A_41, %reduce_sum3A [0] : vector<1568x128xf32> to vector<128xf32>
    %broadcast_in_dim3A = vector.shape_cast %reduce_sum3A_42 : vector<128xf32> to vector<1x128xf32>
    %eq3A = arith.constant 0 : i32
    %eq3A_43 = arith.cmpi eq, %arg1, %eq3A : i32
    %convert_element_type3A = arith.extui %eq3A_43 : i1 to i32
    %cond3A = arith.constant 0 : i32
    %cond3A_44 = arith.cmpi ne, %convert_element_type3A, %cond3A : i32
    scf.if %cond3A_44 {
      %swap3A = arith.index_cast %arg0 : i32 to index
      %swap3A_56 = arith.constant 0 : index
      %swap3A_57 = vector.load %arg16[%swap3A, %swap3A_56] : memref<2x128xf32, #tpu.memory_space<vmem>>, vector<1x128xf32>
      tpu.vector_store %arg16[%swap3A, %swap3A_56], %broadcast_in_dim3A {strides = array<i32>} : memref<2x128xf32, #tpu.memory_space<vmem>>, vector<1x128xf32>,
    } else {
    }
    %gt3A = arith.constant 0 : i32
    %gt3A_45 = arith.cmpi sgt, %arg1, %gt3A : i32
    %convert_element_type3A_46 = arith.extui %gt3A_45 : i1 to i32
    %cond3A_47 = arith.constant 0 : i32
    %cond3A_48 = arith.cmpi ne, %convert_element_type3A_46, %cond3A_47 : i32
    scf.if %cond3A_48 {
      %get3A_56 = arith.index_cast %arg0 : i32 to index
      %get3A_57 = arith.constant 0 : index
      %get3A_58 = vector.load %arg16[%get3A_56, %get3A_57] : memref<2x128xf32, #tpu.memory_space<vmem>>, vector<1x128xf32>
      %add3A_59 = arith.addf %get3A_58, %broadcast_in_dim3A : vector<1x128xf32>
      %swap3A = arith.index_cast %arg0 : i32 to index
      %swap3A_60 = arith.constant 0 : index
      %swap3A_61 = vector.load %arg16[%swap3A, %swap3A_60] : memref<2x128xf32, #tpu.memory_space<vmem>>, vector<1x128xf32>
      tpu.vector_store %arg16[%swap3A, %swap3A_60], %add3A_59 {strides = array<i32>} : memref<2x128xf32, #tpu.memory_space<vmem>>, vector<1x128xf32>,
    } else {
    }
    %eq3A_49 = arith.constant 1 : i32
    %eq3A_50 = arith.cmpi eq, %arg0, %eq3A_49 : i32
    %eq3A_51 = arith.constant 7 : i32
    %eq3A_52 = arith.cmpi eq, %arg1, %eq3A_51 : i32
    %and3A = arith.andi %eq3A_50, %eq3A_52 : i1
    %convert_element_type3A_53 = arith.extui %and3A : i1 to i32
    %cond3A_54 = arith.constant 0 : i32
    %cond3A_55 = arith.cmpi ne, %convert_element_type3A_53, %cond3A_54 : i32
    scf.if %cond3A_55 {
      %get3A_56 = arith.constant 0 : index
      %get3A_57 = arith.constant 0 : index
      %get3A_58 = vector.load %arg16[%get3A_56, %get3A_57] : memref<2x128xf32, #tpu.memory_space<vmem>>, vector<1x128xf32>
      %get3A_59 = arith.constant 0 : index
      %get3A_60 = arith.constant 0 : index
      %get3A_61 = vector.load %arg10[%get3A_59, %get3A_60] : memref<128x16xf32, #tpu.memory_space<vmem>>, vector<128x16xf32>
      %dot_general3A_62 = arith.constant dense<0.000000e+00> : vector<1x16xf32>
      %dot_general3A_63 = tpu.matmul %get3A_58, %get3A_61, %dot_general3A_62 {dimension_numbers = #tpu.dot_dimension_numbers<[1], [0], [0], [1], [0, 0, 1, 1], [], []>, precision = #tpu.contract_precision<fp32>, transpose_lhs_hint = false} : vector<1x128xf32>, vector<128x16xf32>, vector<1x16xf32> -> vector<1x16xf32>
      %get3A_64 = arith.constant 1 : index
      %get3A_65 = arith.constant 0 : index
      %get3A_66 = vector.load %arg16[%get3A_64, %get3A_65] : memref<2x128xf32, #tpu.memory_space<vmem>>, vector<1x128xf32>
      %get3A_67 = arith.constant 0 : index
      %get3A_68 = arith.constant 0 : index
      %get3A_69 = vector.load %arg10[%get3A_67, %get3A_68] : memref<128x16xf32, #tpu.memory_space<vmem>>, vector<128x16xf32>
      %dot_general3A_70 = arith.constant dense<0.000000e+00> : vector<1x16xf32>
      %dot_general3A_71 = tpu.matmul %get3A_66, %get3A_69, %dot_general3A_70 {dimension_numbers = #tpu.dot_dimension_numbers<[1], [0], [0], [1], [0, 0, 1, 1], [], []>, precision = #tpu.contract_precision<fp32>, transpose_lhs_hint = false} : vector<1x128xf32>, vector<128x16xf32>, vector<1x16xf32> -> vector<1x16xf32>
      %concatenate3A = tpu.concatenate %dot_general3A_63, %dot_general3A_71 in 1 : vector<1x16xf32>, vector<1x16xf32> -> vector<1x32xf32>
      %get3A_72 = arith.constant 0 : index
      %get3A_73 = arith.constant 0 : index
      %get3A_74 = vector.load %arg11[%get3A_72, %get3A_73] : memref<32x16xf32, #tpu.memory_space<vmem>>, vector<32x16xf32>
      %dot_general3A_75 = arith.constant dense<0.000000e+00> : vector<1x16xf32>
      %dot_general3A_76 = tpu.matmul %concatenate3A, %get3A_74, %dot_general3A_75 {dimension_numbers = #tpu.dot_dimension_numbers<[1], [0], [0], [1], [0, 0, 1, 1], [], []>, precision = #tpu.contract_precision<fp32>, transpose_lhs_hint = false} : vector<1x32xf32>, vector<32x16xf32>, vector<1x16xf32> -> vector<1x16xf32>
      %get3A_77 = arith.constant 0 : index
      %get3A_78 = arith.constant 0 : index
      %get3A_79 = vector.load %arg12[%get3A_77, %get3A_78] : memref<1x16xf32, #tpu.memory_space<vmem>>, vector<1x16xf32>
      %add3A_80 = arith.addf %dot_general3A_76, %get3A_79 : vector<1x16xf32>
      %max3A_81 = arith.constant 0.000000e+00 : f32
      %max3A_82 = vector.broadcast %max3A_81 : f32 to vector<1x16xf32>
      %max3A_83 = arith.maximumf %add3A_80, %max3A_82 : vector<1x16xf32>
      %get3A_84 = arith.constant 0 : index
      %get3A_85 = arith.constant 0 : index
      %get3A_86 = vector.load %arg13[%get3A_84, %get3A_85] : memref<16x1xf32, #tpu.memory_space<vmem>>, vector<16x1xf32>
      %dot_general3A_87 = arith.constant dense<0.000000e+00> : vector<1x1xf32>
      %dot_general3A_88 = tpu.matmul %max3A_83, %get3A_86, %dot_general3A_87 {dimension_numbers = #tpu.dot_dimension_numbers<[1], [0], [0], [1], [0, 0, 1, 1], [], []>, precision = #tpu.contract_precision<fp32>, transpose_lhs_hint = false} : vector<1x16xf32>, vector<16x1xf32>, vector<1x1xf32> -> vector<1x1xf32>
      %get3A_89 = arith.constant 0 : index
      %get3A_90 = arith.constant 0 : index
      %get3A_91 = vector.load %arg14[%get3A_89, %get3A_90] : memref<1x1xf32, #tpu.memory_space<vmem>>, vector<1x1xf32>
      %add3A_92 = arith.addf %dot_general3A_88, %get3A_91 : vector<1x1xf32>
      %swap3A = arith.constant 0 : index
      %swap3A_93 = arith.constant 0 : index
      %swap3A_94 = vector.load %arg15[%swap3A, %swap3A_93] : memref<1x1xf32, #tpu.memory_space<vmem>>, vector<1x1xf32>
      tpu.vector_store %arg15[%swap3A, %swap3A_93], %add3A_92 {strides = array<i32>} : memref<1x1xf32, #tpu.memory_space<vmem>>, vector<1x1xf32>,
    } else {
    }
    return
  }
  func.func @transform_0(%arg0: i32, %arg1: i32) -> (i32, i32) {
    %c0_i32 = arith.constant 0 : i32
    %c0_i32_0 = arith.constant 0 : i32
    return %arg1, %c0_i32 : i32, i32
  }
  func.func @transform_1(%arg0: i32, %arg1: i32) -> (i32, i32) {
    %add3A = arith.constant 8 : i32
    %add3A_0 = arith.addi %add3A, %arg1 : i32
    %c0_i32 = arith.constant 0 : i32
    %c0_i32_1 = arith.constant 0 : i32
    return %add3A_0, %c0_i32 : i32, i32
  }
  func.func @transform_2(%arg0: i32, %arg1: i32) -> (i32, i32) {
    %c0_i32 = arith.constant 0 : i32
    %c0_i32_0 = arith.constant 0 : i32
    return %arg1, %c0_i32 : i32, i32
  }
  func.func @transform_3(%arg0: i32, %arg1: i32) -> (i32, i32) {
    %add3A = arith.constant 8 : i32
    %add3A_0 = arith.addi %add3A, %arg1 : i32
    %c0_i32 = arith.constant 0 : i32
    %c0_i32_1 = arith.constant 0 : i32
    return %add3A_0, %c0_i32 : i32, i32
  }
  func.func @transform_4(%arg0: i32, %arg1: i32) -> (i32, i32, i32) {
    %c0_i32 = arith.constant 0 : i32
    %c0_i32_0 = arith.constant 0 : i32
    %c0_i32_1 = arith.constant 0 : i32
    return %arg0, %c0_i32, %c0_i32_0 : i32, i32, i32
  }
  func.func @transform_5(%arg0: i32, %arg1: i32) -> (i32, i32, i32) {
    %c0_i32 = arith.constant 0 : i32
    %c0_i32_0 = arith.constant 0 : i32
    %c0_i32_1 = arith.constant 0 : i32
    return %arg0, %c0_i32, %c0_i32_0 : i32, i32, i32
  }
  func.func @transform_6(%arg0: i32, %arg1: i32) -> (i32, i32, i32) {
    %c0_i32 = arith.constant 0 : i32
    %c0_i32_0 = arith.constant 0 : i32
    %c0_i32_1 = arith.constant 0 : i32
    return %arg0, %c0_i32, %c0_i32_0 : i32, i32, i32
  }
  func.func @transform_7(%arg0: i32, %arg1: i32) -> (i32, i32, i32) {
    %c0_i32 = arith.constant 0 : i32
    %c0_i32_0 = arith.constant 0 : i32
    %c0_i32_1 = arith.constant 0 : i32
    return %arg0, %c0_i32, %c0_i32_0 : i32, i32, i32
  }
  func.func @transform_8(%arg0: i32, %arg1: i32) -> (i32, i32) {
    %c0_i32 = arith.constant 0 : i32
    %c0_i32_0 = arith.constant 0 : i32
    %c0_i32_1 = arith.constant 0 : i32
    return %c0_i32, %c0_i32_0 : i32, i32
  }
  func.func @transform_9(%arg0: i32, %arg1: i32) -> (i32, i32) {
    %c0_i32 = arith.constant 0 : i32
    %c0_i32_0 = arith.constant 0 : i32
    %c0_i32_1 = arith.constant 0 : i32
    return %c0_i32, %c0_i32_0 : i32, i32
  }
  func.func @transform_10(%arg0: i32, %arg1: i32) -> (i32, i32) {
    %c0_i32 = arith.constant 0 : i32
    %c0_i32_0 = arith.constant 0 : i32
    %c0_i32_1 = arith.constant 0 : i32
    return %c0_i32, %c0_i32_0 : i32, i32
  }
  func.func @transform_11(%arg0: i32, %arg1: i32) -> (i32, i32) {
    %c0_i32 = arith.constant 0 : i32
    %c0_i32_0 = arith.constant 0 : i32
    %c0_i32_1 = arith.constant 0 : i32
    return %c0_i32, %c0_i32_0 : i32, i32
  }
  func.func @transform_12(%arg0: i32, %arg1: i32) -> (i32, i32) {
    %c0_i32 = arith.constant 0 : i32
    %c0_i32_0 = arith.constant 0 : i32
    %c0_i32_1 = arith.constant 0 : i32
    return %c0_i32, %c0_i32_0 : i32, i32
  }
  func.func @transform_13(%arg0: i32, %arg1: i32) -> (i32, i32) {
    %c0_i32 = arith.constant 0 : i32
    %c0_i32_0 = arith.constant 0 : i32
    %c0_i32_1 = arith.constant 0 : i32
    return %c0_i32, %c0_i32_0 : i32, i32
  }
}

</mosaic_0001>

<sc_bundles>
// kernel: kernel.6.cloned.1.call-start
scs
__scs_entry_jumppad:
0x0: {  	(pc) =	sbr.rel $0x88, $3  }
0x1: {  	(tag) =	ssettag $0x0;
	lr =	simm.s32 $0x1  }
0x2: {  	[smem:$0x3F97] =	sst lr;
	_ =	strace $0xD0000000  }
0x3: {  	_ = 	snop  }
0x4: {  	_ = 	snop  }
0x5: {  	_ = 	snop  }
0x6: {  	_ = 	snop  }
0x7: {  	_ = 	snop  }
__scs_overlays_trampoline_lowered:
0x8: {  	[smem:$0x3FA6] =	sst s0  }
0x9: {  	[smem:$0x3FA7] =	sst s1  }
0xa: {  	[smem:$0x3FA8] =	sst s2  }
0xb: {  	[smem:$0x3FA9] =	sst s3  }
0xc: {  	[smem:$0x3FAA] =	sst s4  }
0xd: {  	[smem:$0x3FAB] =	sst s5  }
0xe: {  	[smem:$0x3FAC] =	sst s6  }
0xf: {  	[smem:$0x3FAD] =	sst s7  }
0x10: {  	[smem:$0x3FAE] =	sst s8  }
0x11: {  	[smem:$0x3FAF] =	sst s9;
	s0 =	simm.s32 @!p0 $0x0  }
0x12: {  	s1 =	sld [smem:$0x3F95];
	s0 =	simm.s32 @p0 $0x1  }
0x13: {  	[smem:$0x3FB0] =	sst s0;
	s0 =	simm.s32 @!p1 $0x0  }
0x14: {  	s2 =	sld [smem:$0x3F94];
	s0 =	simm.s32 @p1 $0x1  }
0x15: {  	[smem:$0x3FB1] =	sst s0;
	s0 =	simm.s32 @!p2 $0x0  }
0x16: {  	s3 =	sld [smem:$0x3FDB];
	s0 =	simm.s32 @p2 $0x1  }
0x17: {  	s4 =	simm.s32 $0x1BF5;
	[smem:$0x3FB3] =	sst s0  }
0x18: {  	s0 =	sld [smem:$0x3F96];
	_ =	swait.ge [sflag:s4], $0x0  }
0x19: {  	s7 =	sld [smem:$0x3F97]  }
0x1a: {  	s8 =	sadd.s32 $0xFFFFE003, lr  }
0x1b: {  	s9 =	sadd.s32 $0xFFFFFEF7, lr;
	s5 =	simm.s32 $0xFFFFFFFF;
	p2 =	slt.u32 s8, $0xFFFFF086  }
0x1c: {  	p1 =	slt.u32 s9, $0xF7A;
	s5 =	simm.s32 @!p2 $0x0  }
0x1d: {  	s5 =	simm.s32 @p1 $0x1;
	p0 =	seq.s32 s7, s2  }
0x1e: {  	s7 =	smul.u32 @!p0 $0xF7A, s2;
	p2 =	seq.s32 @!p0 s5, $0x0  }
0x1f: {  	s9 =	smul.u32 $0xF7A, s1;
	s8 =	simm.s32 @!p0 $0x1BF5;
	p2 =	por !p2, p0  }
0x20: {  	[sflag:s8] =	ssyncset.s32 @!p0 $0xFFFFF086;
	s6 =	sadd.s32 @!p0 s3, s7;
	s7 =	simm.s32 @!p0 $0x108  }
0x21: {  	s3 =	sadd.s32 s3, s9;
	s6 =	sadd.s32 @!p0 $0x88, s6;
	s7 =	simm.s32 @p2 $0x1082  }
0x22: {  	[simem:s7], [sflag:s8] =	dma.local @!p0 [hbm:s6], $0xF7A  }
0x23: {  	s9 =	sor.u32 $0xD0000000, s2;
	s6 =	simm.s32 $0x108;
	_ =	swait.ge @!p0 [sflag:s8], $0x0  }
0x24: {  	s3 =	sadd.s32 $0x88, s3;
	s6 =	simm.s32 @!p1 $0x1082;
	[sflag:s4] =	ssyncset.s32 $0xFFFFF086  }
0x25: {  	[simem:s6], [sflag:s4] =	dma.local [hbm:s3], $0xF7A  }
0x26: {  	[smem:$0x3F97] =	sst s1;
	(tag) =	ssettag s2;
	_ =	strace s9  }
0x27: {  	s1 =	sld [smem:$0x3FA7]  }
0x28: {  	s2 =	sld [smem:$0x3FA8]  }
0x29: {  	s4 =	sld [smem:$0x3FAA]  }
0x2a: {  	p0 =	seq.s32 s5, $0x0;
	s5 =	sld [smem:$0x3FAB]  }
0x2b: {  	s6 =	sld [smem:$0x3FAC]  }
0x2c: {  	s7 =	sld [smem:$0x3FAD]  }
0x2d: {  	s3 =	simm.s32 $0x108;
	s8 =	sld [smem:$0x3FAE]  }
0x2e: {  	s3 =	simm.s32 @!p0 $0x1082;
	s9 =	sld [smem:$0x3FAF]  }
0x2f: {  	lr =	sadd.s32 s0, s3;
	s0 =	sld [smem:$0x3FA6]  }
0x30: {  	s3 =	sld [smem:$0x3FA9]  }
0x31: {  	[smem:$0x3FB2] =	sst s10  }
0x32: {  	s10 =	sld [smem:$0x3FB0];
	_ =	sdelay $0x3  }
0x33: {  	p0 =	seq.s32 s10, $0x1;
	s10 =	sld [smem:$0x3FB2];
	_ =	sdelay $0x3  }
0x34: {  	[smem:$0x3FB2] =	sst s10  }
0x35: {  	s10 =	sld [smem:$0x3FB1];
	_ =	sdelay $0x3  }
0x36: {  	p1 =	seq.s32 s10, $0x1;
	s10 =	sld [smem:$0x3FB2];
	_ =	sdelay $0x3  }
0x37: {  	[smem:$0x3FB2] =	sst s10  }
0x38: {  	s10 =	sld [smem:$0x3FB3]  }
0x39: {  	_ = 	snop;
	(pc) =	sbr.ind lr, $3  }
0x3a: {  	_ = 	snop  }
0x3b: {  	_ = 	snop  }
0x3c: {  	p2 =	seq.s32 s10, $0x1;
	s10 =	sld [smem:$0x3FB2]  }
0x3d: {  	_ =	shalt  }
0x3e: {  	_ =	shalt  }
0x3f: {  	_ =	shalt  }
0x40: {  	_ =	shalt  }
0x41: {  	_ =	shalt  }
0x42: {  	_ =	shalt  }
0x43: {  	_ =	shalt  }
0x44: {  	_ =	shalt  }
0x45: {  	_ =	shalt  }
0x46: {  	_ =	shalt  }
0x47: {  	_ =	shalt  }
0x48: {  	_ =	shalt  }
0x49: {  	_ =	shalt  }
0x4a: {  	_ =	shalt  }
0x4b: {  	_ =	shalt  }
0x4c: {  	_ =	shalt  }
0x4d: {  	_ =	shalt  }
0x4e: {  	_ =	shalt  }
0x4f: {  	_ =	shalt  }
0x50: {  	_ =	shalt  }
0x51: {  	_ =	shalt  }
0x52: {  	_ =	shalt  }
0x53: {  	_ =	shalt  }
0x54: {  	_ =	shalt  }
0x55: {  	_ =	shalt  }
0x56: {  	_ =	shalt  }
0x57: {  	_ =	shalt  }
0x58: {  	_ =	shalt  }
0x59: {  	_ =	shalt  }
0x5a: {  	_ =	shalt  }
0x5b: {  	_ =	shalt  }
0x5c: {  	_ =	shalt  }
0x5d: {  	_ =	shalt  }
0x5e: {  	_ =	shalt  }
0x5f: {  	_ =	shalt  }
0x60: {  	_ =	shalt  }
0x61: {  	_ =	shalt  }
0x62: {  	_ =	shalt  }
0x63: {  	_ =	shalt  }
0x64: {  	_ =	shalt  }
0x65: {  	_ =	shalt  }
0x66: {  	_ =	shalt  }
0x67: {  	_ =	shalt  }
0x68: {  	_ =	shalt  }
0x69: {  	_ =	shalt  }
0x6a: {  	_ =	shalt  }
0x6b: {  	_ =	shalt  }
0x6c: {  	_ =	shalt  }
0x6d: {  	_ =	shalt  }
0x6e: {  	_ =	shalt  }
0x6f: {  	_ =	shalt  }
0x70: {  	_ =	shalt  }
0x71: {  	_ =	shalt  }
0x72: {  	_ =	shalt  }
0x73: {  	_ =	shalt  }
0x74: {  	_ =	shalt  }
0x75: {  	_ =	shalt  }
0x76: {  	_ =	shalt  }
0x77: {  	_ =	shalt  }
0x78: {  	_ =	shalt  }
0x79: {  	_ =	shalt  }
0x7a: {  	_ =	shalt  }
0x7b: {  	_ =	shalt  }
0x7c: {  	_ =	shalt  }
0x7d: {  	_ =	shalt  }
0x7e: {  	_ =	shalt  }
0x7f: {  	_ =	shalt  }
0x80: {  	_ =	shalt  }
0x81: {  	_ =	shalt  }
0x82: {  	_ =	shalt  }
0x83: {  	_ =	shalt  }
0x84: {  	_ =	shalt  }
0x85: {  	_ =	shalt  }
0x86: {  	_ =	shalt  }
0x87: {  	_ =	shalt  }
.Lfunc_end0:
.L_simem_size_0:
called_computation_lowered:
.L_overlay_start_0:
0x88: {  	s2 =	sld [smem:$0x3FD9]  }
0x89: {  	s3 =	sld [smem:$0x3FFE];
	_ =	sdelay $0x1  }
0x8a: {  	s1 =	srdreg.scid  }
0x8b: {  	s0 =	sand.u32 $0x1, s1  }
0x8c: {  	s16 =	sshll.u32 s0, $0xA;
	s2 =	sadd.s32 s3, s2  }
0x8d: {  	s2 =	sadd.s32 s2, s16  }
0x8e: {  	[smem:$0x3FBE] =	sst s2  }
0x8f: {  	_ = 	snop  }
0x90: {  	(tm) =	ssettm $0x1  }
0x91: {  	s17 =	sld [smem:$0x3FFB];
	_ =	sdelay $0x3  }
0x92: {  	_ =	strace s17  }
0x93: {  	s2 =	sld [smem:$0x3FFC];
	_ =	sdelay $0x3  }
0x94: {  	_ =	strace s2  }
0x95: {  	s2 =	sld [smem:$0x3FFD];
	_ =	sdelay $0x3  }
0x96: {  	_ =	strace s2  }
0x97: {  	_ =	strace $0x8FFFFFFF  }
0x98: {  	s18 =	sld [smem:$0x3FDB];
	_ =	sdelay $0x1  }
0x99: {  	s19 =	simm.s32 $_scs_section_size  }
0x9a: {  	s4 =	simm.s32 $_size__tile_overlayer_lowered;
	s5 =	simm.s32 $_tile_overlayer_lowered  }
0x9b: {  	s22 =	simm.s32 $0x1BFF;
	s21 =	sshll.u32 s5, $0x1;
	s2 =	sadd.s32 s19, s18  }
0x9c: {  	s6 =	simm.s32 $0x0;
	s20 =	sshll.u32 s4, $0x1;
	s4 =	sadd.s32 s21, s2  }
0x9d: {  	[timem:s6], [sflag:s22] =	dma.local [hbm:s4], s20  }
0x9e: {  	_ =	swait.ge [sflag:s22], s20  }
0x9f: {  	s3 =	ssub.s32 $0x0, s20;
	[sflag:s22] =	ssyncset.done $0x0  }
0xa0: {  	[sflag:s22] =	ssyncadd.s32 s3;
	_ =	sdelay $0x1  }
0xa1: {  	s23 =	simm.s32 $0x1B8B  }
0xa2: {  	_ =	swait.ge [sflag:s23], $0x1  }
0xa3: {  	[sflag:s23] =	ssyncset.done $0x0  }
0xa4: {  	s25 =	simm.s32 $0x1B8E;
	s24 =	sld [smem:$0x3FFE];
	[sflag:s23] =	ssyncadd.s32 $0xFFFFFFFF  }
0xa5: {  	s26 =	simm.s32 $execute0_lowered;
	[smem:$0x3FD2] =	sst s25  }
0xa6: {  	s4 =	sshll.u32 s26, $0x1;
	_ =	strace $0x80000046;
	[dreg:$0x1] =	wrdreg $0xFFFFFFFF  }
0xa7: {  	s28 =	simm.s32 $_size_execute0_lowered;
	s2 =	sadd.s32 s2, s4;
	[dreg:$0x0] =	wrdreg $0x0  }
0xa8: {  	s4 =	sshll.u32 s28, $0x1;
	[dreg:$0x2] =	wrdreg s2  }
0xa9: {  	[dreg:$0x3] =	wrdreg s4  }
0xaa: {  	[dreg:$0x4] =	wrdreg $0xC0  }
0xab: {  	_ =	task [dreg:s6], $0x5FFFF  }
0xac: {  	[dreg:$0x1] =	wrdreg $0xFFFFFFFF  }
0xad: {  	[dreg:$0x0] =	wrdreg $0x60  }
0xae: {  	[dreg:$0x2] =	wrdreg s24  }
0xaf: {  	[dreg:$0x3] =	wrdreg $0x48000  }
0xb0: {  	[dreg:$0x4] =	wrdreg $0x9  }
0xb1: {  	_ =	task.clear_ibuf [dreg:s6], $0x5FFFF;
	_ =	strace $0x90000046  }
0xb2: {  	s29 =	simm.s32 $0x9;
	_ =	strace $0x80000048  }
0xb3: {  	_ =	swait.ge [sflag:s29], $0x1  }
0xb4: {  	[sflag:s29] =	ssyncadd.s32 $0xFFFFFFFF  }
0xb5: {  	_ =	strace $0x90000048  }
0xb6: {  	_ =	sfence  }
0xb7: {  	s30 =	sld [smem:$0x0];
	_ =	sdelay $0x2  }
0xb8: {  	s31 =	sshll.u32 s1, $0xD;
	s1 =	sshrl.u32 s1, $0x2  }
0xb9: {  	s3 =	sand.u32 $0x4000, s31;
	s1 =	sadd.s32 s1, s30  }
0xba: {  	s0 =	sor.u32 s3, s0;
	s1 =	sshll.u32 s1, $0x11  }
0xbb: {  	s0 =	sor.u32 s1, s0  }
0xbc: {  	s0 =	sadd.s32 $0x8F2B, s0  }
0xbd: {  	[sflag:s0] =	ssyncadd.remote.s32 $0x1  }
0xbe: {  	_ =	sfence.sel $0xFFFF  }
0xbf: {  	[dreg:$0x0] =	wrdreg $0xFFFFFFFF;
	(pc) =	sbr.abs _section_cstart, $3  }
0xc0: {  	[dreg:$0x1] =	wrdreg $0xFFFFFFFF  }
0xc1: {  	_ =	task.clear_ibuf [dreg:s6], $0x2FFFF;
	_ =	strace $0x9FFFFFFF  }
0xc2: {  	(tm) =	ssettm $0x7FFFFFFF  }
0xc3: {  	_ =	shalt  }
tec
execute0_lowered:
.L_overlay_start_1:
0x0: {  	(tag) =	ssettag $0x1  }
0x1: {  	s0 =	srdreg.scid  }
0x2: {  	s1 =	rddreg [dreg:$0x0];
	s10 =	stileid.u32  }
0x3: {  	s2 =	rddreg [dreg:$0x1];
	s3 =	simm.s32 $0x0;
	s11 =	simm.s32 $0x400  }
0x4: {  	s12 =	simm.s32 $0x480;
	s13 =	simm.s32 $0x500;
	s21 =	simm.s32 $0x100  }
0x5: {  	s22 =	simm.s32 $0x180;
	s23 =	simm.s32 $0x200;
	s24 =	simm.s32 $0x280  }
0x6: {  	s25 =	simm.s32 $0x300;
	s26 =	simm.s32 $0x380;
	s28 =	simm.s32 $0x4000  }
0x7: {  	s29 =	simm.s32 $0x2;
	s30 =	simm.s32 $0x1;
	s31 =	simm.s32 $0x3  }
0x8: {  	s0 =	sand.u32 $0x1, s0;
	s5 =	smul.u32 $0xC400, s10;
	[smem:$0x7FF] =	sst s3  }
0x9: {  	s6 =	smul.u32 $0x18800, s10;
	_ =	strace $0x80000047;
	[dreg:$0x5] =	wrdreg s21  }
0xa: {  	s14 =	smul.u32 $0x3100, s10;
	s18 =	sshll.u32 s10, $0x6;
	[dreg:$0x6] =	wrdreg s22  }
0xb: {  	s10 =	simm.s32 $0x4;
	s4 =	smul.u32 $0xC4000, s0;
	[dreg:$0x7] =	wrdreg s23  }
0xc: {  	s8 =	smul.u32 $0x31000, s0;
	s0 =	ssub.s32 $0x2, s0;
	[dreg:$0x8] =	wrdreg s24  }
0xd: {  	s21 =	simm.s32 $0x1000;
	s22 =	simm.s32 $0x1800;
	[dreg:$0x9] =	wrdreg s25  }
0xe: {  	s23 =	simm.s32 $0x2000;
	s24 =	simm.s32 $0x2800;
	[dreg:$0xa] =	wrdreg s26  }
0xf: {  	s25 =	simm.s32 $0x3000;
	s26 =	simm.s32 $0x3800;
	s9 =	sshrl.u32 s6, $0x3  }
0x10: {  	s15 =	sshrl.u32 s0, $0x1;
	s16 =	sadd.s32 s6, s2;
	s6 =	sor.u32 $0x1C04, s18  }
0x11: {  	s18 =	simm.s32 $0x780;
	s4 =	sadd.s32 s5, s4;
	s5 =	sadd.s32 s14, s8  }
0x12: {  	s9 =	sadd.s32 s9, s1;
	s0 =	ssub.s32 s0, s15;
	s7 =	sshrl.u32 s4, $0x3  }
0x13: {  	s4 =	sadd.s32 $0x2800, s1;
	s17 =	sadd.s32 $0x95800, s9;
	s0 =	smax.u32 s0, $0x1  }
0x14: {  	s7 =	sadd.s32 s7, s1;
	s1 =	sadd.s32 s5, s1;
	[dreg:$0xb] =	wrdreg s17  }
0x15: {  	s14 =	simm.s32 $0x580;
	[dreg:$0xd] =	wrdreg s0;
	s1 =	sadd.s32 $0xC6800, s1  }
0x16: {  	s15 =	simm.s32 $0x600;
	s19 =	sadd.s32 $0x64800, s7;
	[dreg:$0xc] =	wrdreg s1  }
0x17: {  	s9 =	sshrl.u32 s16, $0x3;
	s20 =	sadd.s32 $0x33800, s7;
	[dreg:$0x3] =	wrdreg s19  }
0x18: {  	s16 =	simm.s32 $0x680;
	s17 =	simm.s32 $0x700;
	[dreg:$0x4] =	wrdreg s20  }
0x19: {  	s19 =	simm.s32 $0x80;
	s20 =	simm.s32 $0x800;
	s1 =	simm.s32 $0x0  }
.LBB2_1:
0x1a: {  	s0 =	rddreg [dreg:$0xb]  }
0x1b: {  	[spmem:s9], [sflag:s6] =	dma.local [hbm:s0], $0x3100  }
0x1c: {  	_ =	swait.ge [sflag:s10], $0x3100  }
0x1d: {  	[sflag:s10] =	ssyncset.done $0x0  }
0x1e: {  	[sflag:s10] =	ssyncadd.s32 $0xFFFFCF00  }
0x1f: {  	[bflag:$0x0] =	sbarrier.arrive $0xFFFF  }
0x20: {  	s5 =	rddreg [dreg:$0x4]  }
0x21: {  	s0 =	sadd.s32 $0x0, s5  }
0x22: {  	[tilespmem:s3], [sflag:$0x4] =	stream.linear.gather [hbm4b:s0+s3], $0x400, $0x38;
	[tilespmem:$0x1D000] =	vst v63  }
0x23: {  	_ =	swait.ge [sflag:s10], $0x400  }
0x24: {  	s7 =	rddreg [dreg:$0x3];
	[sflag:s10] =	ssyncset.done $0x0  }
0x25: {  	[sflag:s10] =	ssyncadd.s32 $0xFFFFFC00;
	s0 =	sadd.s32 $0x0, s7  }
0x26: {  	[tilespmem:s11], [sflag:$0x1] =	stream.linear.gather [hbm4b:s0+s3], $0x80, $0x38;
	[tilespmem:$0x1D000] =	vst v63  }
0x27: {  	s5 =	sadd.s32 $0x10, s0  }
0x28: {  	[tilespmem:s12], [sflag:$0x1] =	stream.linear.gather [hbm4b:s5+s3], $0x80, $0x38;
	[tilespmem:$0x1D000] =	vst v63  }
0x29: {  	s8 =	sadd.s32 $0x20, s0  }
0x2a: {  	[tilespmem:s13], [sflag:$0x1] =	stream.linear.gather [hbm4b:s8+s3], $0x80, $0x38;
	[tilespmem:$0x1D000] =	vst v63  }
0x2b: {  	s7 =	sadd.s32 $0x30, s0  }
0x2c: {  	[tilespmem:s14], [sflag:$0x1] =	stream.linear.gather [hbm4b:s7+s3], $0x80, $0x38;
	[tilespmem:$0x1D000] =	vst v63  }
0x2d: {  	s8 =	sadd.s32 $0x40, s0  }
0x2e: {  	[tilespmem:s15], [sflag:$0x1] =	stream.linear.gather [hbm4b:s8+s3], $0x80, $0x38;
	[tilespmem:$0x1D000] =	vst v63  }
0x2f: {  	s7 =	sadd.s32 $0x50, s0  }
0x30: {  	[tilespmem:s16], [sflag:$0x1] =	stream.linear.gather [hbm4b:s7+s3], $0x80, $0x38;
	[tilespmem:$0x1D000] =	vst v63  }
0x31: {  	s8 =	sadd.s32 $0x60, s0  }
0x32: {  	[tilespmem:s17], [sflag:$0x1] =	stream.linear.gather [hbm4b:s8+s3], $0x80, $0x38;
	[tilespmem:$0x1D000] =	vst v63  }
0x33: {  	s0 =	sadd.s32 $0x70, s0  }
0x34: {  	[tilespmem:s18], [sflag:$0x1] =	stream.linear.gather [hbm4b:s0+s3], $0x80, $0x38;
	[tilespmem:$0x1D000] =	vst v63  }
0x35: {  	_ = 	snop  }
0x36: {  	[tilespmem:s20], [sflag:$0x2] =	stream.indirect.gather [hbm4b:s4+s19], $0x10, s3, s19, $0xb8;
	[tilespmem:$0x1D000] =	vst v63  }
0x37: {  	_ = 	snop  }
0x38: {  	[tilespmem:s21], [sflag:$0x2] =	stream.indirect.gather [hbm4b:s4+s19], $0x10, s19, s19, $0xb8;
	[tilespmem:$0x1D000] =	vst v63  }
0x39: {  	s7 =	rddreg [dreg:$0x5]  }
0x3a: {  	[tilespmem:s22], [sflag:$0x2] =	stream.indirect.gather [hbm4b:s4+s19], $0x10, s7, s19, $0xb8;
	[tilespmem:$0x1D000] =	vst v63  }
0x3b: {  	s8 =	rddreg [dreg:$0x6]  }
0x3c: {  	[tilespmem:s23], [sflag:$0x2] =	stream.indirect.gather [hbm4b:s4+s19], $0x10, s8, s19, $0xb8;
	[tilespmem:$0x1D000] =	vst v63  }
0x3d: {  	s7 =	rddreg [dreg:$0x7]  }
0x3e: {  	[tilespmem:s24], [sflag:$0x2] =	stream.indirect.gather [hbm4b:s4+s19], $0x10, s7, s19, $0xb8;
	[tilespmem:$0x1D000] =	vst v63  }
0x3f: {  	s8 =	rddreg [dreg:$0x8]  }
0x40: {  	[tilespmem:s25], [sflag:$0x2] =	stream.indirect.gather [hbm4b:s4+s19], $0x10, s8, s19, $0xb8;
	[tilespmem:$0x1D000] =	vst v63  }
0x41: {  	s7 =	rddreg [dreg:$0x9]  }
0x42: {  	[tilespmem:s26], [sflag:$0x2] =	stream.indirect.gather [hbm4b:s4+s19], $0x10, s7, s19, $0xb8;
	[tilespmem:$0x1D000] =	vst v63  }
0x43: {  	s8 =	rddreg [dreg:$0xa]  }
0x44: {  	[tilespmem:s28], [sflag:$0x2] =	stream.indirect.gather [hbm4b:s4+s19], $0x10, s8, s19, $0xb8;
	[tilespmem:$0x1D000] =	vst v63  }
0x45: {  	_ =	swait.ge [sflag:s29], $0x800  }
0x46: {  	[sflag:s29] =	ssyncset.done $0x0  }
0x47: {  	[sflag:s29] =	ssyncadd.s32 $0xFFFFF800  }
0x48: {  	_ =	swait.ge [sflag:s29], $0x800  }
0x49: {  	[sflag:s29] =	ssyncset.done $0x0  }
0x4a: {  	[sflag:s29] =	ssyncadd.s32 $0xFFFFF800  }
0x4b: {  	_ =	swait.ge [sflag:s29], $0x800  }
0x4c: {  	[sflag:s29] =	ssyncset.done $0x0  }
0x4d: {  	[sflag:s29] =	ssyncadd.s32 $0xFFFFF800  }
0x4e: {  	_ =	swait.ge [sflag:s29], $0x800  }
0x4f: {  	[sflag:s29] =	ssyncset.done $0x0  }
0x50: {  	[sflag:s29] =	ssyncadd.s32 $0xFFFFF800  }
0x51: {  	_ =	swait.ge [sflag:s29], $0x800  }
0x52: {  	[sflag:s29] =	ssyncset.done $0x0  }
0x53: {  	[sflag:s29] =	ssyncadd.s32 $0xFFFFF800  }
0x54: {  	_ =	swait.ge [sflag:s29], $0x800  }
0x55: {  	[sflag:s29] =	ssyncset.done $0x0  }
0x56: {  	[sflag:s29] =	ssyncadd.s32 $0xFFFFF800  }
0x57: {  	_ =	swait.ge [sflag:s29], $0x800  }
0x58: {  	[sflag:s29] =	ssyncset.done $0x0  }
0x59: {  	[sflag:s29] =	ssyncadd.s32 $0xFFFFF800  }
0x5a: {  	_ =	swait.ge [sflag:s29], $0x800  }
0x5b: {  	[sflag:s29] =	ssyncset.done $0x0  }
0x5c: {  	[sflag:s29] =	ssyncadd.s32 $0xFFFFF800  }
0x5d: {  	_ =	swait.ge [sflag:s30], $0x80  }
0x5e: {  	[sflag:s30] =	ssyncset.done $0x0  }
0x5f: {  	[sflag:s30] =	ssyncadd.s32 $0xFFFFFF80  }
0x60: {  	_ =	swait.ge [sflag:s30], $0x80  }
0x61: {  	[sflag:s30] =	ssyncset.done $0x0  }
0x62: {  	[sflag:s30] =	ssyncadd.s32 $0xFFFFFF80  }
0x63: {  	_ =	swait.ge [sflag:s30], $0x80  }
0x64: {  	[sflag:s30] =	ssyncset.done $0x0  }
0x65: {  	[sflag:s30] =	ssyncadd.s32 $0xFFFFFF80  }
0x66: {  	_ =	swait.ge [sflag:s30], $0x80  }
0x67: {  	[sflag:s30] =	ssyncset.done $0x0  }
0x68: {  	[sflag:s30] =	ssyncadd.s32 $0xFFFFFF80  }
0x69: {  	_ =	swait.ge [sflag:s30], $0x80  }
0x6a: {  	[sflag:s30] =	ssyncset.done $0x0  }
0x6b: {  	[sflag:s30] =	ssyncadd.s32 $0xFFFFFF80  }
0x6c: {  	_ =	swait.ge [sflag:s30], $0x80  }
0x6d: {  	[sflag:s30] =	ssyncset.done $0x0  }
0x6e: {  	[sflag:s30] =	ssyncadd.s32 $0xFFFFFF80  }
0x6f: {  	_ =	swait.ge [sflag:s30], $0x80  }
0x70: {  	[sflag:s30] =	ssyncset.done $0x0  }
0x71: {  	[sflag:s30] =	ssyncadd.s32 $0xFFFFFF80  }
0x72: {  	_ =	swait.ge [sflag:s30], $0x80  }
0x73: {  	[sflag:s30] =	ssyncset.done $0x0  }
0x74: {  	[sflag:s30] =	ssyncadd.s32 $0xFFFFFF80  }
0x75: {  	[spmem:s2] =	stream.indirect.scatter.add.f32 [tilespmem:s20], [sflag:$0x3], $0x10, s11, s19, $0xb8;
	[tilespmem:$0x1D000] =	vst v63  }
0x76: {  	_ = 	snop  }
0x77: {  	[spmem:s2] =	stream.indirect.scatter.add.f32 [tilespmem:s21], [sflag:$0x3], $0x10, s12, s19, $0xb8;
	[tilespmem:$0x1D000] =	vst v63  }
0x78: {  	_ = 	snop  }
0x79: {  	[spmem:s2] =	stream.indirect.scatter.add.f32 [tilespmem:s22], [sflag:$0x3], $0x10, s13, s19, $0xb8;
	[tilespmem:$0x1D000] =	vst v63  }
0x7a: {  	_ = 	snop  }
0x7b: {  	[spmem:s2] =	stream.indirect.scatter.add.f32 [tilespmem:s23], [sflag:$0x3], $0x10, s14, s19, $0xb8;
	[tilespmem:$0x1D000] =	vst v63  }
0x7c: {  	_ = 	snop  }
0x7d: {  	[spmem:s2] =	stream.indirect.scatter.add.f32 [tilespmem:s24], [sflag:$0x3], $0x10, s15, s19, $0xb8;
	[tilespmem:$0x1D000] =	vst v63  }
0x7e: {  	_ = 	snop  }
0x7f: {  	[spmem:s2] =	stream.indirect.scatter.add.f32 [tilespmem:s25], [sflag:$0x3], $0x10, s16, s19, $0xb8;
	[tilespmem:$0x1D000] =	vst v63  }
0x80: {  	_ = 	snop  }
0x81: {  	[spmem:s2] =	stream.indirect.scatter.add.f32 [tilespmem:s26], [sflag:$0x3], $0x10, s17, s19, $0xb8;
	[tilespmem:$0x1D000] =	vst v63  }
0x82: {  	_ = 	snop  }
0x83: {  	[spmem:s2] =	stream.indirect.scatter.add.f32 [tilespmem:s28], [sflag:$0x3], $0x10, s18, s19, $0xb8;
	[tilespmem:$0x1D000] =	vst v63  }
0x84: {  	_ =	swait.ge [sflag:s31], $0x800  }
0x85: {  	[sflag:s31] =	ssyncset.done $0x0  }
0x86: {  	[sflag:s31] =	ssyncadd.s32 $0xFFFFF800  }
0x87: {  	_ =	swait.ge [sflag:s31], $0x800  }
0x88: {  	[sflag:s31] =	ssyncset.done $0x0  }
0x89: {  	[sflag:s31] =	ssyncadd.s32 $0xFFFFF800  }
0x8a: {  	_ =	swait.ge [sflag:s31], $0x800  }
0x8b: {  	[sflag:s31] =	ssyncset.done $0x0  }
0x8c: {  	[sflag:s31] =	ssyncadd.s32 $0xFFFFF800  }
0x8d: {  	_ =	swait.ge [sflag:s31], $0x800  }
0x8e: {  	[sflag:s31] =	ssyncset.done $0x0  }
0x8f: {  	[sflag:s31] =	ssyncadd.s32 $0xFFFFF800  }
0x90: {  	_ =	swait.ge [sflag:s31], $0x800  }
0x91: {  	[sflag:s31] =	ssyncset.done $0x0  }
0x92: {  	[sflag:s31] =	ssyncadd.s32 $0xFFFFF800  }
0x93: {  	_ =	swait.ge [sflag:s31], $0x800  }
0x94: {  	[sflag:s31] =	ssyncset.done $0x0  }
0x95: {  	[sflag:s31] =	ssyncadd.s32 $0xFFFFF800  }
0x96: {  	_ =	swait.ge [sflag:s31], $0x800  }
0x97: {  	[sflag:s31] =	ssyncset.done $0x0  }
0x98: {  	[sflag:s31] =	ssyncadd.s32 $0xFFFFF800  }
0x99: {  	s5 =	simm.s32 $0x100;
	_ =	swait.ge [sflag:s31], $0x800  }
0x9a: {  	s0 =	simm.s32 $0x80;
	s7 =	rddreg [dreg:$0x4];
	[sflag:s31] =	ssyncset.done $0x0  }
.LBB2_2:
0x9b: {  	[sflag:s31] =	ssyncadd.s32 $0xFFFFF800;
	s7 =	sadd.s32 s0, s7  }
0x9c: {  	[tilespmem:s3], [sflag:$0x4] =	stream.linear.gather [hbm4b:s7+s3], $0x400, $0x38;
	[tilespmem:$0x1D000] =	vst v63  }
0x9d: {  	_ =	swait.ge [sflag:s10], $0x400  }
0x9e: {  	s7 =	rddreg [dreg:$0x3];
	[sflag:s10] =	ssyncset.done $0x0  }
0x9f: {  	s8 =	smov.u32 s5;
	[sflag:s10] =	ssyncadd.s32 $0xFFFFFC00;
	s7 =	sadd.s32 s0, s7  }
0xa0: {  	[tilespmem:s11], [sflag:$0x1] =	stream.linear.gather [hbm4b:s7+s3], $0x80, $0x38;
	[tilespmem:$0x1D000] =	vst v63  }
0xa1: {  	s0 =	smov.u32 s8;
	s8 =	sadd.s32 $0x10, s7  }
0xa2: {  	[tilespmem:s12], [sflag:$0x1] =	stream.linear.gather [hbm4b:s8+s3], $0x80, $0x38;
	[tilespmem:$0x1D000] =	vst v63  }
0xa3: {  	s8 =	sadd.s32 $0x20, s7  }
0xa4: {  	[tilespmem:s13], [sflag:$0x1] =	stream.linear.gather [hbm4b:s8+s3], $0x80, $0x38;
	[tilespmem:$0x1D000] =	vst v63  }
0xa5: {  	s8 =	sadd.s32 $0x30, s7  }
0xa6: {  	[tilespmem:s14], [sflag:$0x1] =	stream.linear.gather [hbm4b:s8+s3], $0x80, $0x38;
	[tilespmem:$0x1D000] =	vst v63  }
0xa7: {  	s8 =	sadd.s32 $0x40, s7  }
0xa8: {  	[tilespmem:s15], [sflag:$0x1] =	stream.linear.gather [hbm4b:s8+s3], $0x80, $0x38;
	[tilespmem:$0x1D000] =	vst v63  }
0xa9: {  	s8 =	sadd.s32 $0x50, s7  }
0xaa: {  	[tilespmem:s16], [sflag:$0x1] =	stream.linear.gather [hbm4b:s8+s3], $0x80, $0x38;
	[tilespmem:$0x1D000] =	vst v63  }
0xab: {  	s8 =	sadd.s32 $0x60, s7  }
0xac: {  	[tilespmem:s17], [sflag:$0x1] =	stream.linear.gather [hbm4b:s8+s3], $0x80, $0x38;
	[tilespmem:$0x1D000] =	vst v63  }
0xad: {  	s7 =	sadd.s32 $0x70, s7  }
0xae: {  	[tilespmem:s18], [sflag:$0x1] =	stream.linear.gather [hbm4b:s7+s3], $0x80, $0x38;
	[tilespmem:$0x1D000] =	vst v63  }
0xaf: {  	_ = 	snop  }
0xb0: {  	[tilespmem:s20], [sflag:$0x2] =	stream.indirect.gather [hbm4b:s4+s19], $0x10, s3, s19, $0xb8;
	[tilespmem:$0x1D000] =	vst v63  }
0xb1: {  	_ = 	snop  }
0xb2: {  	[tilespmem:s21], [sflag:$0x2] =	stream.indirect.gather [hbm4b:s4+s19], $0x10, s19, s19, $0xb8;
	[tilespmem:$0x1D000] =	vst v63  }
0xb3: {  	s7 =	rddreg [dreg:$0x5]  }
0xb4: {  	[tilespmem:s22], [sflag:$0x2] =	stream.indirect.gather [hbm4b:s4+s19], $0x10, s7, s19, $0xb8;
	[tilespmem:$0x1D000] =	vst v63  }
0xb5: {  	s8 =	rddreg [dreg:$0x6]  }
0xb6: {  	[tilespmem:s23], [sflag:$0x2] =	stream.indirect.gather [hbm4b:s4+s19], $0x10, s8, s19, $0xb8;
	[tilespmem:$0x1D000] =	vst v63  }
0xb7: {  	s7 =	rddreg [dreg:$0x7]  }
0xb8: {  	[tilespmem:s24], [sflag:$0x2] =	stream.indirect.gather [hbm4b:s4+s19], $0x10, s7, s19, $0xb8;
	[tilespmem:$0x1D000] =	vst v63  }
0xb9: {  	s8 =	rddreg [dreg:$0x8]  }
0xba: {  	[tilespmem:s25], [sflag:$0x2] =	stream.indirect.gather [hbm4b:s4+s19], $0x10, s8, s19, $0xb8;
	[tilespmem:$0x1D000] =	vst v63  }
0xbb: {  	s7 =	rddreg [dreg:$0x9]  }
0xbc: {  	[tilespmem:s26], [sflag:$0x2] =	stream.indirect.gather [hbm4b:s4+s19], $0x10, s7, s19, $0xb8;
	[tilespmem:$0x1D000] =	vst v63  }
0xbd: {  	s8 =	rddreg [dreg:$0xa]  }
0xbe: {  	[tilespmem:s28], [sflag:$0x2] =	stream.indirect.gather [hbm4b:s4+s19], $0x10, s8, s19, $0xb8;
	[tilespmem:$0x1D000] =	vst v63  }
0xbf: {  	_ =	swait.ge [sflag:s29], $0x800  }
0xc0: {  	[sflag:s29] =	ssyncset.done $0x0  }
0xc1: {  	[sflag:s29] =	ssyncadd.s32 $0xFFFFF800  }
0xc2: {  	_ =	swait.ge [sflag:s29], $0x800  }
0xc3: {  	[sflag:s29] =	ssyncset.done $0x0  }
0xc4: {  	[sflag:s29] =	ssyncadd.s32 $0xFFFFF800  }
0xc5: {  	_ =	swait.ge [sflag:s29], $0x800  }
0xc6: {  	[sflag:s29] =	ssyncset.done $0x0  }
0xc7: {  	[sflag:s29] =	ssyncadd.s32 $0xFFFFF800  }
0xc8: {  	_ =	swait.ge [sflag:s29], $0x800  }
0xc9: {  	[sflag:s29] =	ssyncset.done $0x0  }
0xca: {  	[sflag:s29] =	ssyncadd.s32 $0xFFFFF800  }
0xcb: {  	_ =	swait.ge [sflag:s29], $0x800  }
0xcc: {  	[sflag:s29] =	ssyncset.done $0x0  }
0xcd: {  	[sflag:s29] =	ssyncadd.s32 $0xFFFFF800  }
0xce: {  	_ =	swait.ge [sflag:s29], $0x800  }
0xcf: {  	[sflag:s29] =	ssyncset.done $0x0  }
0xd0: {  	[sflag:s29] =	ssyncadd.s32 $0xFFFFF800  }
0xd1: {  	_ =	swait.ge [sflag:s29], $0x800  }
0xd2: {  	[sflag:s29] =	ssyncset.done $0x0  }
0xd3: {  	[sflag:s29] =	ssyncadd.s32 $0xFFFFF800  }
0xd4: {  	_ =	swait.ge [sflag:s29], $0x800  }
0xd5: {  	[sflag:s29] =	ssyncset.done $0x0  }
0xd6: {  	[sflag:s29] =	ssyncadd.s32 $0xFFFFF800  }
0xd7: {  	_ =	swait.ge [sflag:s30], $0x80  }
0xd8: {  	[sflag:s30] =	ssyncset.done $0x0  }
0xd9: {  	[sflag:s30] =	ssyncadd.s32 $0xFFFFFF80  }
0xda: {  	_ =	swait.ge [sflag:s30], $0x80  }
0xdb: {  	[sflag:s30] =	ssyncset.done $0x0  }
0xdc: {  	[sflag:s30] =	ssyncadd.s32 $0xFFFFFF80  }
0xdd: {  	_ =	swait.ge [sflag:s30], $0x80  }
0xde: {  	[sflag:s30] =	ssyncset.done $0x0  }
0xdf: {  	[sflag:s30] =	ssyncadd.s32 $0xFFFFFF80  }
0xe0: {  	_ =	swait.ge [sflag:s30], $0x80  }
0xe1: {  	[sflag:s30] =	ssyncset.done $0x0  }
0xe2: {  	[sflag:s30] =	ssyncadd.s32 $0xFFFFFF80  }
0xe3: {  	_ =	swait.ge [sflag:s30], $0x80  }
0xe4: {  	[sflag:s30] =	ssyncset.done $0x0  }
0xe5: {  	[sflag:s30] =	ssyncadd.s32 $0xFFFFFF80  }
0xe6: {  	_ =	swait.ge [sflag:s30], $0x80  }
0xe7: {  	[sflag:s30] =	ssyncset.done $0x0  }
0xe8: {  	[sflag:s30] =	ssyncadd.s32 $0xFFFFFF80  }
0xe9: {  	_ =	swait.ge [sflag:s30], $0x80  }
0xea: {  	[sflag:s30] =	ssyncset.done $0x0  }
0xeb: {  	[sflag:s30] =	ssyncadd.s32 $0xFFFFFF80  }
0xec: {  	_ =	swait.ge [sflag:s30], $0x80  }
0xed: {  	[sflag:s30] =	ssyncset.done $0x0  }
0xee: {  	[sflag:s30] =	ssyncadd.s32 $0xFFFFFF80  }
0xef: {  	[spmem:s2] =	stream.indirect.scatter.add.f32 [tilespmem:s20], [sflag:$0x3], $0x10, s11, s19, $0xb8;
	[tilespmem:$0x1D000] =	vst v63  }
0xf0: {  	_ = 	snop  }
0xf1: {  	[spmem:s2] =	stream.indirect.scatter.add.f32 [tilespmem:s21], [sflag:$0x3], $0x10, s12, s19, $0xb8;
	[tilespmem:$0x1D000] =	vst v63  }
0xf2: {  	_ = 	snop  }
0xf3: {  	[spmem:s2] =	stream.indirect.scatter.add.f32 [tilespmem:s22], [sflag:$0x3], $0x10, s13, s19, $0xb8;
	[tilespmem:$0x1D000] =	vst v63  }
0xf4: {  	_ = 	snop  }
0xf5: {  	[spmem:s2] =	stream.indirect.scatter.add.f32 [tilespmem:s23], [sflag:$0x3], $0x10, s14, s19, $0xb8;
	[tilespmem:$0x1D000] =	vst v63  }
0xf6: {  	_ = 	snop  }
0xf7: {  	[spmem:s2] =	stream.indirect.scatter.add.f32 [tilespmem:s24], [sflag:$0x3], $0x10, s15, s19, $0xb8;
	[tilespmem:$0x1D000] =	vst v63  }
0xf8: {  	_ = 	snop  }
0xf9: {  	[spmem:s2] =	stream.indirect.scatter.add.f32 [tilespmem:s25], [sflag:$0x3], $0x10, s16, s19, $0xb8;
	[tilespmem:$0x1D000] =	vst v63  }
0xfa: {  	_ = 	snop  }
0xfb: {  	[spmem:s2] =	stream.indirect.scatter.add.f32 [tilespmem:s26], [sflag:$0x3], $0x10, s17, s19, $0xb8;
	[tilespmem:$0x1D000] =	vst v63  }
0xfc: {  	_ = 	snop  }
0xfd: {  	[spmem:s2] =	stream.indirect.scatter.add.f32 [tilespmem:s28], [sflag:$0x3], $0x10, s18, s19, $0xb8;
	[tilespmem:$0x1D000] =	vst v63  }
0xfe: {  	_ =	swait.ge [sflag:s31], $0x800  }
0xff: {  	[sflag:s31] =	ssyncset.done $0x0  }
0x100: {  	[sflag:s31] =	ssyncadd.s32 $0xFFFFF800  }
0x101: {  	_ =	swait.ge [sflag:s31], $0x800  }
0x102: {  	[sflag:s31] =	ssyncset.done $0x0  }
0x103: {  	[sflag:s31] =	ssyncadd.s32 $0xFFFFF800  }
0x104: {  	_ =	swait.ge [sflag:s31], $0x800  }
0x105: {  	[sflag:s31] =	ssyncset.done $0x0  }
0x106: {  	[sflag:s31] =	ssyncadd.s32 $0xFFFFF800  }
0x107: {  	_ =	swait.ge [sflag:s31], $0x800  }
0x108: {  	[sflag:s31] =	ssyncset.done $0x0  }
0x109: {  	[sflag:s31] =	ssyncadd.s32 $0xFFFFF800  }
0x10a: {  	_ =	swait.ge [sflag:s31], $0x800  }
0x10b: {  	[sflag:s31] =	ssyncset.done $0x0  }
0x10c: {  	[sflag:s31] =	ssyncadd.s32 $0xFFFFF800  }
0x10d: {  	_ =	swait.ge [sflag:s31], $0x800  }
0x10e: {  	[sflag:s31] =	ssyncset.done $0x0  }
0x10f: {  	p0 =	sne.s32 s5, $0x1800;
	[sflag:s31] =	ssyncadd.s32 $0xFFFFF800  }
.Ltmp0:
0x110: {  	_ =	swait.ge [sflag:s31], $0x800;
	(pc) =	sbr.rel @p0 .LBB2_2-.Ltmp0, $4  }
0x111: {  	[sflag:s31] =	ssyncset.done $0x0  }
0x112: {  	[sflag:s31] =	ssyncadd.s32 $0xFFFFF800  }
0x113: {  	_ =	swait.ge [sflag:s31], $0x800  }
0x114: {  	s5 =	sadd.s32 $0x80, s5;
	s7 =	rddreg [dreg:$0x4];
	[sflag:s31] =	ssyncset.done $0x0  }
0x115: {  	[sflag:s31] =	ssyncadd.s32 $0xFFFFF800;
	s5 =	sadd.s32 s0, s7  }
0x116: {  	[tilespmem:s3], [sflag:$0x4] =	stream.linear.gather [hbm4b:s5+s3], $0x400, $0x38;
	[tilespmem:$0x1D000] =	vst v63  }
0x117: {  	_ =	swait.ge [sflag:s10], $0x400  }
0x118: {  	s7 =	rddreg [dreg:$0x3];
	[sflag:s10] =	ssyncset.done $0x0  }
0x119: {  	[sflag:s10] =	ssyncadd.s32 $0xFFFFFC00;
	s0 =	sadd.s32 s0, s7  }
0x11a: {  	[tilespmem:s11], [sflag:$0x1] =	stream.linear.gather [hbm4b:s0+s3], $0x80, $0x38;
	[tilespmem:$0x1D000] =	vst v63  }
0x11b: {  	s5 =	sadd.s32 $0x10, s0  }
0x11c: {  	[tilespmem:s12], [sflag:$0x1] =	stream.linear.gather [hbm4b:s5+s3], $0x80, $0x38;
	[tilespmem:$0x1D000] =	vst v63  }
0x11d: {  	s8 =	sadd.s32 $0x20, s0  }
0x11e: {  	[tilespmem:s13], [sflag:$0x1] =	stream.linear.gather [hbm4b:s8+s3], $0x80, $0x38;
	[tilespmem:$0x1D000] =	vst v63  }
0x11f: {  	s7 =	sadd.s32 $0x30, s0  }
0x120: {  	[tilespmem:s14], [sflag:$0x1] =	stream.linear.gather [hbm4b:s7+s3], $0x80, $0x38;
	[tilespmem:$0x1D000] =	vst v63  }
0x121: {  	s8 =	sadd.s32 $0x40, s0  }
0x122: {  	[tilespmem:s15], [sflag:$0x1] =	stream.linear.gather [hbm4b:s8+s3], $0x80, $0x38;
	[tilespmem:$0x1D000] =	vst v63  }
0x123: {  	s7 =	sadd.s32 $0x50, s0  }
0x124: {  	[tilespmem:s16], [sflag:$0x1] =	stream.linear.gather [hbm4b:s7+s3], $0x80, $0x38;
	[tilespmem:$0x1D000] =	vst v63  }
0x125: {  	s8 =	sadd.s32 $0x60, s0  }
0x126: {  	[tilespmem:s17], [sflag:$0x1] =	stream.linear.gather [hbm4b:s8+s3], $0x80, $0x38;
	[tilespmem:$0x1D000] =	vst v63  }
0x127: {  	s0 =	sadd.s32 $0x70, s0  }
0x128: {  	[tilespmem:s18], [sflag:$0x1] =	stream.linear.gather [hbm4b:s0+s3], $0x80, $0x38;
	[tilespmem:$0x1D000] =	vst v63  }
0x129: {  	_ = 	snop  }
0x12a: {  	[tilespmem:s20], [sflag:$0x2] =	stream.indirect.gather [hbm4b:s4+s19], $0x10, s3, s19, $0xb8;
	[tilespmem:$0x1D000] =	vst v63  }
0x12b: {  	_ = 	snop  }
0x12c: {  	[tilespmem:s21], [sflag:$0x2] =	stream.indirect.gather [hbm4b:s4+s19], $0x10, s19, s19, $0xb8;
	[tilespmem:$0x1D000] =	vst v63  }
0x12d: {  	s7 =	rddreg [dreg:$0x5]  }
0x12e: {  	[tilespmem:s22], [sflag:$0x2] =	stream.indirect.gather [hbm4b:s4+s19], $0x10, s7, s19, $0xb8;
	[tilespmem:$0x1D000] =	vst v63  }
0x12f: {  	s8 =	rddreg [dreg:$0x6]  }
0x130: {  	[tilespmem:s23], [sflag:$0x2] =	stream.indirect.gather [hbm4b:s4+s19], $0x10, s8, s19, $0xb8;
	[tilespmem:$0x1D000] =	vst v63  }
0x131: {  	s7 =	rddreg [dreg:$0x7]  }
0x132: {  	[tilespmem:s24], [sflag:$0x2] =	stream.indirect.gather [hbm4b:s4+s19], $0x10, s7, s19, $0xb8;
	[tilespmem:$0x1D000] =	vst v63  }
0x133: {  	s8 =	rddreg [dreg:$0x8]  }
0x134: {  	[tilespmem:s25], [sflag:$0x2] =	stream.indirect.gather [hbm4b:s4+s19], $0x10, s8, s19, $0xb8;
	[tilespmem:$0x1D000] =	vst v63  }
0x135: {  	s7 =	rddreg [dreg:$0x9]  }
0x136: {  	[tilespmem:s26], [sflag:$0x2] =	stream.indirect.gather [hbm4b:s4+s19], $0x10, s7, s19, $0xb8;
	[tilespmem:$0x1D000] =	vst v63  }
0x137: {  	s8 =	rddreg [dreg:$0xa]  }
0x138: {  	[tilespmem:s28], [sflag:$0x2] =	stream.indirect.gather [hbm4b:s4+s19], $0x10, s8, s19, $0xb8;
	[tilespmem:$0x1D000] =	vst v63  }
0x139: {  	_ =	swait.ge [sflag:s29], $0x800  }
0x13a: {  	[sflag:s29] =	ssyncset.done $0x0  }
0x13b: {  	[sflag:s29] =	ssyncadd.s32 $0xFFFFF800  }
0x13c: {  	_ =	swait.ge [sflag:s29], $0x800  }
0x13d: {  	[sflag:s29] =	ssyncset.done $0x0  }
0x13e: {  	[sflag:s29] =	ssyncadd.s32 $0xFFFFF800  }
0x13f: {  	_ =	swait.ge [sflag:s29], $0x800  }
0x140: {  	[sflag:s29] =	ssyncset.done $0x0  }
0x141: {  	[sflag:s29] =	ssyncadd.s32 $0xFFFFF800  }
0x142: {  	_ =	swait.ge [sflag:s29], $0x800  }
0x143: {  	[sflag:s29] =	ssyncset.done $0x0  }
0x144: {  	[sflag:s29] =	ssyncadd.s32 $0xFFFFF800  }
0x145: {  	_ =	swait.ge [sflag:s29], $0x800  }
0x146: {  	[sflag:s29] =	ssyncset.done $0x0  }
0x147: {  	[sflag:s29] =	ssyncadd.s32 $0xFFFFF800  }
0x148: {  	_ =	swait.ge [sflag:s29], $0x800  }
0x149: {  	[sflag:s29] =	ssyncset.done $0x0  }
0x14a: {  	[sflag:s29] =	ssyncadd.s32 $0xFFFFF800  }
0x14b: {  	_ =	swait.ge [sflag:s29], $0x800  }
0x14c: {  	[sflag:s29] =	ssyncset.done $0x0  }
0x14d: {  	[sflag:s29] =	ssyncadd.s32 $0xFFFFF800  }
0x14e: {  	_ =	swait.ge [sflag:s29], $0x800  }
0x14f: {  	[sflag:s29] =	ssyncset.done $0x0  }
0x150: {  	[sflag:s29] =	ssyncadd.s32 $0xFFFFF800  }
0x151: {  	_ =	swait.ge [sflag:s30], $0x80  }
0x152: {  	[sflag:s30] =	ssyncset.done $0x0  }
0x153: {  	[sflag:s30] =	ssyncadd.s32 $0xFFFFFF80  }
0x154: {  	_ =	swait.ge [sflag:s30], $0x80  }
0x155: {  	[sflag:s30] =	ssyncset.done $0x0  }
0x156: {  	[sflag:s30] =	ssyncadd.s32 $0xFFFFFF80  }
0x157: {  	_ =	swait.ge [sflag:s30], $0x80  }
0x158: {  	[sflag:s30] =	ssyncset.done $0x0  }
0x159: {  	[sflag:s30] =	ssyncadd.s32 $0xFFFFFF80  }
0x15a: {  	_ =	swait.ge [sflag:s30], $0x80  }
0x15b: {  	[sflag:s30] =	ssyncset.done $0x0  }
0x15c: {  	[sflag:s30] =	ssyncadd.s32 $0xFFFFFF80  }
0x15d: {  	_ =	swait.ge [sflag:s30], $0x80  }
0x15e: {  	[sflag:s30] =	ssyncset.done $0x0  }
0x15f: {  	[sflag:s30] =	ssyncadd.s32 $0xFFFFFF80  }
0x160: {  	_ =	swait.ge [sflag:s30], $0x80  }
0x161: {  	[sflag:s30] =	ssyncset.done $0x0  }
0x162: {  	[sflag:s30] =	ssyncadd.s32 $0xFFFFFF80  }
0x163: {  	_ =	swait.ge [sflag:s30], $0x80  }
0x164: {  	[sflag:s30] =	ssyncset.done $0x0  }
0x165: {  	[sflag:s30] =	ssyncadd.s32 $0xFFFFFF80  }
0x166: {  	_ =	swait.ge [sflag:s30], $0x80  }
0x167: {  	[sflag:s30] =	ssyncset.done $0x0  }
0x168: {  	[sflag:s30] =	ssyncadd.s32 $0xFFFFFF80  }
0x169: {  	[spmem:s2] =	stream.indirect.scatter.add.f32 [tilespmem:s20], [sflag:$0x3], $0x10, s11, s19, $0xb8;
	[tilespmem:$0x1D000] =	vst v63  }
0x16a: {  	_ = 	snop  }
0x16b: {  	[spmem:s2] =	stream.indirect.scatter.add.f32 [tilespmem:s21], [sflag:$0x3], $0x10, s12, s19, $0xb8;
	[tilespmem:$0x1D000] =	vst v63  }
0x16c: {  	_ = 	snop  }
0x16d: {  	[spmem:s2] =	stream.indirect.scatter.add.f32 [tilespmem:s22], [sflag:$0x3], $0x10, s13, s19, $0xb8;
	[tilespmem:$0x1D000] =	vst v63  }
0x16e: {  	_ = 	snop  }
0x16f: {  	[spmem:s2] =	stream.indirect.scatter.add.f32 [tilespmem:s23], [sflag:$0x3], $0x10, s14, s19, $0xb8;
	[tilespmem:$0x1D000] =	vst v63  }
0x170: {  	_ = 	snop  }
0x171: {  	[spmem:s2] =	stream.indirect.scatter.add.f32 [tilespmem:s24], [sflag:$0x3], $0x10, s15, s19, $0xb8;
	[tilespmem:$0x1D000] =	vst v63  }
0x172: {  	_ = 	snop  }
0x173: {  	[spmem:s2] =	stream.indirect.scatter.add.f32 [tilespmem:s25], [sflag:$0x3], $0x10, s16, s19, $0xb8;
	[tilespmem:$0x1D000] =	vst v63  }
0x174: {  	_ = 	snop  }
0x175: {  	[spmem:s2] =	stream.indirect.scatter.add.f32 [tilespmem:s26], [sflag:$0x3], $0x10, s17, s19, $0xb8;
	[tilespmem:$0x1D000] =	vst v63  }
0x176: {  	_ = 	snop  }
0x177: {  	[spmem:s2] =	stream.indirect.scatter.add.f32 [tilespmem:s28], [sflag:$0x3], $0x10, s18, s19, $0xb8;
	[tilespmem:$0x1D000] =	vst v63  }
0x178: {  	_ =	swait.ge [sflag:s31], $0x800  }
0x179: {  	[sflag:s31] =	ssyncset.done $0x0  }
0x17a: {  	[sflag:s31] =	ssyncadd.s32 $0xFFFFF800  }
0x17b: {  	_ =	swait.ge [sflag:s31], $0x800  }
0x17c: {  	[sflag:s31] =	ssyncset.done $0x0  }
0x17d: {  	[sflag:s31] =	ssyncadd.s32 $0xFFFFF800  }
0x17e: {  	_ =	swait.ge [sflag:s31], $0x800  }
0x17f: {  	[sflag:s31] =	ssyncset.done $0x0  }
0x180: {  	[sflag:s31] =	ssyncadd.s32 $0xFFFFF800  }
0x181: {  	_ =	swait.ge [sflag:s31], $0x800  }
0x182: {  	[sflag:s31] =	ssyncset.done $0x0  }
0x183: {  	[sflag:s31] =	ssyncadd.s32 $0xFFFFF800  }
0x184: {  	_ =	swait.ge [sflag:s31], $0x800  }
0x185: {  	[sflag:s31] =	ssyncset.done $0x0  }
0x186: {  	[sflag:s31] =	ssyncadd.s32 $0xFFFFF800  }
0x187: {  	_ =	swait.ge [sflag:s31], $0x800  }
0x188: {  	[sflag:s31] =	ssyncset.done $0x0  }
0x189: {  	[sflag:s31] =	ssyncadd.s32 $0xFFFFF800  }
0x18a: {  	_ =	swait.ge [sflag:s31], $0x800  }
0x18b: {  	[sflag:s31] =	ssyncset.done $0x0  }
0x18c: {  	[sflag:s31] =	ssyncadd.s32 $0xFFFFF800  }
0x18d: {  	_ =	swait.ge [sflag:s31], $0x800  }
0x18e: {  	[sflag:s31] =	ssyncset.done $0x0  }
0x18f: {  	[sflag:s31] =	ssyncadd.s32 $0xFFFFF800  }
0x190: {  	[bflag:$0x0] =	sbarrier.arrive $0xFFFF  }
0x191: {  	s7 =	rddreg [dreg:$0xc]  }
0x192: {  	[hbm:s7], [sflag:s6] =	dma.local [spmem:s9], $0x3100  }
0x193: {  	_ =	swait.ge [sflag:s10], $0x3100  }
0x194: {  	s1 =	sadd.s32 $0x1, s1;
	s8 =	rddreg [dreg:$0xd]  }
0x195: {  	p0 =	sne.s32 s1, s8  }
.Ltmp1:
0x196: {  	_ = 	snop;
	(pc) =	sbr.rel @p0 .LBB2_1-.Ltmp1, $3  }
0x197: {  	_ =	sdelay $0x1  }
0x198: {  	[sflag:s10] =	ssyncset.done $0x0  }
0x199: {  	[sflag:s10] =	ssyncadd.s32 $0xFFFFCF00  }
0x19a: {  	_ =	sfence.sel $0x180000  }
0x19b: {  	[bflag:$0x0] =	sbarrier.arrive $0xFFFF  }
0x19c: {  	_ =	strace $0x90000047  }
0x19d: {  	s0 =	stileid.u32;
	[bflag:$0x2] =	sbarrier.arrive $0xFFFF  }
0x19e: {  	p0 =	sne.s32 s0, $0x0;
	s0 =	rddreg [dreg:$0x2]  }
0x19f: {  	s0 =	sadd.s32 @!p0 $0x100000, s0  }
0x1a0: {  	[sflag:s0] =	ssyncadd.tile.s32 @!p0 $0x1;
	_ =	shalt  }
.Lfunc_end2:
_tile_overlayer_lowered:
.L_overlay_start_2:
0x1a1: {  	(tag) =	ssettag $0x2  }
0x1a2: {  	s0 =	rddreg [dreg:$0x0];
	s2 =	stileid.u32  }
0x1a3: {  	s1 =	rddreg [dreg:$0x1];
	p0 =	sne.s32 s2, $0x0  }
0x1a4: {  	s3 =	rddreg [dreg:$0x2];
	[bflag:$0x3] =	sbarrier.arrive $0xFFFF;
	s2 =	simm.s32 @!p0 $0x1C04  }
0x1a5: {  	[timem:s3], [sflag:s2] =	dma.local @!p0 [hbm:s0], s1  }
0x1a6: {  	s0 =	simm.s32 @!p0 $0x4  }
0x1a7: {  	_ =	swait.ge @!p0 [sflag:s0], s1  }
0x1a8: {  	s1 =	ssub.s32 @!p0 $0x0, s1;
	[sflag:s0] =	ssyncset.done @!p0 $0x0  }
0x1a9: {  	[sflag:s0] =	ssyncadd.s32 @!p0 s1  }
0x1aa: {  	[bflag:$0x3] =	sbarrier.arrive $0xFFFF  }
0x1ab: {  	_ =	shalt  }

// kernel: kernel.9.cloned.1.call-start
scs
__scs_entry_jumppad:
0x0: {  	(pc) =	sbr.rel $0x88, $3  }
0x1: {  	(tag) =	ssettag $0x0;
	lr =	simm.s32 $0x1  }
0x2: {  	[smem:$0x3F97] =	sst lr;
	_ =	strace $0xD0000000  }
0x3: {  	_ = 	snop  }
0x4: {  	_ = 	snop  }
0x5: {  	_ = 	snop  }
0x6: {  	_ = 	snop  }
0x7: {  	_ = 	snop  }
__scs_overlays_trampoline_lowered:
0x8: {  	[smem:$0x3FA6] =	sst s0  }
0x9: {  	[smem:$0x3FA7] =	sst s1  }
0xa: {  	[smem:$0x3FA8] =	sst s2  }
0xb: {  	[smem:$0x3FA9] =	sst s3  }
0xc: {  	[smem:$0x3FAA] =	sst s4  }
0xd: {  	[smem:$0x3FAB] =	sst s5  }
0xe: {  	[smem:$0x3FAC] =	sst s6  }
0xf: {  	[smem:$0x3FAD] =	sst s7  }
0x10: {  	[smem:$0x3FAE] =	sst s8  }
0x11: {  	[smem:$0x3FAF] =	sst s9;
	s0 =	simm.s32 @!p0 $0x0  }
0x12: {  	s1 =	sld [smem:$0x3F95];
	s0 =	simm.s32 @p0 $0x1  }
0x13: {  	[smem:$0x3FB0] =	sst s0;
	s0 =	simm.s32 @!p1 $0x0  }
0x14: {  	s2 =	sld [smem:$0x3F94];
	s0 =	simm.s32 @p1 $0x1  }
0x15: {  	[smem:$0x3FB1] =	sst s0;
	s0 =	simm.s32 @!p2 $0x0  }
0x16: {  	s3 =	sld [smem:$0x3FDB];
	s0 =	simm.s32 @p2 $0x1  }
0x17: {  	s4 =	simm.s32 $0x1BF5;
	[smem:$0x3FB3] =	sst s0  }
0x18: {  	s0 =	sld [smem:$0x3F96];
	_ =	swait.ge [sflag:s4], $0x0  }
0x19: {  	s7 =	sld [smem:$0x3F97]  }
0x1a: {  	s8 =	sadd.s32 $0xFFFFE003, lr  }
0x1b: {  	s9 =	sadd.s32 $0xFFFFFEF7, lr;
	s5 =	simm.s32 $0xFFFFFFFF;
	p2 =	slt.u32 s8, $0xFFFFF086  }
0x1c: {  	p1 =	slt.u32 s9, $0xF7A;
	s5 =	simm.s32 @!p2 $0x0  }
0x1d: {  	s5 =	simm.s32 @p1 $0x1;
	p0 =	seq.s32 s7, s2  }
0x1e: {  	s7 =	smul.u32 @!p0 $0xF7A, s2;
	p2 =	seq.s32 @!p0 s5, $0x0  }
0x1f: {  	s9 =	smul.u32 $0xF7A, s1;
	s8 =	simm.s32 @!p0 $0x1BF5;
	p2 =	por !p2, p0  }
0x20: {  	[sflag:s8] =	ssyncset.s32 @!p0 $0xFFFFF086;
	s6 =	sadd.s32 @!p0 s3, s7;
	s7 =	simm.s32 @!p0 $0x108  }
0x21: {  	s3 =	sadd.s32 s3, s9;
	s6 =	sadd.s32 @!p0 $0x88, s6;
	s7 =	simm.s32 @p2 $0x1082  }
0x22: {  	[simem:s7], [sflag:s8] =	dma.local @!p0 [hbm:s6], $0xF7A  }
0x23: {  	s9 =	sor.u32 $0xD0000000, s2;
	s6 =	simm.s32 $0x108;
	_ =	swait.ge @!p0 [sflag:s8], $0x0  }
0x24: {  	s3 =	sadd.s32 $0x88, s3;
	s6 =	simm.s32 @!p1 $0x1082;
	[sflag:s4] =	ssyncset.s32 $0xFFFFF086  }
0x25: {  	[simem:s6], [sflag:s4] =	dma.local [hbm:s3], $0xF7A  }
0x26: {  	[smem:$0x3F97] =	sst s1;
	(tag) =	ssettag s2;
	_ =	strace s9  }
0x27: {  	s1 =	sld [smem:$0x3FA7]  }
0x28: {  	s2 =	sld [smem:$0x3FA8]  }
0x29: {  	s4 =	sld [smem:$0x3FAA]  }
0x2a: {  	p0 =	seq.s32 s5, $0x0;
	s5 =	sld [smem:$0x3FAB]  }
0x2b: {  	s6 =	sld [smem:$0x3FAC]  }
0x2c: {  	s7 =	sld [smem:$0x3FAD]  }
0x2d: {  	s3 =	simm.s32 $0x108;
	s8 =	sld [smem:$0x3FAE]  }
0x2e: {  	s3 =	simm.s32 @!p0 $0x1082;
	s9 =	sld [smem:$0x3FAF]  }
0x2f: {  	lr =	sadd.s32 s0, s3;
	s0 =	sld [smem:$0x3FA6]  }
0x30: {  	s3 =	sld [smem:$0x3FA9]  }
0x31: {  	[smem:$0x3FB2] =	sst s10  }
0x32: {  	s10 =	sld [smem:$0x3FB0];
	_ =	sdelay $0x3  }
0x33: {  	p0 =	seq.s32 s10, $0x1;
	s10 =	sld [smem:$0x3FB2];
	_ =	sdelay $0x3  }
0x34: {  	[smem:$0x3FB2] =	sst s10  }
0x35: {  	s10 =	sld [smem:$0x3FB1];
	_ =	sdelay $0x3  }
0x36: {  	p1 =	seq.s32 s10, $0x1;
	s10 =	sld [smem:$0x3FB2];
	_ =	sdelay $0x3  }
0x37: {  	[smem:$0x3FB2] =	sst s10  }
0x38: {  	s10 =	sld [smem:$0x3FB3]  }
0x39: {  	_ = 	snop;
	(pc) =	sbr.ind lr, $3  }
0x3a: {  	_ = 	snop  }
0x3b: {  	_ = 	snop  }
0x3c: {  	p2 =	seq.s32 s10, $0x1;
	s10 =	sld [smem:$0x3FB2]  }
0x3d: {  	_ =	shalt  }
0x3e: {  	_ =	shalt  }
0x3f: {  	_ =	shalt  }
0x40: {  	_ =	shalt  }
0x41: {  	_ =	shalt  }
0x42: {  	_ =	shalt  }
0x43: {  	_ =	shalt  }
0x44: {  	_ =	shalt  }
0x45: {  	_ =	shalt  }
0x46: {  	_ =	shalt  }
0x47: {  	_ =	shalt  }
0x48: {  	_ =	shalt  }
0x49: {  	_ =	shalt  }
0x4a: {  	_ =	shalt  }
0x4b: {  	_ =	shalt  }
0x4c: {  	_ =	shalt  }
0x4d: {  	_ =	shalt  }
0x4e: {  	_ =	shalt  }
0x4f: {  	_ =	shalt  }
0x50: {  	_ =	shalt  }
0x51: {  	_ =	shalt  }
0x52: {  	_ =	shalt  }
0x53: {  	_ =	shalt  }
0x54: {  	_ =	shalt  }
0x55: {  	_ =	shalt  }
0x56: {  	_ =	shalt  }
0x57: {  	_ =	shalt  }
0x58: {  	_ =	shalt  }
0x59: {  	_ =	shalt  }
0x5a: {  	_ =	shalt  }
0x5b: {  	_ =	shalt  }
0x5c: {  	_ =	shalt  }
0x5d: {  	_ =	shalt  }
0x5e: {  	_ =	shalt  }
0x5f: {  	_ =	shalt  }
0x60: {  	_ =	shalt  }
0x61: {  	_ =	shalt  }
0x62: {  	_ =	shalt  }
0x63: {  	_ =	shalt  }
0x64: {  	_ =	shalt  }
0x65: {  	_ =	shalt  }
0x66: {  	_ =	shalt  }
0x67: {  	_ =	shalt  }
0x68: {  	_ =	shalt  }
0x69: {  	_ =	shalt  }
0x6a: {  	_ =	shalt  }
0x6b: {  	_ =	shalt  }
0x6c: {  	_ =	shalt  }
0x6d: {  	_ =	shalt  }
0x6e: {  	_ =	shalt  }
0x6f: {  	_ =	shalt  }
0x70: {  	_ =	shalt  }
0x71: {  	_ =	shalt  }
0x72: {  	_ =	shalt  }
0x73: {  	_ =	shalt  }
0x74: {  	_ =	shalt  }
0x75: {  	_ =	shalt  }
0x76: {  	_ =	shalt  }
0x77: {  	_ =	shalt  }
0x78: {  	_ =	shalt  }
0x79: {  	_ =	shalt  }
0x7a: {  	_ =	shalt  }
0x7b: {  	_ =	shalt  }
0x7c: {  	_ =	shalt  }
0x7d: {  	_ =	shalt  }
0x7e: {  	_ =	shalt  }
0x7f: {  	_ =	shalt  }
0x80: {  	_ =	shalt  }
0x81: {  	_ =	shalt  }
0x82: {  	_ =	shalt  }
0x83: {  	_ =	shalt  }
0x84: {  	_ =	shalt  }
0x85: {  	_ =	shalt  }
0x86: {  	_ =	shalt  }
0x87: {  	_ =	shalt  }
.Lfunc_end0:
.L_simem_size_0:
called_computation.1_lowered:
.L_overlay_start_0:
0x88: {  	s2 =	sld [smem:$0x3FD9]  }
0x89: {  	s3 =	sld [smem:$0x3FFE];
	_ =	sdelay $0x1  }
0x8a: {  	s1 =	srdreg.scid  }
0x8b: {  	s0 =	sand.u32 $0x1, s1  }
0x8c: {  	s16 =	sshll.u32 s0, $0xA;
	s2 =	sadd.s32 s3, s2  }
0x8d: {  	s2 =	sadd.s32 s2, s16  }
0x8e: {  	[smem:$0x3FBE] =	sst s2  }
0x8f: {  	_ = 	snop  }
0x90: {  	(tm) =	ssettm $0x1  }
0x91: {  	s17 =	sld [smem:$0x3FFB];
	_ =	sdelay $0x3  }
0x92: {  	_ =	strace s17  }
0x93: {  	s2 =	sld [smem:$0x3FFC];
	_ =	sdelay $0x3  }
0x94: {  	_ =	strace s2  }
0x95: {  	s2 =	sld [smem:$0x3FFD];
	_ =	sdelay $0x3  }
0x96: {  	_ =	strace s2  }
0x97: {  	_ =	strace $0x8FFFFFFF  }
0x98: {  	s18 =	sld [smem:$0x3FDB];
	_ =	sdelay $0x1  }
0x99: {  	s19 =	simm.s32 $_scs_section_size  }
0x9a: {  	s4 =	simm.s32 $_size__tile_overlayer_lowered;
	s5 =	simm.s32 $_tile_overlayer_lowered  }
0x9b: {  	s22 =	simm.s32 $0x1BFF;
	s21 =	sshll.u32 s5, $0x1;
	s2 =	sadd.s32 s19, s18  }
0x9c: {  	s6 =	simm.s32 $0x0;
	s20 =	sshll.u32 s4, $0x1;
	s4 =	sadd.s32 s21, s2  }
0x9d: {  	[timem:s6], [sflag:s22] =	dma.local [hbm:s4], s20  }
0x9e: {  	_ =	swait.ge [sflag:s22], s20  }
0x9f: {  	s3 =	ssub.s32 $0x0, s20;
	[sflag:s22] =	ssyncset.done $0x0  }
0xa0: {  	[sflag:s22] =	ssyncadd.s32 s3;
	_ =	sdelay $0x1  }
0xa1: {  	s23 =	simm.s32 $0x1B8B  }
0xa2: {  	_ =	swait.ge [sflag:s23], $0x1  }
0xa3: {  	[sflag:s23] =	ssyncset.done $0x0  }
0xa4: {  	s25 =	simm.s32 $0x1B8E;
	s24 =	sld [smem:$0x3FFE];
	[sflag:s23] =	ssyncadd.s32 $0xFFFFFFFF  }
0xa5: {  	s26 =	simm.s32 $execute0_lowered;
	[smem:$0x3FD2] =	sst s25  }
0xa6: {  	s4 =	sshll.u32 s26, $0x1;
	_ =	strace $0x80000049;
	[dreg:$0x1] =	wrdreg $0xFFFFFFFF  }
0xa7: {  	s28 =	simm.s32 $_size_execute0_lowered;
	s2 =	sadd.s32 s2, s4;
	[dreg:$0x0] =	wrdreg $0x0  }
0xa8: {  	s4 =	sshll.u32 s28, $0x1;
	[dreg:$0x2] =	wrdreg s2  }
0xa9: {  	[dreg:$0x3] =	wrdreg s4  }
0xaa: {  	[dreg:$0x4] =	wrdreg $0xC0  }
0xab: {  	_ =	task [dreg:s6], $0x5FFFF  }
0xac: {  	[dreg:$0x1] =	wrdreg $0xFFFFFFFF  }
0xad: {  	[dreg:$0x0] =	wrdreg $0x60  }
0xae: {  	[dreg:$0x2] =	wrdreg s24  }
0xaf: {  	[dreg:$0x3] =	wrdreg $0x48000  }
0xb0: {  	[dreg:$0x4] =	wrdreg $0x9  }
0xb1: {  	_ =	task.clear_ibuf [dreg:s6], $0x5FFFF;
	_ =	strace $0x90000049  }
0xb2: {  	s29 =	simm.s32 $0x9;
	_ =	strace $0x8000004B  }
0xb3: {  	_ =	swait.ge [sflag:s29], $0x1  }
0xb4: {  	[sflag:s29] =	ssyncadd.s32 $0xFFFFFFFF  }
0xb5: {  	_ =	strace $0x9000004B  }
0xb6: {  	_ =	sfence  }
0xb7: {  	s30 =	sld [smem:$0x0];
	_ =	sdelay $0x2  }
0xb8: {  	s31 =	sshll.u32 s1, $0xD;
	s1 =	sshrl.u32 s1, $0x2  }
0xb9: {  	s3 =	sand.u32 $0x4000, s31;
	s1 =	sadd.s32 s1, s30  }
0xba: {  	s0 =	sor.u32 s3, s0;
	s1 =	sshll.u32 s1, $0x11  }
0xbb: {  	s0 =	sor.u32 s1, s0  }
0xbc: {  	s0 =	sadd.s32 $0x8F2B, s0  }
0xbd: {  	[sflag:s0] =	ssyncadd.remote.s32 $0x1  }
0xbe: {  	_ =	sfence.sel $0xFFFF  }
0xbf: {  	[dreg:$0x0] =	wrdreg $0xFFFFFFFF;
	(pc) =	sbr.abs _section_cstart, $3  }
0xc0: {  	[dreg:$0x1] =	wrdreg $0xFFFFFFFF  }
0xc1: {  	_ =	task.clear_ibuf [dreg:s6], $0x2FFFF;
	_ =	strace $0x9FFFFFFF  }
0xc2: {  	(tm) =	ssettm $0x7FFFFFFF  }
0xc3: {  	_ =	shalt  }
tec
execute0_lowered:
.L_overlay_start_1:
0x0: {  	(tag) =	ssettag $0x1  }
0x1: {  	s0 =	rddreg [dreg:$0x0]  }
0x2: {  	s2 =	rddreg [dreg:$0x1];
	s11 =	stileid.u32  }
0x3: {  	s4 =	srdreg.scid;
	s3 =	simm.s32 $0x0;
	s12 =	simm.s32 $0x480  }
0x4: {  	s13 =	simm.s32 $0x500;
	s14 =	simm.s32 $0x580;
	s15 =	simm.s32 $0x600  }
0x5: {  	s16 =	simm.s32 $0x680;
	s21 =	simm.s32 $0x100;
	s22 =	simm.s32 $0x180  }
0x6: {  	s23 =	simm.s32 $0x200;
	s24 =	simm.s32 $0x280;
	s25 =	simm.s32 $0x300  }
0x7: {  	s26 =	simm.s32 $0x380;
	s28 =	simm.s32 $0x4000;
	s29 =	simm.s32 $0x2  }
0x8: {  	s31 =	simm.s32 $0x3;
	s1 =	smul.u32 $0x3100, s11;
	[smem:$0x7FF] =	sst s3  }
0x9: {  	s5 =	sand.u32 $0x1, s4;
	_ =	strace $0x8000004A;
	[dreg:$0x5] =	wrdreg s21  }
0xa: {  	s6 =	smul.u32 $0x1880, s11;
	s4 =	sadd.s32 $0xC6800, s0;
	[dreg:$0x6] =	wrdreg s22  }
0xb: {  	s7 =	smul.u32 $0x18800, s11;
	s18 =	sshll.u32 s11, $0x6;
	[dreg:$0x7] =	wrdreg s23  }
0xc: {  	s11 =	simm.s32 $0x400;
	s30 =	smul.u32 $0x18800, s5;
	[dreg:$0x8] =	wrdreg s24  }
0xd: {  	s5 =	ssub.s32 $0x2, s5;
	s21 =	simm.s32 $0x1000;
	[dreg:$0x9] =	wrdreg s25  }
0xe: {  	s22 =	simm.s32 $0x1800;
	s23 =	simm.s32 $0x2000;
	[dreg:$0xa] =	wrdreg s26  }
0xf: {  	s24 =	simm.s32 $0x2800;
	s25 =	simm.s32 $0x3000;
	s26 =	simm.s32 $0x3800  }
0x10: {  	s1 =	sadd.s32 s1, s0;
	s8 =	sshrl.u32 s7, $0x3;
	s9 =	sshrl.u32 s5, $0x1  }
0x11: {  	s10 =	sadd.s32 s7, s2;
	s6 =	sadd.s32 s6, s30;
	s8 =	sadd.s32 s8, s0  }
0x12: {  	s9 =	ssub.s32 s5, s9;
	s19 =	sadd.s32 $0x64800, s1;
	s20 =	sadd.s32 $0x33800, s1  }
0x13: {  	v0 =	vmov s30;
	s30 =	simm.s32 $0x1;
	s6 =	sshll.u32 s6, $0x1;
	[dreg:$0x3] =	wrdreg s19  }
0x14: {  	s17 =	sadd.s32 $0x95800, s8;
	s8 =	smax.u32 s9, $0x1;
	[dreg:$0x4] =	wrdreg s20  }
0x15: {  	s9 =	sshrl.u32 s10, $0x3;
	s10 =	simm.s32 $0x4;
	s19 =	simm.s32 $0x80  }
0x16: {  	s20 =	simm.s32 $0x800;
	s0 =	sadd.s32 s6, s0;
	[dreg:$0xb] =	wrdreg s17  }
0x17: {  	s6 =	sor.u32 $0x1C04, s18;
	s17 =	simm.s32 $0x700;
	s0 =	sadd.s32 $0x128800, s0  }
0x18: {  	s18 =	simm.s32 $0x780;
	[dreg:$0xc] =	wrdreg s0;
	s0 =	simm.s32 $0x0  }
.LBB2_1:
0x19: {  	s1 =	rddreg [dreg:$0xb]  }
0x1a: {  	[spmem:s9], [sflag:s6] =	dma.local [hbm:s1], $0x3100  }
0x1b: {  	_ =	swait.ge [sflag:s10], $0x3100  }
0x1c: {  	[sflag:s10] =	ssyncset.done $0x0  }
0x1d: {  	[sflag:s10] =	ssyncadd.s32 $0xFFFFCF00  }
0x1e: {  	s1 =	simm.s32 $0x0;
	[bflag:$0x0] =	sbarrier.arrive $0xFFFF  }
.LBB2_2:
0x1f: {  	s5 =	rddreg [dreg:$0x4]  }
0x20: {  	s5 =	sadd.s32 s1, s5  }
0x21: {  	[tilespmem:s3], [sflag:$0x4] =	stream.linear.gather [hbm4b:s5+s3], $0x400, $0x38;
	[tilespmem:$0x1D000] =	vst v63  }
0x22: {  	_ =	swait.ge [sflag:s10], $0x400  }
0x23: {  	s7 =	rddreg [dreg:$0x3];
	[sflag:s10] =	ssyncset.done $0x0  }
0x24: {  	[sflag:s10] =	ssyncadd.s32 $0xFFFFFC00;
	s5 =	sadd.s32 s1, s7  }
0x25: {  	[tilespmem:s11], [sflag:$0x1] =	stream.linear.gather [hbm4b:s5+s3], $0x80, $0x38;
	[tilespmem:$0x1D000] =	vst v63  }
0x26: {  	s7 =	sadd.s32 $0x10, s5  }
0x27: {  	[tilespmem:s12], [sflag:$0x1] =	stream.linear.gather [hbm4b:s7+s3], $0x80, $0x38;
	[tilespmem:$0x1D000] =	vst v63  }
0x28: {  	s7 =	sadd.s32 $0x20, s5  }
0x29: {  	[tilespmem:s13], [sflag:$0x1] =	stream.linear.gather [hbm4b:s7+s3], $0x80, $0x38;
	[tilespmem:$0x1D000] =	vst v63  }
0x2a: {  	s7 =	sadd.s32 $0x30, s5  }
0x2b: {  	[tilespmem:s14], [sflag:$0x1] =	stream.linear.gather [hbm4b:s7+s3], $0x80, $0x38;
	[tilespmem:$0x1D000] =	vst v63  }
0x2c: {  	s7 =	sadd.s32 $0x40, s5  }
0x2d: {  	[tilespmem:s15], [sflag:$0x1] =	stream.linear.gather [hbm4b:s7+s3], $0x80, $0x38;
	[tilespmem:$0x1D000] =	vst v63  }
0x2e: {  	s7 =	sadd.s32 $0x50, s5  }
0x2f: {  	[tilespmem:s16], [sflag:$0x1] =	stream.linear.gather [hbm4b:s7+s3], $0x80, $0x38;
	[tilespmem:$0x1D000] =	vst v63  }
0x30: {  	s7 =	sadd.s32 $0x60, s5  }
0x31: {  	[tilespmem:s17], [sflag:$0x1] =	stream.linear.gather [hbm4b:s7+s3], $0x80, $0x38;
	[tilespmem:$0x1D000] =	vst v63  }
0x32: {  	s5 =	sadd.s32 $0x70, s5  }
0x33: {  	[tilespmem:s18], [sflag:$0x1] =	stream.linear.gather [hbm4b:s5+s3], $0x80, $0x38;
	[tilespmem:$0x1D000] =	vst v63  }
0x34: {  	v1 =	vld [tilespmem:$0x0]  }
0x35: {  	v2 =	vld [tilespmem:$0x10]  }
0x36: {  	v3 =	vld [tilespmem:$0x20]  }
0x37: {  	v4 =	vld [tilespmem:$0x30]  }
0x38: {  	v5 =	vld [tilespmem:$0x40]  }
0x39: {  	v6 =	vld [tilespmem:$0x50];
	v1 =	vadd.s32 v0, v1  }
0x3a: {  	[tilespmem:$0x0] =	vst v1;
	v1 =	vadd.s32 v0, v2;
	v2 =	vld [tilespmem:$0x60]  }
0x3b: {  	[tilespmem:$0x10] =	vst v1;
	v1 =	vadd.s32 v0, v3;
	v3 =	vld [tilespmem:$0x70]  }
0x3c: {  	v30 =	vld [tilespmem:$0x80];
	[tilespmem:$0x20] =	vst v1;
	v1 =	vadd.s32 v0, v4  }
0x3d: {  	v31 =	vld [tilespmem:$0x90];
	[tilespmem:$0x30] =	vst v1;
	v1 =	vadd.s32 v0, v5  }
0x3e: {  	v32 =	vld [tilespmem:$0xA0];
	[tilespmem:$0x40] =	vst v1;
	v1 =	vadd.s32 v0, v6  }
0x3f: {  	[tilespmem:$0x50] =	vst v1;
	v1 =	vadd.s32 v0, v2;
	v2 =	vld [tilespmem:$0xB0]  }
0x40: {  	[tilespmem:$0x60] =	vst v1;
	v1 =	vadd.s32 v0, v3;
	v3 =	vld [tilespmem:$0xC0]  }
0x41: {  	v33 =	vld [tilespmem:$0xD0];
	[tilespmem:$0x70] =	vst v1;
	v1 =	vadd.s32 v0, v30  }
0x42: {  	v34 =	vld [tilespmem:$0xE0];
	[tilespmem:$0x80] =	vst v1;
	v1 =	vadd.s32 v0, v31  }
0x43: {  	v35 =	vld [tilespmem:$0xF0];
	[tilespmem:$0x90] =	vst v1;
	v1 =	vadd.s32 v0, v32  }
0x44: {  	[tilespmem:$0xA0] =	vst v1;
	v1 =	vadd.s32 v0, v2;
	v2 =	vld [tilespmem:$0x100]  }
0x45: {  	[tilespmem:$0xB0] =	vst v1;
	v1 =	vadd.s32 v0, v3;
	v3 =	vld [tilespmem:$0x110]  }
0x46: {  	v36 =	vld [tilespmem:$0x120];
	[tilespmem:$0xC0] =	vst v1;
	v1 =	vadd.s32 v0, v33  }
0x47: {  	v37 =	vld [tilespmem:$0x130];
	[tilespmem:$0xD0] =	vst v1;
	v1 =	vadd.s32 v0, v34  }
0x48: {  	v38 =	vld [tilespmem:$0x140];
	[tilespmem:$0xE0] =	vst v1;
	v1 =	vadd.s32 v0, v35  }
0x49: {  	[tilespmem:$0xF0] =	vst v1;
	v1 =	vadd.s32 v0, v2;
	v2 =	vld [tilespmem:$0x150]  }
0x4a: {  	[tilespmem:$0x100] =	vst v1;
	v1 =	vadd.s32 v0, v3;
	v3 =	vld [tilespmem:$0x160]  }
0x4b: {  	v39 =	vld [tilespmem:$0x170];
	[tilespmem:$0x110] =	vst v1;
	v1 =	vadd.s32 v0, v36  }
0x4c: {  	v40 =	vld [tilespmem:$0x180];
	[tilespmem:$0x120] =	vst v1;
	v1 =	vadd.s32 v0, v37  }
0x4d: {  	v41 =	vld [tilespmem:$0x190];
	[tilespmem:$0x130] =	vst v1;
	v1 =	vadd.s32 v0, v38  }
0x4e: {  	[tilespmem:$0x140] =	vst v1;
	v1 =	vadd.s32 v0, v2;
	v2 =	vld [tilespmem:$0x1A0]  }
0x4f: {  	[tilespmem:$0x150] =	vst v1;
	v1 =	vadd.s32 v0, v3;
	v3 =	vld [tilespmem:$0x1B0]  }
0x50: {  	v42 =	vld [tilespmem:$0x1C0];
	[tilespmem:$0x160] =	vst v1;
	v1 =	vadd.s32 v0, v39  }
0x51: {  	v43 =	vld [tilespmem:$0x1D0];
	[tilespmem:$0x170] =	vst v1;
	v1 =	vadd.s32 v0, v40  }
0x52: {  	v44 =	vld [tilespmem:$0x1E0];
	[tilespmem:$0x180] =	vst v1;
	v1 =	vadd.s32 v0, v41  }
0x53: {  	[tilespmem:$0x190] =	vst v1;
	v1 =	vadd.s32 v0, v2;
	v2 =	vld [tilespmem:$0x1F0]  }
0x54: {  	[tilespmem:$0x1A0] =	vst v1;
	v1 =	vadd.s32 v0, v3;
	v3 =	vld [tilespmem:$0x200]  }
0x55: {  	v45 =	vld [tilespmem:$0x210];
	[tilespmem:$0x1B0] =	vst v1;
	v1 =	vadd.s32 v0, v42  }
0x56: {  	v46 =	vld [tilespmem:$0x220];
	[tilespmem:$0x1C0] =	vst v1;
	v1 =	vadd.s32 v0, v43  }
0x57: {  	v47 =	vld [tilespmem:$0x230];
	[tilespmem:$0x1D0] =	vst v1;
	v1 =	vadd.s32 v0, v44  }
0x58: {  	[tilespmem:$0x1E0] =	vst v1;
	v1 =	vadd.s32 v0, v2;
	v2 =	vld [tilespmem:$0x240]  }
0x59: {  	[tilespmem:$0x1F0] =	vst v1;
	v1 =	vadd.s32 v0, v3;
	v3 =	vld [tilespmem:$0x250]  }
0x5a: {  	v48 =	vld [tilespmem:$0x260];
	[tilespmem:$0x200] =	vst v1;
	v1 =	vadd.s32 v0, v45  }
0x5b: {  	v49 =	vld [tilespmem:$0x270];
	[tilespmem:$0x210] =	vst v1;
	v1 =	vadd.s32 v0, v46  }
0x5c: {  	v50 =	vld [tilespmem:$0x280];
	[tilespmem:$0x220] =	vst v1;
	v1 =	vadd.s32 v0, v47  }
0x5d: {  	[tilespmem:$0x230] =	vst v1;
	v1 =	vadd.s32 v0, v2;
	v2 =	vld [tilespmem:$0x290]  }
0x5e: {  	[tilespmem:$0x240] =	vst v1;
	v1 =	vadd.s32 v0, v3;
	v3 =	vld [tilespmem:$0x2A0]  }
0x5f: {  	v51 =	vld [tilespmem:$0x2B0];
	[tilespmem:$0x250] =	vst v1;
	v1 =	vadd.s32 v0, v48  }
0x60: {  	v52 =	vld [tilespmem:$0x2C0];
	[tilespmem:$0x260] =	vst v1;
	v1 =	vadd.s32 v0, v49  }
0x61: {  	v53 =	vld [tilespmem:$0x2D0];
	[tilespmem:$0x270] =	vst v1;
	v1 =	vadd.s32 v0, v50  }
0x62: {  	[tilespmem:$0x280] =	vst v1;
	v1 =	vadd.s32 v0, v2;
	v2 =	vld [tilespmem:$0x2E0]  }
0x63: {  	[tilespmem:$0x290] =	vst v1;
	v1 =	vadd.s32 v0, v3;
	v3 =	vld [tilespmem:$0x2F0]  }
0x64: {  	v54 =	vld [tilespmem:$0x300];
	[tilespmem:$0x2A0] =	vst v1;
	v1 =	vadd.s32 v0, v51  }
0x65: {  	v55 =	vld [tilespmem:$0x310];
	[tilespmem:$0x2B0] =	vst v1;
	v1 =	vadd.s32 v0, v52  }
0x66: {  	v56 =	vld [tilespmem:$0x320];
	[tilespmem:$0x2C0] =	vst v1;
	v1 =	vadd.s32 v0, v53  }
0x67: {  	[tilespmem:$0x2D0] =	vst v1;
	v1 =	vadd.s32 v0, v2;
	v2 =	vld [tilespmem:$0x330]  }
0x68: {  	[tilespmem:$0x2E0] =	vst v1;
	v1 =	vadd.s32 v0, v3;
	v3 =	vld [tilespmem:$0x340]  }
0x69: {  	v57 =	vld [tilespmem:$0x350];
	[tilespmem:$0x2F0] =	vst v1;
	v1 =	vadd.s32 v0, v54  }
0x6a: {  	v58 =	vld [tilespmem:$0x360];
	[tilespmem:$0x300] =	vst v1;
	v1 =	vadd.s32 v0, v55  }
0x6b: {  	v59 =	vld [tilespmem:$0x370];
	[tilespmem:$0x310] =	vst v1;
	v1 =	vadd.s32 v0, v56  }
0x6c: {  	[tilespmem:$0x320] =	vst v1;
	v1 =	vadd.s32 v0, v2;
	v2 =	vld [tilespmem:$0x380]  }
0x6d: {  	[tilespmem:$0x330] =	vst v1;
	v1 =	vadd.s32 v0, v3;
	v3 =	vld [tilespmem:$0x390]  }
0x6e: {  	v60 =	vld [tilespmem:$0x3A0];
	[tilespmem:$0x340] =	vst v1;
	v1 =	vadd.s32 v0, v57  }
0x6f: {  	v61 =	vld [tilespmem:$0x3B0];
	[tilespmem:$0x350] =	vst v1;
	v1 =	vadd.s32 v0, v58  }
0x70: {  	v62 =	vld [tilespmem:$0x3C0];
	[tilespmem:$0x360] =	vst v1;
	v1 =	vadd.s32 v0, v59  }
0x71: {  	[tilespmem:$0x370] =	vst v1;
	v1 =	vadd.s32 v0, v2;
	v2 =	vld [tilespmem:$0x3D0]  }
0x72: {  	[tilespmem:$0x380] =	vst v1;
	v1 =	vadd.s32 v0, v3;
	v3 =	vld [tilespmem:$0x3E0]  }
0x73: {  	v63 =	vld [tilespmem:$0x3F0];
	[tilespmem:$0x390] =	vst v1;
	v1 =	vadd.s32 v0, v60  }
0x74: {  	[tilespmem:$0x3A0] =	vst v1;
	v1 =	vadd.s32 v0, v61  }
0x75: {  	[tilespmem:$0x3B0] =	vst v1;
	v1 =	vadd.s32 v0, v62  }
0x76: {  	[tilespmem:$0x3C0] =	vst v1;
	v1 =	vadd.s32 v0, v2  }
0x77: {  	[tilespmem:$0x3D0] =	vst v1;
	v1 =	vadd.s32 v0, v3  }
0x78: {  	[tilespmem:$0x3E0] =	vst v1;
	v1 =	vadd.s32 v0, v63  }
0x79: {  	[tilespmem:$0x3F0] =	vst v1  }
0x7a: {  	[tilespmem:s20], [sflag:$0x2] =	stream.indirect.gather [hbm4b:s4+s19], $0x10, s3, s19, $0xb8;
	[tilespmem:$0x1D000] =	vst v63  }
0x7b: {  	_ = 	snop  }
0x7c: {  	[tilespmem:s21], [sflag:$0x2] =	stream.indirect.gather [hbm4b:s4+s19], $0x10, s19, s19, $0xb8;
	[tilespmem:$0x1D000] =	vst v63  }
0x7d: {  	s5 =	rddreg [dreg:$0x5]  }
0x7e: {  	[tilespmem:s22], [sflag:$0x2] =	stream.indirect.gather [hbm4b:s4+s19], $0x10, s5, s19, $0xb8;
	[tilespmem:$0x1D000] =	vst v63  }
0x7f: {  	s7 =	rddreg [dreg:$0x6]  }
0x80: {  	[tilespmem:s23], [sflag:$0x2] =	stream.indirect.gather [hbm4b:s4+s19], $0x10, s7, s19, $0xb8;
	[tilespmem:$0x1D000] =	vst v63  }
0x81: {  	s5 =	rddreg [dreg:$0x7]  }
0x82: {  	[tilespmem:s24], [sflag:$0x2] =	stream.indirect.gather [hbm4b:s4+s19], $0x10, s5, s19, $0xb8;
	[tilespmem:$0x1D000] =	vst v63  }
0x83: {  	s7 =	rddreg [dreg:$0x8]  }
0x84: {  	[tilespmem:s25], [sflag:$0x2] =	stream.indirect.gather [hbm4b:s4+s19], $0x10, s7, s19, $0xb8;
	[tilespmem:$0x1D000] =	vst v63  }
0x85: {  	s5 =	rddreg [dreg:$0x9]  }
0x86: {  	[tilespmem:s26], [sflag:$0x2] =	stream.indirect.gather [hbm4b:s4+s19], $0x10, s5, s19, $0xb8;
	[tilespmem:$0x1D000] =	vst v63  }
0x87: {  	s7 =	rddreg [dreg:$0xa]  }
0x88: {  	[tilespmem:s28], [sflag:$0x2] =	stream.indirect.gather [hbm4b:s4+s19], $0x10, s7, s19, $0xb8;
	[tilespmem:$0x1D000] =	vst v63  }
0x89: {  	_ =	swait.ge [sflag:s29], $0x800  }
0x8a: {  	[sflag:s29] =	ssyncset.done $0x0  }
0x8b: {  	[sflag:s29] =	ssyncadd.s32 $0xFFFFF800  }
0x8c: {  	_ =	swait.ge [sflag:s29], $0x800  }
0x8d: {  	[sflag:s29] =	ssyncset.done $0x0  }
0x8e: {  	[sflag:s29] =	ssyncadd.s32 $0xFFFFF800  }
0x8f: {  	_ =	swait.ge [sflag:s29], $0x800  }
0x90: {  	[sflag:s29] =	ssyncset.done $0x0  }
0x91: {  	[sflag:s29] =	ssyncadd.s32 $0xFFFFF800  }
0x92: {  	_ =	swait.ge [sflag:s29], $0x800  }
0x93: {  	[sflag:s29] =	ssyncset.done $0x0  }
0x94: {  	[sflag:s29] =	ssyncadd.s32 $0xFFFFF800  }
0x95: {  	_ =	swait.ge [sflag:s29], $0x800  }
0x96: {  	[sflag:s29] =	ssyncset.done $0x0  }
0x97: {  	[sflag:s29] =	ssyncadd.s32 $0xFFFFF800  }
0x98: {  	_ =	swait.ge [sflag:s29], $0x800  }
0x99: {  	[sflag:s29] =	ssyncset.done $0x0  }
0x9a: {  	[sflag:s29] =	ssyncadd.s32 $0xFFFFF800  }
0x9b: {  	_ =	swait.ge [sflag:s29], $0x800  }
0x9c: {  	[sflag:s29] =	ssyncset.done $0x0  }
0x9d: {  	[sflag:s29] =	ssyncadd.s32 $0xFFFFF800  }
0x9e: {  	_ =	swait.ge [sflag:s29], $0x800  }
0x9f: {  	[sflag:s29] =	ssyncset.done $0x0  }
0xa0: {  	[sflag:s29] =	ssyncadd.s32 $0xFFFFF800  }
0xa1: {  	_ =	swait.ge [sflag:s30], $0x80  }
0xa2: {  	[sflag:s30] =	ssyncset.done $0x0  }
0xa3: {  	[sflag:s30] =	ssyncadd.s32 $0xFFFFFF80  }
0xa4: {  	_ =	swait.ge [sflag:s30], $0x80  }
0xa5: {  	[sflag:s30] =	ssyncset.done $0x0  }
0xa6: {  	[sflag:s30] =	ssyncadd.s32 $0xFFFFFF80  }
0xa7: {  	_ =	swait.ge [sflag:s30], $0x80  }
0xa8: {  	[sflag:s30] =	ssyncset.done $0x0  }
0xa9: {  	[sflag:s30] =	ssyncadd.s32 $0xFFFFFF80  }
0xaa: {  	_ =	swait.ge [sflag:s30], $0x80  }
0xab: {  	[sflag:s30] =	ssyncset.done $0x0  }
0xac: {  	[sflag:s30] =	ssyncadd.s32 $0xFFFFFF80  }
0xad: {  	_ =	swait.ge [sflag:s30], $0x80  }
0xae: {  	[sflag:s30] =	ssyncset.done $0x0  }
0xaf: {  	[sflag:s30] =	ssyncadd.s32 $0xFFFFFF80  }
0xb0: {  	_ =	swait.ge [sflag:s30], $0x80  }
0xb1: {  	[sflag:s30] =	ssyncset.done $0x0  }
0xb2: {  	[sflag:s30] =	ssyncadd.s32 $0xFFFFFF80  }
0xb3: {  	_ =	swait.ge [sflag:s30], $0x80  }
0xb4: {  	[sflag:s30] =	ssyncset.done $0x0  }
0xb5: {  	[sflag:s30] =	ssyncadd.s32 $0xFFFFFF80  }
0xb6: {  	_ =	swait.ge [sflag:s30], $0x80  }
0xb7: {  	[sflag:s30] =	ssyncset.done $0x0  }
0xb8: {  	[sflag:s30] =	ssyncadd.s32 $0xFFFFFF80  }
0xb9: {  	[spmem:s2] =	stream.indirect.scatter.add.f32 [tilespmem:s20], [sflag:$0x3], $0x10, s11, s19, $0xb8;
	[tilespmem:$0x1D000] =	vst v63  }
0xba: {  	_ = 	snop  }
0xbb: {  	[spmem:s2] =	stream.indirect.scatter.add.f32 [tilespmem:s21], [sflag:$0x3], $0x10, s12, s19, $0xb8;
	[tilespmem:$0x1D000] =	vst v63  }
0xbc: {  	_ = 	snop  }
0xbd: {  	[spmem:s2] =	stream.indirect.scatter.add.f32 [tilespmem:s22], [sflag:$0x3], $0x10, s13, s19, $0xb8;
	[tilespmem:$0x1D000] =	vst v63  }
0xbe: {  	_ = 	snop  }
0xbf: {  	[spmem:s2] =	stream.indirect.scatter.add.f32 [tilespmem:s23], [sflag:$0x3], $0x10, s14, s19, $0xb8;
	[tilespmem:$0x1D000] =	vst v63  }
0xc0: {  	_ = 	snop  }
0xc1: {  	[spmem:s2] =	stream.indirect.scatter.add.f32 [tilespmem:s24], [sflag:$0x3], $0x10, s15, s19, $0xb8;
	[tilespmem:$0x1D000] =	vst v63  }
0xc2: {  	_ = 	snop  }
0xc3: {  	[spmem:s2] =	stream.indirect.scatter.add.f32 [tilespmem:s25], [sflag:$0x3], $0x10, s16, s19, $0xb8;
	[tilespmem:$0x1D000] =	vst v63  }
0xc4: {  	_ = 	snop  }
0xc5: {  	[spmem:s2] =	stream.indirect.scatter.add.f32 [tilespmem:s26], [sflag:$0x3], $0x10, s17, s19, $0xb8;
	[tilespmem:$0x1D000] =	vst v63  }
0xc6: {  	_ = 	snop  }
0xc7: {  	[spmem:s2] =	stream.indirect.scatter.add.f32 [tilespmem:s28], [sflag:$0x3], $0x10, s18, s19, $0xb8;
	[tilespmem:$0x1D000] =	vst v63  }
0xc8: {  	_ =	swait.ge [sflag:s31], $0x800  }
0xc9: {  	[sflag:s31] =	ssyncset.done $0x0  }
0xca: {  	[sflag:s31] =	ssyncadd.s32 $0xFFFFF800  }
0xcb: {  	_ =	swait.ge [sflag:s31], $0x800  }
0xcc: {  	[sflag:s31] =	ssyncset.done $0x0  }
0xcd: {  	[sflag:s31] =	ssyncadd.s32 $0xFFFFF800  }
0xce: {  	_ =	swait.ge [sflag:s31], $0x800  }
0xcf: {  	[sflag:s31] =	ssyncset.done $0x0  }
0xd0: {  	[sflag:s31] =	ssyncadd.s32 $0xFFFFF800  }
0xd1: {  	_ =	swait.ge [sflag:s31], $0x800  }
0xd2: {  	[sflag:s31] =	ssyncset.done $0x0  }
0xd3: {  	[sflag:s31] =	ssyncadd.s32 $0xFFFFF800  }
0xd4: {  	_ =	swait.ge [sflag:s31], $0x800  }
0xd5: {  	[sflag:s31] =	ssyncset.done $0x0  }
0xd6: {  	[sflag:s31] =	ssyncadd.s32 $0xFFFFF800  }
0xd7: {  	_ =	swait.ge [sflag:s31], $0x800  }
0xd8: {  	[sflag:s31] =	ssyncset.done $0x0  }
0xd9: {  	[sflag:s31] =	ssyncadd.s32 $0xFFFFF800  }
0xda: {  	p0 =	sne.s32 s1, $0x3080;
	_ =	swait.ge [sflag:s31], $0x800  }
.Ltmp0:
0xdb: {  	[sflag:s31] =	ssyncset.done $0x0;
	(pc) =	sbr.rel @p0 .LBB2_2-.Ltmp0, $4  }
0xdc: {  	[sflag:s31] =	ssyncadd.s32 $0xFFFFF800  }
0xdd: {  	_ =	swait.ge [sflag:s31], $0x800  }
0xde: {  	[sflag:s31] =	ssyncset.done $0x0  }
0xdf: {  	s1 =	sadd.s32 $0x80, s1;
	[sflag:s31] =	ssyncadd.s32 $0xFFFFF800  }
0xe0: {  	s0 =	sadd.s32 $0x1, s0  }
0xe1: {  	[bflag:$0x0] =	sbarrier.arrive $0xFFFF;
	p0 =	sne.s32 s0, s8  }
.Ltmp1:
0xe2: {  	s1 =	rddreg [dreg:$0xc];
	(pc) =	sbr.rel @p0 .LBB2_1-.Ltmp1, $4  }
0xe3: {  	[hbm:s1], [sflag:s6] =	dma.local [spmem:s9], $0x3100  }
0xe4: {  	_ =	swait.ge [sflag:s10], $0x3100  }
0xe5: {  	[sflag:s10] =	ssyncset.done $0x0  }
0xe6: {  	[sflag:s10] =	ssyncadd.s32 $0xFFFFCF00  }
0xe7: {  	_ =	sfence.sel $0x180000  }
0xe8: {  	[bflag:$0x0] =	sbarrier.arrive $0xFFFF  }
0xe9: {  	_ =	strace $0x9000004A  }
0xea: {  	s0 =	stileid.u32;
	[bflag:$0x2] =	sbarrier.arrive $0xFFFF  }
0xeb: {  	p0 =	sne.s32 s0, $0x0;
	s0 =	rddreg [dreg:$0x2]  }
0xec: {  	s0 =	sadd.s32 @!p0 $0x100000, s0  }
0xed: {  	[sflag:s0] =	ssyncadd.tile.s32 @!p0 $0x1;
	_ =	shalt  }
.Lfunc_end2:
_tile_overlayer_lowered:
.L_overlay_start_2:
0xee: {  	(tag) =	ssettag $0x2  }
0xef: {  	s0 =	rddreg [dreg:$0x0];
	s2 =	stileid.u32  }
0xf0: {  	s1 =	rddreg [dreg:$0x1];
	p0 =	sne.s32 s2, $0x0  }
0xf1: {  	s3 =	rddreg [dreg:$0x2];
	[bflag:$0x3] =	sbarrier.arrive $0xFFFF;
	s2 =	simm.s32 @!p0 $0x1C04  }
0xf2: {  	[timem:s3], [sflag:s2] =	dma.local @!p0 [hbm:s0], s1  }
0xf3: {  	s0 =	simm.s32 @!p0 $0x4  }
0xf4: {  	_ =	swait.ge @!p0 [sflag:s0], s1  }
0xf5: {  	s1 =	ssub.s32 @!p0 $0x0, s1;
	[sflag:s0] =	ssyncset.done @!p0 $0x0  }
0xf6: {  	[sflag:s0] =	ssyncadd.s32 @!p0 s1  }
0xf7: {  	[bflag:$0x3] =	sbarrier.arrive $0xFFFF  }
0xf8: {  	_ =	shalt  }

</sc_bundles>
